<compile_context>
chip_gen: v7x
topology: tpu7x:2x2x1
jax: 0.10.2.dev20260603
libtpu: 0.0.44.dev20260713+nightly
codegen_flags: <defaults>
</compile_context>

<pallas_src>
import functools

import jax
import jax.numpy as jnp
from jax import lax
from jax.experimental import pallas as pl
from jax.experimental.pallas import tpu as pltpu
from jax.experimental.pallas import tpu_sc as plsc

NC = 2
NS = 16
NW = NC * NS
L = 16


def _rsqrt(x):
    i = plsc.bitcast(x, jnp.int32)
    i = jnp.int32(0x5F3759DF) - lax.shift_right_arithmetic(i, 1)
    y = plsc.bitcast(i, jnp.float32)
    for _ in range(3):
        y = y * (jnp.float32(1.5) - jnp.float32(0.5) * x * y * y)
    return y


def _sqrt(x):
    return x * _rsqrt(x)


def _log(z):
    zi = plsc.bitcast(z, jnp.int32)
    ex = lax.shift_right_arithmetic(zi, 23) - jnp.int32(127)
    mi = (zi & jnp.int32(0x007FFFFF)) | jnp.int32(0x3F800000)
    m = plsc.bitcast(mi, jnp.float32)
    big = m > jnp.float32(1.4142135)
    m = jnp.where(big, m * jnp.float32(0.5), m)
    ex = ex + jnp.where(big, jnp.int32(1), jnp.int32(0))
    s = (m - jnp.float32(1.0)) / (m + jnp.float32(1.0))
    s2 = s * s
    p = s2 * jnp.float32(1.0 / 9.0)
    for c in (1.0 / 7.0, 1.0 / 5.0, 1.0 / 3.0, 1.0):
        p = s2 * p + jnp.float32(c)
    p = jnp.float32(2.0) * s * p
    return ex.astype(jnp.float32) * jnp.float32(0.6931471805599453) + p


def _make_sc_kernel(N, D, B):
    assert D == 64 and B % NW == 0
    bpw = B // NW
    ngrp = bpw // L
    nch = bpw // 128
    dh = D // 2
    mesh = plsc.VectorSubcoreMesh(core_axis_name="c", subcore_axis_name="s",
                                  num_cores=NC, num_subcores=NS)

    @functools.partial(
        pl.kernel,
        mesh=mesh,
        out_type=jax.ShapeDtypeStruct((B,), jnp.float32),
        compiler_params=pltpu.CompilerParams(needs_layout_passes=False,
                                             use_tc_tiling_on_sc=False),
        scratch_types=[
            pltpu.VMEM((dh, L), jnp.float32),
            pltpu.VMEM((dh, L), jnp.float32),
            pltpu.VMEM((bpw,), jnp.int32),
            pltpu.VMEM((bpw,), jnp.int32),
            pltpu.VMEM((bpw,), jnp.int32),
            pltpu.VMEM((bpw,), jnp.int32),
            pltpu.VMEM((bpw, D), jnp.float32),
            pltpu.VMEM((bpw, D), jnp.float32),
            pltpu.VMEM((bpw,), jnp.float32),
            pltpu.VMEM((bpw,), jnp.float32),
            pltpu.VMEM((bpw,), jnp.float32),
            pltpu.VMEM((bpw,), jnp.float32),
            pltpu.SemaphoreType.DMA,
        ],
    )
    def sc_kernel(cb_hbm, sb_hbm, uidx_hbm, vidx_hbm, uidx2_hbm, vidx2_hbm,
                  w_hbm, eucl_hbm, bias_hbm, out_hbm, cb_v, sb_v, uidx_v,
                  vidx_v, uidx2_v, vidx2_v, rows_u, rows_v, w_v, bu_v, bv_v,
                  out_v, sem):
        wid = lax.axis_index("s") * NC + lax.axis_index("c")
        base = wid * bpw
        pltpu.sync_copy(cb_hbm, cb_v)
        pltpu.sync_copy(sb_hbm, sb_v)
        pltpu.sync_copy(uidx_hbm.at[pl.ds(base, bpw)], uidx_v)
        pltpu.sync_copy(vidx_hbm.at[pl.ds(base, bpw)], vidx_v)
        pltpu.sync_copy(uidx2_hbm.at[pl.ds(base, bpw)], uidx2_v)
        pltpu.sync_copy(vidx2_hbm.at[pl.ds(base, bpw)], vidx2_v)
        pltpu.sync_copy(w_hbm.at[pl.ds(base, bpw)], w_v)
        cps = []
        for k in range(nch):
            sl = pl.ds(k * 128, 128)
            cps.append(pltpu.async_copy(
                eucl_hbm.at[uidx2_v.at[sl]], rows_u.at[sl], sem))
            cps.append(pltpu.async_copy(
                eucl_hbm.at[vidx2_v.at[sl]], rows_v.at[sl], sem))
            cps.append(pltpu.async_copy(
                bias_hbm.at[uidx_v.at[sl]], bu_v.at[sl], sem))
            cps.append(pltpu.async_copy(
                bias_hbm.at[vidx_v.at[sl]], bv_v.at[sl], sem))
        for cp in cps:
            cp.wait()

        def group(g, carry):
            p0 = g * L
            idx_p = p0 + lax.iota(jnp.int32, L)
            nu = jnp.zeros((L,), jnp.float32)
            nv = jnp.zeros((L,), jnp.float32)
            dot = jnp.zeros((L,), jnp.float32)
            for j in range(dh):
                de = jnp.full((L,), 2 * j, jnp.int32)
                do = jnp.full((L,), 2 * j + 1, jnp.int32)
                ue = plsc.load_gather(rows_u, [idx_p, de])
                uo = plsc.load_gather(rows_u, [idx_p, do])
                ve = plsc.load_gather(rows_v, [idx_p, de])
                vo = plsc.load_gather(rows_v, [idx_p, do])
                cj = cb_v[j, :]
                sj = sb_v[j, :]
                nu = nu + (ue * ue + uo * uo)
                nv = nv + (ve * ve + vo * vo)
                dot = dot + cj * (ue * ve + uo * vo) + sj * (uo * ve - ue * vo)
            x0u = _sqrt(jnp.float32(1.0) + nu)
            x0v = _sqrt(jnp.float32(1.0) + nv)
            minner = x0u * x0v - dot
            arg = jnp.maximum(minner, jnp.float32(1.0 + 1e-7))
            e = arg - jnp.float32(1.0)
            t = e + _sqrt(e * (e + jnp.float32(2.0)))
            d = _log(jnp.float32(1.0) + t)
            wv = w_v[pl.ds(p0, L)]
            out_v[pl.ds(p0, L)] = (-wv * d * d + bu_v[pl.ds(p0, L)]
                                   + bv_v[pl.ds(p0, L)])
            return carry

        lax.fori_loop(0, ngrp, group, 0)
        pltpu.sync_copy(out_v, out_hbm.at[pl.ds(base, bpw)])

    return sc_kernel


def kernel(u_idx, v_idx, w_uv, theta_src, theta_dst, eucl, bias):
    N, D = eucl.shape
    B = u_idx.shape[0]
    phi = theta_dst - theta_src
    cb = jnp.broadcast_to(jnp.cos(phi)[:, None], (D // 2, L))
    sb = jnp.broadcast_to(jnp.sin(phi)[:, None], (D // 2, L))
    nq = 4
    qn = N // nq
    eucl2 = jnp.concatenate(
        [jnp.pad(eucl[q * qn:(q + 1) * qn], ((0, 0), (0, 128 - D)))
         .reshape(2 * qn, D) for q in range(nq)], axis=0)
    ui = u_idx.astype(jnp.int32)
    vi = v_idx.astype(jnp.int32)
    sc = _make_sc_kernel(N, D, B)
    return sc(cb.astype(jnp.float32), sb.astype(jnp.float32),
              ui, vi, ui * 2, vi * 2, w_uv, eucl2, bias)

# --- scband reference (transcript-rebuilt; emitter-appended) ---
"""Pipeline reference for scband-himmodel-46969762349388 (READ-ONLY COPY).

The authoritative reference and input builder live on the scoring server;
editing this copy changes nothing except your own understanding.
"""

import jax, jax.numpy as jnp
import numpy as np

GAMMA = 1.0

def project_to_lorentz(x, gamma=1.0):
    # x: [..., dim] Euclidean -> [..., dim+1] Lorentz (hyperboloid model)
    x0 = jnp.sqrt(gamma + jnp.sum(x * x, axis=-1, keepdims=True))
    return jnp.concatenate([x0, x], axis=-1)

def rotate(x, theta):
    # x: [..., dim+1] Lorentz point; apply block-diagonal 2x2 rotations to the
    # spatial part (time coordinate is left unchanged). theta: [dim//2]
    t = x[..., :1]
    s = x[..., 1:]
    shp = s.shape
    s2 = s.reshape(shp[:-1] + (shp[-1] // 2, 2))
    c = jnp.cos(theta)
    si = jnp.sin(theta)
    a = s2[..., 0]
    b = s2[..., 1]
    ra = c * a - si * b
    rb = si * a + c * b
    rot = jnp.stack([ra, rb], axis=-1).reshape(shp)
    return jnp.concatenate([t, rot], axis=-1)

def lorentz_inner(x, y):
    return -x[..., 0] * y[..., 0] + jnp.sum(x[..., 1:] * y[..., 1:], axis=-1)

def lorentz_distance2(x, y, gamma=1.0):
    inner = lorentz_inner(x, y)
    arg = jnp.maximum(-inner / gamma, 1.0 + 1e-7)
    d = jnp.sqrt(gamma) * jnp.arccosh(arg)
    return (d * d)[..., None]

def setup_inputs(seed: int = 0) -> dict:
    key = jax.random.key(seed)
    ks = jax.random.split(key, 6)
    N, D, B = 1000000, 64, 16384
    u_idx = jax.random.randint(ks[0], (B,), 0, N, dtype=jnp.int64 if jax.config.jax_enable_x64 else jnp.int32)
    v_idx = jax.random.randint(ks[1], (B,), 0, N, dtype=jnp.int64 if jax.config.jax_enable_x64 else jnp.int32)
    w_uv = jax.random.uniform(ks[2], (B,), dtype=jnp.float32)
    theta_src = jax.random.normal(ks[3], (D // 2,), dtype=jnp.float32)
    theta_dst = jax.random.normal(ks[4], (D // 2,), dtype=jnp.float32)
    eucl = jax.random.normal(ks[5], (N, D), dtype=jnp.float32) * 0.01
    bias = jnp.zeros((N,), dtype=jnp.float32)
    return {"u_idx": u_idx, "v_idx": v_idx, "w_uv": w_uv, "theta_src": theta_src, "theta_dst": theta_dst, "eucl": eucl, "bias": bias}

def reference(u_idx, v_idx, w_uv, theta_src, theta_dst, eucl, bias):
    # HIMModel._edge_score: gather embeddings, project to Lorentz, rotate,
    # squared Lorentz distance, bias terms. (Gather-then-project is
    # elementwise-identical to project-then-gather.)
    x_u = project_to_lorentz(jnp.take(eucl, u_idx, axis=0), GAMMA)
    x_v = project_to_lorentz(jnp.take(eucl, v_idx, axis=0), GAMMA)
    xSu = rotate(x_u, theta_src)
    xTv = rotate(x_v, theta_dst)
    d2 = lorentz_distance2(xSu, xTv, GAMMA)[..., 0]
    b_u = jnp.take(bias, u_idx, axis=0)
    b_v = jnp.take(bias, v_idx, axis=0)
    return -w_uv * d2 + b_u + b_v

if __name__ == "__main__":
    import jax
    _d = setup_inputs()
    print(jax.jit(kernel)(*tuple(_d.values())))

</pallas_src>

<mosaic_0001>
#map = affine_map<(d0, d1) -> (0, 0)>
#map1 = affine_map<(d0, d1) -> (0)>
module attributes {stable_mosaic.version = 14 : i64} {
  func.func @sc_kernel(%arg0: i32, %arg1: i32, %arg2: memref<32x16xf32, #tpu.memory_space<hbm>>, %arg3: memref<32x16xf32, #tpu.memory_space<hbm>>, %arg4: memref<16384xi32, #tpu.memory_space<hbm>>, %arg5: memref<16384xi32, #tpu.memory_space<hbm>>, %arg6: memref<16384xi32, #tpu.memory_space<hbm>>, %arg7: memref<16384xi32, #tpu.memory_space<hbm>>, %arg8: memref<16384xf32, #tpu.memory_space<hbm>>, %arg9: memref<2000000x64xf32, #tpu.memory_space<hbm>>, %arg10: memref<1000000xf32, #tpu.memory_space<hbm>>, %arg11: memref<16384xf32, #tpu.memory_space<hbm>>, %arg12: memref<32x16xf32, #tpu.memory_space<vmem>>, %arg13: memref<32x16xf32, #tpu.memory_space<vmem>>, %arg14: memref<512xi32, #tpu.memory_space<vmem>>, %arg15: memref<512xi32, #tpu.memory_space<vmem>>, %arg16: memref<512xi32, #tpu.memory_space<vmem>>, %arg17: memref<512xi32, #tpu.memory_space<vmem>>, %arg18: memref<512x64xf32, #tpu.memory_space<vmem>>, %arg19: memref<512x64xf32, #tpu.memory_space<vmem>>, %arg20: memref<512xf32, #tpu.memory_space<vmem>>, %arg21: memref<512xf32, #tpu.memory_space<vmem>>, %arg22: memref<512xf32, #tpu.memory_space<vmem>>, %arg23: memref<512xf32, #tpu.memory_space<vmem>>, %arg24: memref<!tpu.dma_semaphore, #tpu.memory_space<semaphore_mem>>) attributes {dimension_semantics = [#tpu.dimension_semantics<core_parallel>, #tpu.dimension_semantics<subcore_parallel>], iteration_bounds = array<i64: 2, 16>, scalar_prefetch = 0 : i64, scratch_operands = 13 : i64, tpu.core_type = #tpu.core_type<sc_vector_subcore>, window_params = [{transform_indices = #map}, {transform_indices = #map}, {transform_indices = #map1}, {transform_indices = #map1}, {transform_indices = #map1}, {transform_indices = #map1}, {transform_indices = #map1}, {transform_indices = #map}, {transform_indices = #map1}, {transform_indices = #map1}]} {
    %mul3A = arith.constant 2 : i32
    %mul3A_0 = arith.muli %arg1, %mul3A : i32
    %add3A = arith.addi %mul3A_0, %arg0 : i32
    %mul3A_1 = arith.constant 512 : i32
    %mul3A_2 = arith.muli %add3A, %mul3A_1 : i32
    "tpu.region"() ({
      %run_scoped3A = tpu.sem_alloc : memref<!tpu.dma_semaphore, #tpu.memory_space<semaphore_mem>>
      tpu.enqueue_dma source(%arg2 : memref<32x16xf32, #tpu.memory_space<hbm>>) target(%arg12 : memref<32x16xf32, #tpu.memory_space<vmem>>) target_semaphore(%run_scoped3A : memref<!tpu.dma_semaphore, #tpu.memory_space<semaphore_mem>>)
      tpu.wait_dma2 semaphore(%run_scoped3A : memref<!tpu.dma_semaphore, #tpu.memory_space<semaphore_mem>>) src(%arg2 : memref<32x16xf32, #tpu.memory_space<hbm>>) dst(%arg12 : memref<32x16xf32, #tpu.memory_space<vmem>>)
      tpu.yield
    }) : () -> ()
    "tpu.region"() ({
      %run_scoped3A = tpu.sem_alloc : memref<!tpu.dma_semaphore, #tpu.memory_space<semaphore_mem>>
      tpu.enqueue_dma source(%arg3 : memref<32x16xf32, #tpu.memory_space<hbm>>) target(%arg13 : memref<32x16xf32, #tpu.memory_space<vmem>>) target_semaphore(%run_scoped3A : memref<!tpu.dma_semaphore, #tpu.memory_space<semaphore_mem>>)
      tpu.wait_dma2 semaphore(%run_scoped3A : memref<!tpu.dma_semaphore, #tpu.memory_space<semaphore_mem>>) src(%arg3 : memref<32x16xf32, #tpu.memory_space<hbm>>) dst(%arg13 : memref<32x16xf32, #tpu.memory_space<vmem>>)
      tpu.yield
    }) : () -> ()
    "tpu.region"() ({
      %run_scoped3A = tpu.sem_alloc : memref<!tpu.dma_semaphore, #tpu.memory_space<semaphore_mem>>
      %dma_start3A_230 = tpu.memref_slice %arg4[%mul3A_2] : memref<16384xi32, #tpu.memory_space<hbm>> -> memref<512xi32, #tpu.memory_space<hbm>>
      %dma_start3A_231 = tpu.memref_slice %arg4[%mul3A_2] : memref<16384xi32, #tpu.memory_space<hbm>> -> memref<512xi32, #tpu.memory_space<hbm>>
      tpu.enqueue_dma source(%dma_start3A_231 : memref<512xi32, #tpu.memory_space<hbm>>) target(%arg14 : memref<512xi32, #tpu.memory_space<vmem>>) target_semaphore(%run_scoped3A : memref<!tpu.dma_semaphore, #tpu.memory_space<semaphore_mem>>)
      %dma_wait3A_232 = tpu.memref_slice %arg4[%mul3A_2] : memref<16384xi32, #tpu.memory_space<hbm>> -> memref<512xi32, #tpu.memory_space<hbm>>
      %dma_wait3A_233 = tpu.memref_slice %arg4[%mul3A_2] : memref<16384xi32, #tpu.memory_space<hbm>> -> memref<512xi32, #tpu.memory_space<hbm>>
      tpu.wait_dma2 semaphore(%run_scoped3A : memref<!tpu.dma_semaphore, #tpu.memory_space<semaphore_mem>>) src(%dma_wait3A_233 : memref<512xi32, #tpu.memory_space<hbm>>) dst(%arg14 : memref<512xi32, #tpu.memory_space<vmem>>)
      tpu.yield
    }) : () -> ()
    "tpu.region"() ({
      %run_scoped3A = tpu.sem_alloc : memref<!tpu.dma_semaphore, #tpu.memory_space<semaphore_mem>>
      %dma_start3A_230 = tpu.memref_slice %arg5[%mul3A_2] : memref<16384xi32, #tpu.memory_space<hbm>> -> memref<512xi32, #tpu.memory_space<hbm>>
      %dma_start3A_231 = tpu.memref_slice %arg5[%mul3A_2] : memref<16384xi32, #tpu.memory_space<hbm>> -> memref<512xi32, #tpu.memory_space<hbm>>
      tpu.enqueue_dma source(%dma_start3A_231 : memref<512xi32, #tpu.memory_space<hbm>>) target(%arg15 : memref<512xi32, #tpu.memory_space<vmem>>) target_semaphore(%run_scoped3A : memref<!tpu.dma_semaphore, #tpu.memory_space<semaphore_mem>>)
      %dma_wait3A_232 = tpu.memref_slice %arg5[%mul3A_2] : memref<16384xi32, #tpu.memory_space<hbm>> -> memref<512xi32, #tpu.memory_space<hbm>>
      %dma_wait3A_233 = tpu.memref_slice %arg5[%mul3A_2] : memref<16384xi32, #tpu.memory_space<hbm>> -> memref<512xi32, #tpu.memory_space<hbm>>
      tpu.wait_dma2 semaphore(%run_scoped3A : memref<!tpu.dma_semaphore, #tpu.memory_space<semaphore_mem>>) src(%dma_wait3A_233 : memref<512xi32, #tpu.memory_space<hbm>>) dst(%arg15 : memref<512xi32, #tpu.memory_space<vmem>>)
      tpu.yield
    }) : () -> ()
    "tpu.region"() ({
      %run_scoped3A = tpu.sem_alloc : memref<!tpu.dma_semaphore, #tpu.memory_space<semaphore_mem>>
      %dma_start3A_230 = tpu.memref_slice %arg6[%mul3A_2] : memref<16384xi32, #tpu.memory_space<hbm>> -> memref<512xi32, #tpu.memory_space<hbm>>
      %dma_start3A_231 = tpu.memref_slice %arg6[%mul3A_2] : memref<16384xi32, #tpu.memory_space<hbm>> -> memref<512xi32, #tpu.memory_space<hbm>>
      tpu.enqueue_dma source(%dma_start3A_231 : memref<512xi32, #tpu.memory_space<hbm>>) target(%arg16 : memref<512xi32, #tpu.memory_space<vmem>>) target_semaphore(%run_scoped3A : memref<!tpu.dma_semaphore, #tpu.memory_space<semaphore_mem>>)
      %dma_wait3A_232 = tpu.memref_slice %arg6[%mul3A_2] : memref<16384xi32, #tpu.memory_space<hbm>> -> memref<512xi32, #tpu.memory_space<hbm>>
      %dma_wait3A_233 = tpu.memref_slice %arg6[%mul3A_2] : memref<16384xi32, #tpu.memory_space<hbm>> -> memref<512xi32, #tpu.memory_space<hbm>>
      tpu.wait_dma2 semaphore(%run_scoped3A : memref<!tpu.dma_semaphore, #tpu.memory_space<semaphore_mem>>) src(%dma_wait3A_233 : memref<512xi32, #tpu.memory_space<hbm>>) dst(%arg16 : memref<512xi32, #tpu.memory_space<vmem>>)
      tpu.yield
    }) : () -> ()
    "tpu.region"() ({
      %run_scoped3A = tpu.sem_alloc : memref<!tpu.dma_semaphore, #tpu.memory_space<semaphore_mem>>
      %dma_start3A_230 = tpu.memref_slice %arg7[%mul3A_2] : memref<16384xi32, #tpu.memory_space<hbm>> -> memref<512xi32, #tpu.memory_space<hbm>>
      %dma_start3A_231 = tpu.memref_slice %arg7[%mul3A_2] : memref<16384xi32, #tpu.memory_space<hbm>> -> memref<512xi32, #tpu.memory_space<hbm>>
      tpu.enqueue_dma source(%dma_start3A_231 : memref<512xi32, #tpu.memory_space<hbm>>) target(%arg17 : memref<512xi32, #tpu.memory_space<vmem>>) target_semaphore(%run_scoped3A : memref<!tpu.dma_semaphore, #tpu.memory_space<semaphore_mem>>)
      %dma_wait3A_232 = tpu.memref_slice %arg7[%mul3A_2] : memref<16384xi32, #tpu.memory_space<hbm>> -> memref<512xi32, #tpu.memory_space<hbm>>
      %dma_wait3A_233 = tpu.memref_slice %arg7[%mul3A_2] : memref<16384xi32, #tpu.memory_space<hbm>> -> memref<512xi32, #tpu.memory_space<hbm>>
      tpu.wait_dma2 semaphore(%run_scoped3A : memref<!tpu.dma_semaphore, #tpu.memory_space<semaphore_mem>>) src(%dma_wait3A_233 : memref<512xi32, #tpu.memory_space<hbm>>) dst(%arg17 : memref<512xi32, #tpu.memory_space<vmem>>)
      tpu.yield
    }) : () -> ()
    "tpu.region"() ({
      %run_scoped3A = tpu.sem_alloc : memref<!tpu.dma_semaphore, #tpu.memory_space<semaphore_mem>>
      %dma_start3A_230 = tpu.memref_slice %arg8[%mul3A_2] : memref<16384xf32, #tpu.memory_space<hbm>> -> memref<512xf32, #tpu.memory_space<hbm>>
      %dma_start3A_231 = tpu.memref_slice %arg8[%mul3A_2] : memref<16384xf32, #tpu.memory_space<hbm>> -> memref<512xf32, #tpu.memory_space<hbm>>
      tpu.enqueue_dma source(%dma_start3A_231 : memref<512xf32, #tpu.memory_space<hbm>>) target(%arg20 : memref<512xf32, #tpu.memory_space<vmem>>) target_semaphore(%run_scoped3A : memref<!tpu.dma_semaphore, #tpu.memory_space<semaphore_mem>>)
      %dma_wait3A_232 = tpu.memref_slice %arg8[%mul3A_2] : memref<16384xf32, #tpu.memory_space<hbm>> -> memref<512xf32, #tpu.memory_space<hbm>>
      %dma_wait3A_233 = tpu.memref_slice %arg8[%mul3A_2] : memref<16384xf32, #tpu.memory_space<hbm>> -> memref<512xf32, #tpu.memory_space<hbm>>
      tpu.wait_dma2 semaphore(%run_scoped3A : memref<!tpu.dma_semaphore, #tpu.memory_space<semaphore_mem>>) src(%dma_wait3A_233 : memref<512xf32, #tpu.memory_space<hbm>>) dst(%arg20 : memref<512xf32, #tpu.memory_space<vmem>>)
      tpu.yield
    }) : () -> ()
    %dma_start3A = arith.constant 0 : i32
    %dma_start3A_3 = arith.constant 0 : i32
    %dma_start3A_4 = tpu.memref_slice %arg18[%dma_start3A, %dma_start3A_3] : memref<512x64xf32, #tpu.memory_space<vmem>> -> memref<128x64xf32, #tpu.memory_space<vmem>>
    %dma_start3A_5 = arith.constant 0 : i32
    %dma_start3A_6 = tpu.memref_slice %arg16[%dma_start3A_5] : memref<512xi32, #tpu.memory_space<vmem>> -> memref<128xi32, #tpu.memory_space<vmem>>
    %dma_start3A_7 = arith.constant 0 : i32
    %dma_start3A_8 = arith.constant 0 : i32
    %dma_start3A_9 = tpu.memref_slice %arg9[%dma_start3A_7, %dma_start3A_8] : memref<2000000x64xf32, #tpu.memory_space<hbm>> -> memref<2000000x64xf32, #tpu.memory_space<hbm>>
    tpu.enqueue_indirect_dma source(%dma_start3A_9 : memref<2000000x64xf32, #tpu.memory_space<hbm>>) target(%dma_start3A_4 : memref<128x64xf32, #tpu.memory_space<vmem>>) offsets(%dma_start3A_6 : memref<128xi32, #tpu.memory_space<vmem>>) semaphore(%arg24 : memref<!tpu.dma_semaphore, #tpu.memory_space<semaphore_mem>>)
    %dma_start3A_10 = arith.constant 0 : i32
    %dma_start3A_11 = arith.constant 0 : i32
    %dma_start3A_12 = tpu.memref_slice %arg19[%dma_start3A_10, %dma_start3A_11] : memref<512x64xf32, #tpu.memory_space<vmem>> -> memref<128x64xf32, #tpu.memory_space<vmem>>
    %dma_start3A_13 = arith.constant 0 : i32
    %dma_start3A_14 = tpu.memref_slice %arg17[%dma_start3A_13] : memref<512xi32, #tpu.memory_space<vmem>> -> memref<128xi32, #tpu.memory_space<vmem>>
    %dma_start3A_15 = arith.constant 0 : i32
    %dma_start3A_16 = arith.constant 0 : i32
    %dma_start3A_17 = tpu.memref_slice %arg9[%dma_start3A_15, %dma_start3A_16] : memref<2000000x64xf32, #tpu.memory_space<hbm>> -> memref<2000000x64xf32, #tpu.memory_space<hbm>>
    tpu.enqueue_indirect_dma source(%dma_start3A_17 : memref<2000000x64xf32, #tpu.memory_space<hbm>>) target(%dma_start3A_12 : memref<128x64xf32, #tpu.memory_space<vmem>>) offsets(%dma_start3A_14 : memref<128xi32, #tpu.memory_space<vmem>>) semaphore(%arg24 : memref<!tpu.dma_semaphore, #tpu.memory_space<semaphore_mem>>)
    %dma_start3A_18 = arith.constant 0 : i32
    %dma_start3A_19 = tpu.memref_slice %arg21[%dma_start3A_18] : memref<512xf32, #tpu.memory_space<vmem>> -> memref<128xf32, #tpu.memory_space<vmem>>
    %dma_start3A_20 = arith.constant 0 : i32
    %dma_start3A_21 = tpu.memref_slice %arg14[%dma_start3A_20] : memref<512xi32, #tpu.memory_space<vmem>> -> memref<128xi32, #tpu.memory_space<vmem>>
    %dma_start3A_22 = arith.constant 0 : i32
    %dma_start3A_23 = tpu.memref_slice %arg10[%dma_start3A_22] : memref<1000000xf32, #tpu.memory_space<hbm>> -> memref<1000000xf32, #tpu.memory_space<hbm>>
    tpu.enqueue_indirect_dma source(%dma_start3A_23 : memref<1000000xf32, #tpu.memory_space<hbm>>) target(%dma_start3A_19 : memref<128xf32, #tpu.memory_space<vmem>>) offsets(%dma_start3A_21 : memref<128xi32, #tpu.memory_space<vmem>>) semaphore(%arg24 : memref<!tpu.dma_semaphore, #tpu.memory_space<semaphore_mem>>)
    %dma_start3A_24 = arith.constant 0 : i32
    %dma_start3A_25 = tpu.memref_slice %arg22[%dma_start3A_24] : memref<512xf32, #tpu.memory_space<vmem>> -> memref<128xf32, #tpu.memory_space<vmem>>
    %dma_start3A_26 = arith.constant 0 : i32
    %dma_start3A_27 = tpu.memref_slice %arg15[%dma_start3A_26] : memref<512xi32, #tpu.memory_space<vmem>> -> memref<128xi32, #tpu.memory_space<vmem>>
    %dma_start3A_28 = arith.constant 0 : i32
    %dma_start3A_29 = tpu.memref_slice %arg10[%dma_start3A_28] : memref<1000000xf32, #tpu.memory_space<hbm>> -> memref<1000000xf32, #tpu.memory_space<hbm>>
    tpu.enqueue_indirect_dma source(%dma_start3A_29 : memref<1000000xf32, #tpu.memory_space<hbm>>) target(%dma_start3A_25 : memref<128xf32, #tpu.memory_space<vmem>>) offsets(%dma_start3A_27 : memref<128xi32, #tpu.memory_space<vmem>>) semaphore(%arg24 : memref<!tpu.dma_semaphore, #tpu.memory_space<semaphore_mem>>)
    %dma_start3A_30 = arith.constant 128 : i32
    %dma_start3A_31 = arith.constant 0 : i32
    %dma_start3A_32 = tpu.memref_slice %arg18[%dma_start3A_30, %dma_start3A_31] : memref<512x64xf32, #tpu.memory_space<vmem>> -> memref<128x64xf32, #tpu.memory_space<vmem>>
    %dma_start3A_33 = arith.constant 128 : i32
    %dma_start3A_34 = tpu.memref_slice %arg16[%dma_start3A_33] : memref<512xi32, #tpu.memory_space<vmem>> -> memref<128xi32, #tpu.memory_space<vmem>>
    %dma_start3A_35 = arith.constant 0 : i32
    %dma_start3A_36 = arith.constant 0 : i32
    %dma_start3A_37 = tpu.memref_slice %arg9[%dma_start3A_35, %dma_start3A_36] : memref<2000000x64xf32, #tpu.memory_space<hbm>> -> memref<2000000x64xf32, #tpu.memory_space<hbm>>
    tpu.enqueue_indirect_dma source(%dma_start3A_37 : memref<2000000x64xf32, #tpu.memory_space<hbm>>) target(%dma_start3A_32 : memref<128x64xf32, #tpu.memory_space<vmem>>) offsets(%dma_start3A_34 : memref<128xi32, #tpu.memory_space<vmem>>) semaphore(%arg24 : memref<!tpu.dma_semaphore, #tpu.memory_space<semaphore_mem>>)
    %dma_start3A_38 = arith.constant 128 : i32
    %dma_start3A_39 = arith.constant 0 : i32
    %dma_start3A_40 = tpu.memref_slice %arg19[%dma_start3A_38, %dma_start3A_39] : memref<512x64xf32, #tpu.memory_space<vmem>> -> memref<128x64xf32, #tpu.memory_space<vmem>>
    %dma_start3A_41 = arith.constant 128 : i32
    %dma_start3A_42 = tpu.memref_slice %arg17[%dma_start3A_41] : memref<512xi32, #tpu.memory_space<vmem>> -> memref<128xi32, #tpu.memory_space<vmem>>
    %dma_start3A_43 = arith.constant 0 : i32
    %dma_start3A_44 = arith.constant 0 : i32
    %dma_start3A_45 = tpu.memref_slice %arg9[%dma_start3A_43, %dma_start3A_44] : memref<2000000x64xf32, #tpu.memory_space<hbm>> -> memref<2000000x64xf32, #tpu.memory_space<hbm>>
    tpu.enqueue_indirect_dma source(%dma_start3A_45 : memref<2000000x64xf32, #tpu.memory_space<hbm>>) target(%dma_start3A_40 : memref<128x64xf32, #tpu.memory_space<vmem>>) offsets(%dma_start3A_42 : memref<128xi32, #tpu.memory_space<vmem>>) semaphore(%arg24 : memref<!tpu.dma_semaphore, #tpu.memory_space<semaphore_mem>>)
    %dma_start3A_46 = arith.constant 128 : i32
    %dma_start3A_47 = tpu.memref_slice %arg21[%dma_start3A_46] : memref<512xf32, #tpu.memory_space<vmem>> -> memref<128xf32, #tpu.memory_space<vmem>>
    %dma_start3A_48 = arith.constant 128 : i32
    %dma_start3A_49 = tpu.memref_slice %arg14[%dma_start3A_48] : memref<512xi32, #tpu.memory_space<vmem>> -> memref<128xi32, #tpu.memory_space<vmem>>
    %dma_start3A_50 = arith.constant 0 : i32
    %dma_start3A_51 = tpu.memref_slice %arg10[%dma_start3A_50] : memref<1000000xf32, #tpu.memory_space<hbm>> -> memref<1000000xf32, #tpu.memory_space<hbm>>
    tpu.enqueue_indirect_dma source(%dma_start3A_51 : memref<1000000xf32, #tpu.memory_space<hbm>>) target(%dma_start3A_47 : memref<128xf32, #tpu.memory_space<vmem>>) offsets(%dma_start3A_49 : memref<128xi32, #tpu.memory_space<vmem>>) semaphore(%arg24 : memref<!tpu.dma_semaphore, #tpu.memory_space<semaphore_mem>>)
    %dma_start3A_52 = arith.constant 128 : i32
    %dma_start3A_53 = tpu.memref_slice %arg22[%dma_start3A_52] : memref<512xf32, #tpu.memory_space<vmem>> -> memref<128xf32, #tpu.memory_space<vmem>>
    %dma_start3A_54 = arith.constant 128 : i32
    %dma_start3A_55 = tpu.memref_slice %arg15[%dma_start3A_54] : memref<512xi32, #tpu.memory_space<vmem>> -> memref<128xi32, #tpu.memory_space<vmem>>
    %dma_start3A_56 = arith.constant 0 : i32
    %dma_start3A_57 = tpu.memref_slice %arg10[%dma_start3A_56] : memref<1000000xf32, #tpu.memory_space<hbm>> -> memref<1000000xf32, #tpu.memory_space<hbm>>
    tpu.enqueue_indirect_dma source(%dma_start3A_57 : memref<1000000xf32, #tpu.memory_space<hbm>>) target(%dma_start3A_53 : memref<128xf32, #tpu.memory_space<vmem>>) offsets(%dma_start3A_55 : memref<128xi32, #tpu.memory_space<vmem>>) semaphore(%arg24 : memref<!tpu.dma_semaphore, #tpu.memory_space<semaphore_mem>>)
    %dma_start3A_58 = arith.constant 256 : i32
    %dma_start3A_59 = arith.constant 0 : i32
    %dma_start3A_60 = tpu.memref_slice %arg18[%dma_start3A_58, %dma_start3A_59] : memref<512x64xf32, #tpu.memory_space<vmem>> -> memref<128x64xf32, #tpu.memory_space<vmem>>
    %dma_start3A_61 = arith.constant 256 : i32
    %dma_start3A_62 = tpu.memref_slice %arg16[%dma_start3A_61] : memref<512xi32, #tpu.memory_space<vmem>> -> memref<128xi32, #tpu.memory_space<vmem>>
    %dma_start3A_63 = arith.constant 0 : i32
    %dma_start3A_64 = arith.constant 0 : i32
    %dma_start3A_65 = tpu.memref_slice %arg9[%dma_start3A_63, %dma_start3A_64] : memref<2000000x64xf32, #tpu.memory_space<hbm>> -> memref<2000000x64xf32, #tpu.memory_space<hbm>>
    tpu.enqueue_indirect_dma source(%dma_start3A_65 : memref<2000000x64xf32, #tpu.memory_space<hbm>>) target(%dma_start3A_60 : memref<128x64xf32, #tpu.memory_space<vmem>>) offsets(%dma_start3A_62 : memref<128xi32, #tpu.memory_space<vmem>>) semaphore(%arg24 : memref<!tpu.dma_semaphore, #tpu.memory_space<semaphore_mem>>)
    %dma_start3A_66 = arith.constant 256 : i32
    %dma_start3A_67 = arith.constant 0 : i32
    %dma_start3A_68 = tpu.memref_slice %arg19[%dma_start3A_66, %dma_start3A_67] : memref<512x64xf32, #tpu.memory_space<vmem>> -> memref<128x64xf32, #tpu.memory_space<vmem>>
    %dma_start3A_69 = arith.constant 256 : i32
    %dma_start3A_70 = tpu.memref_slice %arg17[%dma_start3A_69] : memref<512xi32, #tpu.memory_space<vmem>> -> memref<128xi32, #tpu.memory_space<vmem>>
    %dma_start3A_71 = arith.constant 0 : i32
    %dma_start3A_72 = arith.constant 0 : i32
    %dma_start3A_73 = tpu.memref_slice %arg9[%dma_start3A_71, %dma_start3A_72] : memref<2000000x64xf32, #tpu.memory_space<hbm>> -> memref<2000000x64xf32, #tpu.memory_space<hbm>>
    tpu.enqueue_indirect_dma source(%dma_start3A_73 : memref<2000000x64xf32, #tpu.memory_space<hbm>>) target(%dma_start3A_68 : memref<128x64xf32, #tpu.memory_space<vmem>>) offsets(%dma_start3A_70 : memref<128xi32, #tpu.memory_space<vmem>>) semaphore(%arg24 : memref<!tpu.dma_semaphore, #tpu.memory_space<semaphore_mem>>)
    %dma_start3A_74 = arith.constant 256 : i32
    %dma_start3A_75 = tpu.memref_slice %arg21[%dma_start3A_74] : memref<512xf32, #tpu.memory_space<vmem>> -> memref<128xf32, #tpu.memory_space<vmem>>
    %dma_start3A_76 = arith.constant 256 : i32
    %dma_start3A_77 = tpu.memref_slice %arg14[%dma_start3A_76] : memref<512xi32, #tpu.memory_space<vmem>> -> memref<128xi32, #tpu.memory_space<vmem>>
    %dma_start3A_78 = arith.constant 0 : i32
    %dma_start3A_79 = tpu.memref_slice %arg10[%dma_start3A_78] : memref<1000000xf32, #tpu.memory_space<hbm>> -> memref<1000000xf32, #tpu.memory_space<hbm>>
    tpu.enqueue_indirect_dma source(%dma_start3A_79 : memref<1000000xf32, #tpu.memory_space<hbm>>) target(%dma_start3A_75 : memref<128xf32, #tpu.memory_space<vmem>>) offsets(%dma_start3A_77 : memref<128xi32, #tpu.memory_space<vmem>>) semaphore(%arg24 : memref<!tpu.dma_semaphore, #tpu.memory_space<semaphore_mem>>)
    %dma_start3A_80 = arith.constant 256 : i32
    %dma_start3A_81 = tpu.memref_slice %arg22[%dma_start3A_80] : memref<512xf32, #tpu.memory_space<vmem>> -> memref<128xf32, #tpu.memory_space<vmem>>
    %dma_start3A_82 = arith.constant 256 : i32
    %dma_start3A_83 = tpu.memref_slice %arg15[%dma_start3A_82] : memref<512xi32, #tpu.memory_space<vmem>> -> memref<128xi32, #tpu.memory_space<vmem>>
    %dma_start3A_84 = arith.constant 0 : i32
    %dma_start3A_85 = tpu.memref_slice %arg10[%dma_start3A_84] : memref<1000000xf32, #tpu.memory_space<hbm>> -> memref<1000000xf32, #tpu.memory_space<hbm>>
    tpu.enqueue_indirect_dma source(%dma_start3A_85 : memref<1000000xf32, #tpu.memory_space<hbm>>) target(%dma_start3A_81 : memref<128xf32, #tpu.memory_space<vmem>>) offsets(%dma_start3A_83 : memref<128xi32, #tpu.memory_space<vmem>>) semaphore(%arg24 : memref<!tpu.dma_semaphore, #tpu.memory_space<semaphore_mem>>)
    %dma_start3A_86 = arith.constant 384 : i32
    %dma_start3A_87 = arith.constant 0 : i32
    %dma_start3A_88 = tpu.memref_slice %arg18[%dma_start3A_86, %dma_start3A_87] : memref<512x64xf32, #tpu.memory_space<vmem>> -> memref<128x64xf32, #tpu.memory_space<vmem>>
    %dma_start3A_89 = arith.constant 384 : i32
    %dma_start3A_90 = tpu.memref_slice %arg16[%dma_start3A_89] : memref<512xi32, #tpu.memory_space<vmem>> -> memref<128xi32, #tpu.memory_space<vmem>>
    %dma_start3A_91 = arith.constant 0 : i32
    %dma_start3A_92 = arith.constant 0 : i32
    %dma_start3A_93 = tpu.memref_slice %arg9[%dma_start3A_91, %dma_start3A_92] : memref<2000000x64xf32, #tpu.memory_space<hbm>> -> memref<2000000x64xf32, #tpu.memory_space<hbm>>
    tpu.enqueue_indirect_dma source(%dma_start3A_93 : memref<2000000x64xf32, #tpu.memory_space<hbm>>) target(%dma_start3A_88 : memref<128x64xf32, #tpu.memory_space<vmem>>) offsets(%dma_start3A_90 : memref<128xi32, #tpu.memory_space<vmem>>) semaphore(%arg24 : memref<!tpu.dma_semaphore, #tpu.memory_space<semaphore_mem>>)
    %dma_start3A_94 = arith.constant 384 : i32
    %dma_start3A_95 = arith.constant 0 : i32
    %dma_start3A_96 = tpu.memref_slice %arg19[%dma_start3A_94, %dma_start3A_95] : memref<512x64xf32, #tpu.memory_space<vmem>> -> memref<128x64xf32, #tpu.memory_space<vmem>>
    %dma_start3A_97 = arith.constant 384 : i32
    %dma_start3A_98 = tpu.memref_slice %arg17[%dma_start3A_97] : memref<512xi32, #tpu.memory_space<vmem>> -> memref<128xi32, #tpu.memory_space<vmem>>
    %dma_start3A_99 = arith.constant 0 : i32
    %dma_start3A_100 = arith.constant 0 : i32
    %dma_start3A_101 = tpu.memref_slice %arg9[%dma_start3A_99, %dma_start3A_100] : memref<2000000x64xf32, #tpu.memory_space<hbm>> -> memref<2000000x64xf32, #tpu.memory_space<hbm>>
    tpu.enqueue_indirect_dma source(%dma_start3A_101 : memref<2000000x64xf32, #tpu.memory_space<hbm>>) target(%dma_start3A_96 : memref<128x64xf32, #tpu.memory_space<vmem>>) offsets(%dma_start3A_98 : memref<128xi32, #tpu.memory_space<vmem>>) semaphore(%arg24 : memref<!tpu.dma_semaphore, #tpu.memory_space<semaphore_mem>>)
    %dma_start3A_102 = arith.constant 384 : i32
    %dma_start3A_103 = tpu.memref_slice %arg21[%dma_start3A_102] : memref<512xf32, #tpu.memory_space<vmem>> -> memref<128xf32, #tpu.memory_space<vmem>>
    %dma_start3A_104 = arith.constant 384 : i32
    %dma_start3A_105 = tpu.memref_slice %arg14[%dma_start3A_104] : memref<512xi32, #tpu.memory_space<vmem>> -> memref<128xi32, #tpu.memory_space<vmem>>
    %dma_start3A_106 = arith.constant 0 : i32
    %dma_start3A_107 = tpu.memref_slice %arg10[%dma_start3A_106] : memref<1000000xf32, #tpu.memory_space<hbm>> -> memref<1000000xf32, #tpu.memory_space<hbm>>
    tpu.enqueue_indirect_dma source(%dma_start3A_107 : memref<1000000xf32, #tpu.memory_space<hbm>>) target(%dma_start3A_103 : memref<128xf32, #tpu.memory_space<vmem>>) offsets(%dma_start3A_105 : memref<128xi32, #tpu.memory_space<vmem>>) semaphore(%arg24 : memref<!tpu.dma_semaphore, #tpu.memory_space<semaphore_mem>>)
    %dma_start3A_108 = arith.constant 384 : i32
    %dma_start3A_109 = tpu.memref_slice %arg22[%dma_start3A_108] : memref<512xf32, #tpu.memory_space<vmem>> -> memref<128xf32, #tpu.memory_space<vmem>>
    %dma_start3A_110 = arith.constant 384 : i32
    %dma_start3A_111 = tpu.memref_slice %arg15[%dma_start3A_110] : memref<512xi32, #tpu.memory_space<vmem>> -> memref<128xi32, #tpu.memory_space<vmem>>
    %dma_start3A_112 = arith.constant 0 : i32
    %dma_start3A_113 = tpu.memref_slice %arg10[%dma_start3A_112] : memref<1000000xf32, #tpu.memory_space<hbm>> -> memref<1000000xf32, #tpu.memory_space<hbm>>
    tpu.enqueue_indirect_dma source(%dma_start3A_113 : memref<1000000xf32, #tpu.memory_space<hbm>>) target(%dma_start3A_109 : memref<128xf32, #tpu.memory_space<vmem>>) offsets(%dma_start3A_111 : memref<128xi32, #tpu.memory_space<vmem>>) semaphore(%arg24 : memref<!tpu.dma_semaphore, #tpu.memory_space<semaphore_mem>>)
    %dma_wait3A = arith.constant 0 : i32
    %dma_wait3A_114 = arith.constant 0 : i32
    %dma_wait3A_115 = tpu.memref_slice %arg18[%dma_wait3A, %dma_wait3A_114] : memref<512x64xf32, #tpu.memory_space<vmem>> -> memref<128x64xf32, #tpu.memory_space<vmem>>
    %dma_wait3A_116 = arith.constant 0 : i32
    %dma_wait3A_117 = tpu.memref_slice %arg16[%dma_wait3A_116] : memref<512xi32, #tpu.memory_space<vmem>> -> memref<128xi32, #tpu.memory_space<vmem>>
    %dma_wait3A_118 = arith.constant 0 : i32
    %dma_wait3A_119 = arith.constant 0 : i32
    %dma_wait3A_120 = tpu.memref_slice %arg9[%dma_wait3A_118, %dma_wait3A_119] : memref<2000000x64xf32, #tpu.memory_space<hbm>> -> memref<2000000x64xf32, #tpu.memory_space<hbm>>
    tpu.wait_indirect_dma semaphore(%arg24 : memref<!tpu.dma_semaphore, #tpu.memory_space<semaphore_mem>>) src(%dma_wait3A_120 : memref<2000000x64xf32, #tpu.memory_space<hbm>>) dst(%dma_wait3A_115 : memref<128x64xf32, #tpu.memory_space<vmem>>)
    %dma_wait3A_121 = arith.constant 0 : i32
    %dma_wait3A_122 = arith.constant 0 : i32
    %dma_wait3A_123 = tpu.memref_slice %arg19[%dma_wait3A_121, %dma_wait3A_122] : memref<512x64xf32, #tpu.memory_space<vmem>> -> memref<128x64xf32, #tpu.memory_space<vmem>>
    %dma_wait3A_124 = arith.constant 0 : i32
    %dma_wait3A_125 = tpu.memref_slice %arg17[%dma_wait3A_124] : memref<512xi32, #tpu.memory_space<vmem>> -> memref<128xi32, #tpu.memory_space<vmem>>
    %dma_wait3A_126 = arith.constant 0 : i32
    %dma_wait3A_127 = arith.constant 0 : i32
    %dma_wait3A_128 = tpu.memref_slice %arg9[%dma_wait3A_126, %dma_wait3A_127] : memref<2000000x64xf32, #tpu.memory_space<hbm>> -> memref<2000000x64xf32, #tpu.memory_space<hbm>>
    tpu.wait_indirect_dma semaphore(%arg24 : memref<!tpu.dma_semaphore, #tpu.memory_space<semaphore_mem>>) src(%dma_wait3A_128 : memref<2000000x64xf32, #tpu.memory_space<hbm>>) dst(%dma_wait3A_123 : memref<128x64xf32, #tpu.memory_space<vmem>>)
    %dma_wait3A_129 = arith.constant 0 : i32
    %dma_wait3A_130 = tpu.memref_slice %arg21[%dma_wait3A_129] : memref<512xf32, #tpu.memory_space<vmem>> -> memref<128xf32, #tpu.memory_space<vmem>>
    %dma_wait3A_131 = arith.constant 0 : i32
    %dma_wait3A_132 = tpu.memref_slice %arg14[%dma_wait3A_131] : memref<512xi32, #tpu.memory_space<vmem>> -> memref<128xi32, #tpu.memory_space<vmem>>
    %dma_wait3A_133 = arith.constant 0 : i32
    %dma_wait3A_134 = tpu.memref_slice %arg10[%dma_wait3A_133] : memref<1000000xf32, #tpu.memory_space<hbm>> -> memref<1000000xf32, #tpu.memory_space<hbm>>
    tpu.wait_indirect_dma semaphore(%arg24 : memref<!tpu.dma_semaphore, #tpu.memory_space<semaphore_mem>>) src(%dma_wait3A_134 : memref<1000000xf32, #tpu.memory_space<hbm>>) dst(%dma_wait3A_130 : memref<128xf32, #tpu.memory_space<vmem>>)
    %dma_wait3A_135 = arith.constant 0 : i32
    %dma_wait3A_136 = tpu.memref_slice %arg22[%dma_wait3A_135] : memref<512xf32, #tpu.memory_space<vmem>> -> memref<128xf32, #tpu.memory_space<vmem>>
    %dma_wait3A_137 = arith.constant 0 : i32
    %dma_wait3A_138 = tpu.memref_slice %arg15[%dma_wait3A_137] : memref<512xi32, #tpu.memory_space<vmem>> -> memref<128xi32, #tpu.memory_space<vmem>>
    %dma_wait3A_139 = arith.constant 0 : i32
    %dma_wait3A_140 = tpu.memref_slice %arg10[%dma_wait3A_139] : memref<1000000xf32, #tpu.memory_space<hbm>> -> memref<1000000xf32, #tpu.memory_space<hbm>>
    tpu.wait_indirect_dma semaphore(%arg24 : memref<!tpu.dma_semaphore, #tpu.memory_space<semaphore_mem>>) src(%dma_wait3A_140 : memref<1000000xf32, #tpu.memory_space<hbm>>) dst(%dma_wait3A_136 : memref<128xf32, #tpu.memory_space<vmem>>)
    %dma_wait3A_141 = arith.constant 128 : i32
    %dma_wait3A_142 = arith.constant 0 : i32
    %dma_wait3A_143 = tpu.memref_slice %arg18[%dma_wait3A_141, %dma_wait3A_142] : memref<512x64xf32, #tpu.memory_space<vmem>> -> memref<128x64xf32, #tpu.memory_space<vmem>>
    %dma_wait3A_144 = arith.constant 128 : i32
    %dma_wait3A_145 = tpu.memref_slice %arg16[%dma_wait3A_144] : memref<512xi32, #tpu.memory_space<vmem>> -> memref<128xi32, #tpu.memory_space<vmem>>
    %dma_wait3A_146 = arith.constant 0 : i32
    %dma_wait3A_147 = arith.constant 0 : i32
    %dma_wait3A_148 = tpu.memref_slice %arg9[%dma_wait3A_146, %dma_wait3A_147] : memref<2000000x64xf32, #tpu.memory_space<hbm>> -> memref<2000000x64xf32, #tpu.memory_space<hbm>>
    tpu.wait_indirect_dma semaphore(%arg24 : memref<!tpu.dma_semaphore, #tpu.memory_space<semaphore_mem>>) src(%dma_wait3A_148 : memref<2000000x64xf32, #tpu.memory_space<hbm>>) dst(%dma_wait3A_143 : memref<128x64xf32, #tpu.memory_space<vmem>>)
    %dma_wait3A_149 = arith.constant 128 : i32
    %dma_wait3A_150 = arith.constant 0 : i32
    %dma_wait3A_151 = tpu.memref_slice %arg19[%dma_wait3A_149, %dma_wait3A_150] : memref<512x64xf32, #tpu.memory_space<vmem>> -> memref<128x64xf32, #tpu.memory_space<vmem>>
    %dma_wait3A_152 = arith.constant 128 : i32
    %dma_wait3A_153 = tpu.memref_slice %arg17[%dma_wait3A_152] : memref<512xi32, #tpu.memory_space<vmem>> -> memref<128xi32, #tpu.memory_space<vmem>>
    %dma_wait3A_154 = arith.constant 0 : i32
    %dma_wait3A_155 = arith.constant 0 : i32
    %dma_wait3A_156 = tpu.memref_slice %arg9[%dma_wait3A_154, %dma_wait3A_155] : memref<2000000x64xf32, #tpu.memory_space<hbm>> -> memref<2000000x64xf32, #tpu.memory_space<hbm>>
    tpu.wait_indirect_dma semaphore(%arg24 : memref<!tpu.dma_semaphore, #tpu.memory_space<semaphore_mem>>) src(%dma_wait3A_156 : memref<2000000x64xf32, #tpu.memory_space<hbm>>) dst(%dma_wait3A_151 : memref<128x64xf32, #tpu.memory_space<vmem>>)
    %dma_wait3A_157 = arith.constant 128 : i32
    %dma_wait3A_158 = tpu.memref_slice %arg21[%dma_wait3A_157] : memref<512xf32, #tpu.memory_space<vmem>> -> memref<128xf32, #tpu.memory_space<vmem>>
    %dma_wait3A_159 = arith.constant 128 : i32
    %dma_wait3A_160 = tpu.memref_slice %arg14[%dma_wait3A_159] : memref<512xi32, #tpu.memory_space<vmem>> -> memref<128xi32, #tpu.memory_space<vmem>>
    %dma_wait3A_161 = arith.constant 0 : i32
    %dma_wait3A_162 = tpu.memref_slice %arg10[%dma_wait3A_161] : memref<1000000xf32, #tpu.memory_space<hbm>> -> memref<1000000xf32, #tpu.memory_space<hbm>>
    tpu.wait_indirect_dma semaphore(%arg24 : memref<!tpu.dma_semaphore, #tpu.memory_space<semaphore_mem>>) src(%dma_wait3A_162 : memref<1000000xf32, #tpu.memory_space<hbm>>) dst(%dma_wait3A_158 : memref<128xf32, #tpu.memory_space<vmem>>)
    %dma_wait3A_163 = arith.constant 128 : i32
    %dma_wait3A_164 = tpu.memref_slice %arg22[%dma_wait3A_163] : memref<512xf32, #tpu.memory_space<vmem>> -> memref<128xf32, #tpu.memory_space<vmem>>
    %dma_wait3A_165 = arith.constant 128 : i32
    %dma_wait3A_166 = tpu.memref_slice %arg15[%dma_wait3A_165] : memref<512xi32, #tpu.memory_space<vmem>> -> memref<128xi32, #tpu.memory_space<vmem>>
    %dma_wait3A_167 = arith.constant 0 : i32
    %dma_wait3A_168 = tpu.memref_slice %arg10[%dma_wait3A_167] : memref<1000000xf32, #tpu.memory_space<hbm>> -> memref<1000000xf32, #tpu.memory_space<hbm>>
    tpu.wait_indirect_dma semaphore(%arg24 : memref<!tpu.dma_semaphore, #tpu.memory_space<semaphore_mem>>) src(%dma_wait3A_168 : memref<1000000xf32, #tpu.memory_space<hbm>>) dst(%dma_wait3A_164 : memref<128xf32, #tpu.memory_space<vmem>>)
    %dma_wait3A_169 = arith.constant 256 : i32
    %dma_wait3A_170 = arith.constant 0 : i32
    %dma_wait3A_171 = tpu.memref_slice %arg18[%dma_wait3A_169, %dma_wait3A_170] : memref<512x64xf32, #tpu.memory_space<vmem>> -> memref<128x64xf32, #tpu.memory_space<vmem>>
    %dma_wait3A_172 = arith.constant 256 : i32
    %dma_wait3A_173 = tpu.memref_slice %arg16[%dma_wait3A_172] : memref<512xi32, #tpu.memory_space<vmem>> -> memref<128xi32, #tpu.memory_space<vmem>>
    %dma_wait3A_174 = arith.constant 0 : i32
    %dma_wait3A_175 = arith.constant 0 : i32
    %dma_wait3A_176 = tpu.memref_slice %arg9[%dma_wait3A_174, %dma_wait3A_175] : memref<2000000x64xf32, #tpu.memory_space<hbm>> -> memref<2000000x64xf32, #tpu.memory_space<hbm>>
    tpu.wait_indirect_dma semaphore(%arg24 : memref<!tpu.dma_semaphore, #tpu.memory_space<semaphore_mem>>) src(%dma_wait3A_176 : memref<2000000x64xf32, #tpu.memory_space<hbm>>) dst(%dma_wait3A_171 : memref<128x64xf32, #tpu.memory_space<vmem>>)
    %dma_wait3A_177 = arith.constant 256 : i32
    %dma_wait3A_178 = arith.constant 0 : i32
    %dma_wait3A_179 = tpu.memref_slice %arg19[%dma_wait3A_177, %dma_wait3A_178] : memref<512x64xf32, #tpu.memory_space<vmem>> -> memref<128x64xf32, #tpu.memory_space<vmem>>
    %dma_wait3A_180 = arith.constant 256 : i32
    %dma_wait3A_181 = tpu.memref_slice %arg17[%dma_wait3A_180] : memref<512xi32, #tpu.memory_space<vmem>> -> memref<128xi32, #tpu.memory_space<vmem>>
    %dma_wait3A_182 = arith.constant 0 : i32
    %dma_wait3A_183 = arith.constant 0 : i32
    %dma_wait3A_184 = tpu.memref_slice %arg9[%dma_wait3A_182, %dma_wait3A_183] : memref<2000000x64xf32, #tpu.memory_space<hbm>> -> memref<2000000x64xf32, #tpu.memory_space<hbm>>
    tpu.wait_indirect_dma semaphore(%arg24 : memref<!tpu.dma_semaphore, #tpu.memory_space<semaphore_mem>>) src(%dma_wait3A_184 : memref<2000000x64xf32, #tpu.memory_space<hbm>>) dst(%dma_wait3A_179 : memref<128x64xf32, #tpu.memory_space<vmem>>)
    %dma_wait3A_185 = arith.constant 256 : i32
    %dma_wait3A_186 = tpu.memref_slice %arg21[%dma_wait3A_185] : memref<512xf32, #tpu.memory_space<vmem>> -> memref<128xf32, #tpu.memory_space<vmem>>
    %dma_wait3A_187 = arith.constant 256 : i32
    %dma_wait3A_188 = tpu.memref_slice %arg14[%dma_wait3A_187] : memref<512xi32, #tpu.memory_space<vmem>> -> memref<128xi32, #tpu.memory_space<vmem>>
    %dma_wait3A_189 = arith.constant 0 : i32
    %dma_wait3A_190 = tpu.memref_slice %arg10[%dma_wait3A_189] : memref<1000000xf32, #tpu.memory_space<hbm>> -> memref<1000000xf32, #tpu.memory_space<hbm>>
    tpu.wait_indirect_dma semaphore(%arg24 : memref<!tpu.dma_semaphore, #tpu.memory_space<semaphore_mem>>) src(%dma_wait3A_190 : memref<1000000xf32, #tpu.memory_space<hbm>>) dst(%dma_wait3A_186 : memref<128xf32, #tpu.memory_space<vmem>>)
    %dma_wait3A_191 = arith.constant 256 : i32
    %dma_wait3A_192 = tpu.memref_slice %arg22[%dma_wait3A_191] : memref<512xf32, #tpu.memory_space<vmem>> -> memref<128xf32, #tpu.memory_space<vmem>>
    %dma_wait3A_193 = arith.constant 256 : i32
    %dma_wait3A_194 = tpu.memref_slice %arg15[%dma_wait3A_193] : memref<512xi32, #tpu.memory_space<vmem>> -> memref<128xi32, #tpu.memory_space<vmem>>
    %dma_wait3A_195 = arith.constant 0 : i32
    %dma_wait3A_196 = tpu.memref_slice %arg10[%dma_wait3A_195] : memref<1000000xf32, #tpu.memory_space<hbm>> -> memref<1000000xf32, #tpu.memory_space<hbm>>
    tpu.wait_indirect_dma semaphore(%arg24 : memref<!tpu.dma_semaphore, #tpu.memory_space<semaphore_mem>>) src(%dma_wait3A_196 : memref<1000000xf32, #tpu.memory_space<hbm>>) dst(%dma_wait3A_192 : memref<128xf32, #tpu.memory_space<vmem>>)
    %dma_wait3A_197 = arith.constant 384 : i32
    %dma_wait3A_198 = arith.constant 0 : i32
    %dma_wait3A_199 = tpu.memref_slice %arg18[%dma_wait3A_197, %dma_wait3A_198] : memref<512x64xf32, #tpu.memory_space<vmem>> -> memref<128x64xf32, #tpu.memory_space<vmem>>
    %dma_wait3A_200 = arith.constant 384 : i32
    %dma_wait3A_201 = tpu.memref_slice %arg16[%dma_wait3A_200] : memref<512xi32, #tpu.memory_space<vmem>> -> memref<128xi32, #tpu.memory_space<vmem>>
    %dma_wait3A_202 = arith.constant 0 : i32
    %dma_wait3A_203 = arith.constant 0 : i32
    %dma_wait3A_204 = tpu.memref_slice %arg9[%dma_wait3A_202, %dma_wait3A_203] : memref<2000000x64xf32, #tpu.memory_space<hbm>> -> memref<2000000x64xf32, #tpu.memory_space<hbm>>
    tpu.wait_indirect_dma semaphore(%arg24 : memref<!tpu.dma_semaphore, #tpu.memory_space<semaphore_mem>>) src(%dma_wait3A_204 : memref<2000000x64xf32, #tpu.memory_space<hbm>>) dst(%dma_wait3A_199 : memref<128x64xf32, #tpu.memory_space<vmem>>)
    %dma_wait3A_205 = arith.constant 384 : i32
    %dma_wait3A_206 = arith.constant 0 : i32
    %dma_wait3A_207 = tpu.memref_slice %arg19[%dma_wait3A_205, %dma_wait3A_206] : memref<512x64xf32, #tpu.memory_space<vmem>> -> memref<128x64xf32, #tpu.memory_space<vmem>>
    %dma_wait3A_208 = arith.constant 384 : i32
    %dma_wait3A_209 = tpu.memref_slice %arg17[%dma_wait3A_208] : memref<512xi32, #tpu.memory_space<vmem>> -> memref<128xi32, #tpu.memory_space<vmem>>
    %dma_wait3A_210 = arith.constant 0 : i32
    %dma_wait3A_211 = arith.constant 0 : i32
    %dma_wait3A_212 = tpu.memref_slice %arg9[%dma_wait3A_210, %dma_wait3A_211] : memref<2000000x64xf32, #tpu.memory_space<hbm>> -> memref<2000000x64xf32, #tpu.memory_space<hbm>>
    tpu.wait_indirect_dma semaphore(%arg24 : memref<!tpu.dma_semaphore, #tpu.memory_space<semaphore_mem>>) src(%dma_wait3A_212 : memref<2000000x64xf32, #tpu.memory_space<hbm>>) dst(%dma_wait3A_207 : memref<128x64xf32, #tpu.memory_space<vmem>>)
    %dma_wait3A_213 = arith.constant 384 : i32
    %dma_wait3A_214 = tpu.memref_slice %arg21[%dma_wait3A_213] : memref<512xf32, #tpu.memory_space<vmem>> -> memref<128xf32, #tpu.memory_space<vmem>>
    %dma_wait3A_215 = arith.constant 384 : i32
    %dma_wait3A_216 = tpu.memref_slice %arg14[%dma_wait3A_215] : memref<512xi32, #tpu.memory_space<vmem>> -> memref<128xi32, #tpu.memory_space<vmem>>
    %dma_wait3A_217 = arith.constant 0 : i32
    %dma_wait3A_218 = tpu.memref_slice %arg10[%dma_wait3A_217] : memref<1000000xf32, #tpu.memory_space<hbm>> -> memref<1000000xf32, #tpu.memory_space<hbm>>
    tpu.wait_indirect_dma semaphore(%arg24 : memref<!tpu.dma_semaphore, #tpu.memory_space<semaphore_mem>>) src(%dma_wait3A_218 : memref<1000000xf32, #tpu.memory_space<hbm>>) dst(%dma_wait3A_214 : memref<128xf32, #tpu.memory_space<vmem>>)
    %dma_wait3A_219 = arith.constant 384 : i32
    %dma_wait3A_220 = tpu.memref_slice %arg22[%dma_wait3A_219] : memref<512xf32, #tpu.memory_space<vmem>> -> memref<128xf32, #tpu.memory_space<vmem>>
    %dma_wait3A_221 = arith.constant 384 : i32
    %dma_wait3A_222 = tpu.memref_slice %arg15[%dma_wait3A_221] : memref<512xi32, #tpu.memory_space<vmem>> -> memref<128xi32, #tpu.memory_space<vmem>>
    %dma_wait3A_223 = arith.constant 0 : i32
    %dma_wait3A_224 = tpu.memref_slice %arg10[%dma_wait3A_223] : memref<1000000xf32, #tpu.memory_space<hbm>> -> memref<1000000xf32, #tpu.memory_space<hbm>>
    tpu.wait_indirect_dma semaphore(%arg24 : memref<!tpu.dma_semaphore, #tpu.memory_space<semaphore_mem>>) src(%dma_wait3A_224 : memref<1000000xf32, #tpu.memory_space<hbm>>) dst(%dma_wait3A_220 : memref<128xf32, #tpu.memory_space<vmem>>)
    %scan3A = arith.constant 0 : i32
    %scan3A_225 = arith.constant 0 : i32
    %scan3A_226 = arith.constant 32 : i32
    %scan3A_227 = arith.addi %scan3A_225, %scan3A_226 : i32
    %scan3A_228 = arith.constant 1 : i32
    scf.for %scan3A_230 = %scan3A_225 to %scan3A_227 step %scan3A_228  : i32 {
      %mul3A_231 = arith.constant 16 : i32
      %mul3A_232 = arith.muli %scan3A_230, %mul3A_231 : i32
      %iota3A = tpu.iota {dimensions = array<i32: 0>} : vector<16xi32>
      %add3A_233 = vector.broadcast %mul3A_232 : i32 to vector<16xi32>
      %add3A_234 = arith.addi %add3A_233, %iota3A : vector<16xi32>
      %broadcast_in_dim3A = arith.constant 0.000000e+00 : f32
      %broadcast_in_dim3A_235 = vector.broadcast %broadcast_in_dim3A : f32 to vector<16xf32>
      %broadcast_in_dim3A_236 = arith.constant 0.000000e+00 : f32
      %broadcast_in_dim3A_237 = vector.broadcast %broadcast_in_dim3A_236 : f32 to vector<16xf32>
      %broadcast_in_dim3A_238 = arith.constant 0.000000e+00 : f32
      %broadcast_in_dim3A_239 = vector.broadcast %broadcast_in_dim3A_238 : f32 to vector<16xf32>
      %broadcast_in_dim3A_240 = arith.constant 0 : i32
      %broadcast_in_dim3A_241 = vector.broadcast %broadcast_in_dim3A_240 : i32 to vector<16xi32>
      %broadcast_in_dim3A_242 = arith.constant 1 : i32
      %broadcast_in_dim3A_243 = vector.broadcast %broadcast_in_dim3A_242 : i32 to vector<16xi32>
      %gather3A = tpu.vector_load_idx %arg18[%add3A_234, %broadcast_in_dim3A_241] : memref<512x64xf32, #tpu.memory_space<vmem>>[vector<16xi32>, vector<16xi32>], vector<16xf32>,
      %gather3A_244 = tpu.vector_load_idx %arg18[%add3A_234, %broadcast_in_dim3A_243] : memref<512x64xf32, #tpu.memory_space<vmem>>[vector<16xi32>, vector<16xi32>], vector<16xf32>,
      %gather3A_245 = tpu.vector_load_idx %arg19[%add3A_234, %broadcast_in_dim3A_241] : memref<512x64xf32, #tpu.memory_space<vmem>>[vector<16xi32>, vector<16xi32>], vector<16xf32>,
      %gather3A_246 = tpu.vector_load_idx %arg19[%add3A_234, %broadcast_in_dim3A_243] : memref<512x64xf32, #tpu.memory_space<vmem>>[vector<16xi32>, vector<16xi32>], vector<16xf32>,
      %get3A = arith.constant 0 : i32
      %get3A_247 = arith.index_cast %get3A : i32 to index
      %get3A_248 = arith.constant 0 : index
      %get3A_249 = tpu.vector_load %arg12[%get3A_247, %get3A_248] {strides = array<i32>} : memref<32x16xf32, #tpu.memory_space<vmem>>, vector<16xf32>,
      %get3A_250 = arith.constant 0 : i32
      %get3A_251 = arith.index_cast %get3A_250 : i32 to index
      %get3A_252 = arith.constant 0 : index
      %get3A_253 = tpu.vector_load %arg13[%get3A_251, %get3A_252] {strides = array<i32>} : memref<32x16xf32, #tpu.memory_space<vmem>>, vector<16xf32>,
      %mul3A_254 = arith.mulf %gather3A, %gather3A : vector<16xf32>
      %mul3A_255 = arith.mulf %gather3A_244, %gather3A_244 : vector<16xf32>
      %add3A_256 = arith.addf %mul3A_254, %mul3A_255 : vector<16xf32>
      %add3A_257 = arith.addf %broadcast_in_dim3A_235, %add3A_256 : vector<16xf32>
      %mul3A_258 = arith.mulf %gather3A_245, %gather3A_245 : vector<16xf32>
      %mul3A_259 = arith.mulf %gather3A_246, %gather3A_246 : vector<16xf32>
      %add3A_260 = arith.addf %mul3A_258, %mul3A_259 : vector<16xf32>
      %add3A_261 = arith.addf %broadcast_in_dim3A_237, %add3A_260 : vector<16xf32>
      %mul3A_262 = arith.mulf %gather3A, %gather3A_245 : vector<16xf32>
      %mul3A_263 = arith.mulf %gather3A_244, %gather3A_246 : vector<16xf32>
      %add3A_264 = arith.addf %mul3A_262, %mul3A_263 : vector<16xf32>
      %mul3A_265 = arith.mulf %get3A_249, %add3A_264 : vector<16xf32>
      %add3A_266 = arith.addf %broadcast_in_dim3A_239, %mul3A_265 : vector<16xf32>
      %mul3A_267 = arith.mulf %gather3A_244, %gather3A_245 : vector<16xf32>
      %mul3A_268 = arith.mulf %gather3A, %gather3A_246 : vector<16xf32>
      %sub3A = arith.subf %mul3A_267, %mul3A_268 : vector<16xf32>
      %mul3A_269 = arith.mulf %get3A_253, %sub3A : vector<16xf32>
      %add3A_270 = arith.addf %add3A_266, %mul3A_269 : vector<16xf32>
      %broadcast_in_dim3A_271 = arith.constant 2 : i32
      %broadcast_in_dim3A_272 = vector.broadcast %broadcast_in_dim3A_271 : i32 to vector<16xi32>
      %broadcast_in_dim3A_273 = arith.constant 3 : i32
      %broadcast_in_dim3A_274 = vector.broadcast %broadcast_in_dim3A_273 : i32 to vector<16xi32>
      %gather3A_275 = tpu.vector_load_idx %arg18[%add3A_234, %broadcast_in_dim3A_272] : memref<512x64xf32, #tpu.memory_space<vmem>>[vector<16xi32>, vector<16xi32>], vector<16xf32>,
      %gather3A_276 = tpu.vector_load_idx %arg18[%add3A_234, %broadcast_in_dim3A_274] : memref<512x64xf32, #tpu.memory_space<vmem>>[vector<16xi32>, vector<16xi32>], vector<16xf32>,
      %gather3A_277 = tpu.vector_load_idx %arg19[%add3A_234, %broadcast_in_dim3A_272] : memref<512x64xf32, #tpu.memory_space<vmem>>[vector<16xi32>, vector<16xi32>], vector<16xf32>,
      %gather3A_278 = tpu.vector_load_idx %arg19[%add3A_234, %broadcast_in_dim3A_274] : memref<512x64xf32, #tpu.memory_space<vmem>>[vector<16xi32>, vector<16xi32>], vector<16xf32>,
      %get3A_279 = arith.constant 1 : i32
      %get3A_280 = arith.index_cast %get3A_279 : i32 to index
      %get3A_281 = arith.constant 0 : index
      %get3A_282 = tpu.vector_load %arg12[%get3A_280, %get3A_281] {strides = array<i32>} : memref<32x16xf32, #tpu.memory_space<vmem>>, vector<16xf32>,
      %get3A_283 = arith.constant 1 : i32
      %get3A_284 = arith.index_cast %get3A_283 : i32 to index
      %get3A_285 = arith.constant 0 : index
      %get3A_286 = tpu.vector_load %arg13[%get3A_284, %get3A_285] {strides = array<i32>} : memref<32x16xf32, #tpu.memory_space<vmem>>, vector<16xf32>,
      %mul3A_287 = arith.mulf %gather3A_275, %gather3A_275 : vector<16xf32>
      %mul3A_288 = arith.mulf %gather3A_276, %gather3A_276 : vector<16xf32>
      %add3A_289 = arith.addf %mul3A_287, %mul3A_288 : vector<16xf32>
      %add3A_290 = arith.addf %add3A_257, %add3A_289 : vector<16xf32>
      %mul3A_291 = arith.mulf %gather3A_277, %gather3A_277 : vector<16xf32>
      %mul3A_292 = arith.mulf %gather3A_278, %gather3A_278 : vector<16xf32>
      %add3A_293 = arith.addf %mul3A_291, %mul3A_292 : vector<16xf32>
      %add3A_294 = arith.addf %add3A_261, %add3A_293 : vector<16xf32>
      %mul3A_295 = arith.mulf %gather3A_275, %gather3A_277 : vector<16xf32>
      %mul3A_296 = arith.mulf %gather3A_276, %gather3A_278 : vector<16xf32>
      %add3A_297 = arith.addf %mul3A_295, %mul3A_296 : vector<16xf32>
      %mul3A_298 = arith.mulf %get3A_282, %add3A_297 : vector<16xf32>
      %add3A_299 = arith.addf %add3A_270, %mul3A_298 : vector<16xf32>
      %mul3A_300 = arith.mulf %gather3A_276, %gather3A_277 : vector<16xf32>
      %mul3A_301 = arith.mulf %gather3A_275, %gather3A_278 : vector<16xf32>
      %sub3A_302 = arith.subf %mul3A_300, %mul3A_301 : vector<16xf32>
      %mul3A_303 = arith.mulf %get3A_286, %sub3A_302 : vector<16xf32>
      %add3A_304 = arith.addf %add3A_299, %mul3A_303 : vector<16xf32>
      %broadcast_in_dim3A_305 = arith.constant 4 : i32
      %broadcast_in_dim3A_306 = vector.broadcast %broadcast_in_dim3A_305 : i32 to vector<16xi32>
      %broadcast_in_dim3A_307 = arith.constant 5 : i32
      %broadcast_in_dim3A_308 = vector.broadcast %broadcast_in_dim3A_307 : i32 to vector<16xi32>
      %gather3A_309 = tpu.vector_load_idx %arg18[%add3A_234, %broadcast_in_dim3A_306] : memref<512x64xf32, #tpu.memory_space<vmem>>[vector<16xi32>, vector<16xi32>], vector<16xf32>,
      %gather3A_310 = tpu.vector_load_idx %arg18[%add3A_234, %broadcast_in_dim3A_308] : memref<512x64xf32, #tpu.memory_space<vmem>>[vector<16xi32>, vector<16xi32>], vector<16xf32>,
      %gather3A_311 = tpu.vector_load_idx %arg19[%add3A_234, %broadcast_in_dim3A_306] : memref<512x64xf32, #tpu.memory_space<vmem>>[vector<16xi32>, vector<16xi32>], vector<16xf32>,
      %gather3A_312 = tpu.vector_load_idx %arg19[%add3A_234, %broadcast_in_dim3A_308] : memref<512x64xf32, #tpu.memory_space<vmem>>[vector<16xi32>, vector<16xi32>], vector<16xf32>,
      %get3A_313 = arith.constant 2 : i32
      %get3A_314 = arith.index_cast %get3A_313 : i32 to index
      %get3A_315 = arith.constant 0 : index
      %get3A_316 = tpu.vector_load %arg12[%get3A_314, %get3A_315] {strides = array<i32>} : memref<32x16xf32, #tpu.memory_space<vmem>>, vector<16xf32>,
      %get3A_317 = arith.constant 2 : i32
      %get3A_318 = arith.index_cast %get3A_317 : i32 to index
      %get3A_319 = arith.constant 0 : index
      %get3A_320 = tpu.vector_load %arg13[%get3A_318, %get3A_319] {strides = array<i32>} : memref<32x16xf32, #tpu.memory_space<vmem>>, vector<16xf32>,
      %mul3A_321 = arith.mulf %gather3A_309, %gather3A_309 : vector<16xf32>
      %mul3A_322 = arith.mulf %gather3A_310, %gather3A_310 : vector<16xf32>
      %add3A_323 = arith.addf %mul3A_321, %mul3A_322 : vector<16xf32>
      %add3A_324 = arith.addf %add3A_290, %add3A_323 : vector<16xf32>
      %mul3A_325 = arith.mulf %gather3A_311, %gather3A_311 : vector<16xf32>
      %mul3A_326 = arith.mulf %gather3A_312, %gather3A_312 : vector<16xf32>
      %add3A_327 = arith.addf %mul3A_325, %mul3A_326 : vector<16xf32>
      %add3A_328 = arith.addf %add3A_294, %add3A_327 : vector<16xf32>
      %mul3A_329 = arith.mulf %gather3A_309, %gather3A_311 : vector<16xf32>
      %mul3A_330 = arith.mulf %gather3A_310, %gather3A_312 : vector<16xf32>
      %add3A_331 = arith.addf %mul3A_329, %mul3A_330 : vector<16xf32>
      %mul3A_332 = arith.mulf %get3A_316, %add3A_331 : vector<16xf32>
      %add3A_333 = arith.addf %add3A_304, %mul3A_332 : vector<16xf32>
      %mul3A_334 = arith.mulf %gather3A_310, %gather3A_311 : vector<16xf32>
      %mul3A_335 = arith.mulf %gather3A_309, %gather3A_312 : vector<16xf32>
      %sub3A_336 = arith.subf %mul3A_334, %mul3A_335 : vector<16xf32>
      %mul3A_337 = arith.mulf %get3A_320, %sub3A_336 : vector<16xf32>
      %add3A_338 = arith.addf %add3A_333, %mul3A_337 : vector<16xf32>
      %broadcast_in_dim3A_339 = arith.constant 6 : i32
      %broadcast_in_dim3A_340 = vector.broadcast %broadcast_in_dim3A_339 : i32 to vector<16xi32>
      %broadcast_in_dim3A_341 = arith.constant 7 : i32
      %broadcast_in_dim3A_342 = vector.broadcast %broadcast_in_dim3A_341 : i32 to vector<16xi32>
      %gather3A_343 = tpu.vector_load_idx %arg18[%add3A_234, %broadcast_in_dim3A_340] : memref<512x64xf32, #tpu.memory_space<vmem>>[vector<16xi32>, vector<16xi32>], vector<16xf32>,
      %gather3A_344 = tpu.vector_load_idx %arg18[%add3A_234, %broadcast_in_dim3A_342] : memref<512x64xf32, #tpu.memory_space<vmem>>[vector<16xi32>, vector<16xi32>], vector<16xf32>,
      %gather3A_345 = tpu.vector_load_idx %arg19[%add3A_234, %broadcast_in_dim3A_340] : memref<512x64xf32, #tpu.memory_space<vmem>>[vector<16xi32>, vector<16xi32>], vector<16xf32>,
      %gather3A_346 = tpu.vector_load_idx %arg19[%add3A_234, %broadcast_in_dim3A_342] : memref<512x64xf32, #tpu.memory_space<vmem>>[vector<16xi32>, vector<16xi32>], vector<16xf32>,
      %get3A_347 = arith.constant 3 : i32
      %get3A_348 = arith.index_cast %get3A_347 : i32 to index
      %get3A_349 = arith.constant 0 : index
      %get3A_350 = tpu.vector_load %arg12[%get3A_348, %get3A_349] {strides = array<i32>} : memref<32x16xf32, #tpu.memory_space<vmem>>, vector<16xf32>,
      %get3A_351 = arith.constant 3 : i32
      %get3A_352 = arith.index_cast %get3A_351 : i32 to index
      %get3A_353 = arith.constant 0 : index
      %get3A_354 = tpu.vector_load %arg13[%get3A_352, %get3A_353] {strides = array<i32>} : memref<32x16xf32, #tpu.memory_space<vmem>>, vector<16xf32>,
      %mul3A_355 = arith.mulf %gather3A_343, %gather3A_343 : vector<16xf32>
      %mul3A_356 = arith.mulf %gather3A_344, %gather3A_344 : vector<16xf32>
      %add3A_357 = arith.addf %mul3A_355, %mul3A_356 : vector<16xf32>
      %add3A_358 = arith.addf %add3A_324, %add3A_357 : vector<16xf32>
      %mul3A_359 = arith.mulf %gather3A_345, %gather3A_345 : vector<16xf32>
      %mul3A_360 = arith.mulf %gather3A_346, %gather3A_346 : vector<16xf32>
      %add3A_361 = arith.addf %mul3A_359, %mul3A_360 : vector<16xf32>
      %add3A_362 = arith.addf %add3A_328, %add3A_361 : vector<16xf32>
      %mul3A_363 = arith.mulf %gather3A_343, %gather3A_345 : vector<16xf32>
      %mul3A_364 = arith.mulf %gather3A_344, %gather3A_346 : vector<16xf32>
      %add3A_365 = arith.addf %mul3A_363, %mul3A_364 : vector<16xf32>
      %mul3A_366 = arith.mulf %get3A_350, %add3A_365 : vector<16xf32>
      %add3A_367 = arith.addf %add3A_338, %mul3A_366 : vector<16xf32>
      %mul3A_368 = arith.mulf %gather3A_344, %gather3A_345 : vector<16xf32>
      %mul3A_369 = arith.mulf %gather3A_343, %gather3A_346 : vector<16xf32>
      %sub3A_370 = arith.subf %mul3A_368, %mul3A_369 : vector<16xf32>
      %mul3A_371 = arith.mulf %get3A_354, %sub3A_370 : vector<16xf32>
      %add3A_372 = arith.addf %add3A_367, %mul3A_371 : vector<16xf32>
      %broadcast_in_dim3A_373 = arith.constant 8 : i32
      %broadcast_in_dim3A_374 = vector.broadcast %broadcast_in_dim3A_373 : i32 to vector<16xi32>
      %broadcast_in_dim3A_375 = arith.constant 9 : i32
      %broadcast_in_dim3A_376 = vector.broadcast %broadcast_in_dim3A_375 : i32 to vector<16xi32>
      %gather3A_377 = tpu.vector_load_idx %arg18[%add3A_234, %broadcast_in_dim3A_374] : memref<512x64xf32, #tpu.memory_space<vmem>>[vector<16xi32>, vector<16xi32>], vector<16xf32>,
      %gather3A_378 = tpu.vector_load_idx %arg18[%add3A_234, %broadcast_in_dim3A_376] : memref<512x64xf32, #tpu.memory_space<vmem>>[vector<16xi32>, vector<16xi32>], vector<16xf32>,
      %gather3A_379 = tpu.vector_load_idx %arg19[%add3A_234, %broadcast_in_dim3A_374] : memref<512x64xf32, #tpu.memory_space<vmem>>[vector<16xi32>, vector<16xi32>], vector<16xf32>,
      %gather3A_380 = tpu.vector_load_idx %arg19[%add3A_234, %broadcast_in_dim3A_376] : memref<512x64xf32, #tpu.memory_space<vmem>>[vector<16xi32>, vector<16xi32>], vector<16xf32>,
      %get3A_381 = arith.constant 4 : i32
      %get3A_382 = arith.index_cast %get3A_381 : i32 to index
      %get3A_383 = arith.constant 0 : index
      %get3A_384 = tpu.vector_load %arg12[%get3A_382, %get3A_383] {strides = array<i32>} : memref<32x16xf32, #tpu.memory_space<vmem>>, vector<16xf32>,
      %get3A_385 = arith.constant 4 : i32
      %get3A_386 = arith.index_cast %get3A_385 : i32 to index
      %get3A_387 = arith.constant 0 : index
      %get3A_388 = tpu.vector_load %arg13[%get3A_386, %get3A_387] {strides = array<i32>} : memref<32x16xf32, #tpu.memory_space<vmem>>, vector<16xf32>,
      %mul3A_389 = arith.mulf %gather3A_377, %gather3A_377 : vector<16xf32>
      %mul3A_390 = arith.mulf %gather3A_378, %gather3A_378 : vector<16xf32>
      %add3A_391 = arith.addf %mul3A_389, %mul3A_390 : vector<16xf32>
      %add3A_392 = arith.addf %add3A_358, %add3A_391 : vector<16xf32>
      %mul3A_393 = arith.mulf %gather3A_379, %gather3A_379 : vector<16xf32>
      %mul3A_394 = arith.mulf %gather3A_380, %gather3A_380 : vector<16xf32>
      %add3A_395 = arith.addf %mul3A_393, %mul3A_394 : vector<16xf32>
      %add3A_396 = arith.addf %add3A_362, %add3A_395 : vector<16xf32>
      %mul3A_397 = arith.mulf %gather3A_377, %gather3A_379 : vector<16xf32>
      %mul3A_398 = arith.mulf %gather3A_378, %gather3A_380 : vector<16xf32>
      %add3A_399 = arith.addf %mul3A_397, %mul3A_398 : vector<16xf32>
      %mul3A_400 = arith.mulf %get3A_384, %add3A_399 : vector<16xf32>
      %add3A_401 = arith.addf %add3A_372, %mul3A_400 : vector<16xf32>
      %mul3A_402 = arith.mulf %gather3A_378, %gather3A_379 : vector<16xf32>
      %mul3A_403 = arith.mulf %gather3A_377, %gather3A_380 : vector<16xf32>
      %sub3A_404 = arith.subf %mul3A_402, %mul3A_403 : vector<16xf32>
      %mul3A_405 = arith.mulf %get3A_388, %sub3A_404 : vector<16xf32>
      %add3A_406 = arith.addf %add3A_401, %mul3A_405 : vector<16xf32>
      %broadcast_in_dim3A_407 = arith.constant 10 : i32
      %broadcast_in_dim3A_408 = vector.broadcast %broadcast_in_dim3A_407 : i32 to vector<16xi32>
      %broadcast_in_dim3A_409 = arith.constant 11 : i32
      %broadcast_in_dim3A_410 = vector.broadcast %broadcast_in_dim3A_409 : i32 to vector<16xi32>
      %gather3A_411 = tpu.vector_load_idx %arg18[%add3A_234, %broadcast_in_dim3A_408] : memref<512x64xf32, #tpu.memory_space<vmem>>[vector<16xi32>, vector<16xi32>], vector<16xf32>,
      %gather3A_412 = tpu.vector_load_idx %arg18[%add3A_234, %broadcast_in_dim3A_410] : memref<512x64xf32, #tpu.memory_space<vmem>>[vector<16xi32>, vector<16xi32>], vector<16xf32>,
      %gather3A_413 = tpu.vector_load_idx %arg19[%add3A_234, %broadcast_in_dim3A_408] : memref<512x64xf32, #tpu.memory_space<vmem>>[vector<16xi32>, vector<16xi32>], vector<16xf32>,
      %gather3A_414 = tpu.vector_load_idx %arg19[%add3A_234, %broadcast_in_dim3A_410] : memref<512x64xf32, #tpu.memory_space<vmem>>[vector<16xi32>, vector<16xi32>], vector<16xf32>,
      %get3A_415 = arith.constant 5 : i32
      %get3A_416 = arith.index_cast %get3A_415 : i32 to index
      %get3A_417 = arith.constant 0 : index
      %get3A_418 = tpu.vector_load %arg12[%get3A_416, %get3A_417] {strides = array<i32>} : memref<32x16xf32, #tpu.memory_space<vmem>>, vector<16xf32>,
      %get3A_419 = arith.constant 5 : i32
      %get3A_420 = arith.index_cast %get3A_419 : i32 to index
      %get3A_421 = arith.constant 0 : index
      %get3A_422 = tpu.vector_load %arg13[%get3A_420, %get3A_421] {strides = array<i32>} : memref<32x16xf32, #tpu.memory_space<vmem>>, vector<16xf32>,
      %mul3A_423 = arith.mulf %gather3A_411, %gather3A_411 : vector<16xf32>
      %mul3A_424 = arith.mulf %gather3A_412, %gather3A_412 : vector<16xf32>
      %add3A_425 = arith.addf %mul3A_423, %mul3A_424 : vector<16xf32>
      %add3A_426 = arith.addf %add3A_392, %add3A_425 : vector<16xf32>
      %mul3A_427 = arith.mulf %gather3A_413, %gather3A_413 : vector<16xf32>
      %mul3A_428 = arith.mulf %gather3A_414, %gather3A_414 : vector<16xf32>
      %add3A_429 = arith.addf %mul3A_427, %mul3A_428 : vector<16xf32>
      %add3A_430 = arith.addf %add3A_396, %add3A_429 : vector<16xf32>
      %mul3A_431 = arith.mulf %gather3A_411, %gather3A_413 : vector<16xf32>
      %mul3A_432 = arith.mulf %gather3A_412, %gather3A_414 : vector<16xf32>
      %add3A_433 = arith.addf %mul3A_431, %mul3A_432 : vector<16xf32>
      %mul3A_434 = arith.mulf %get3A_418, %add3A_433 : vector<16xf32>
      %add3A_435 = arith.addf %add3A_406, %mul3A_434 : vector<16xf32>
      %mul3A_436 = arith.mulf %gather3A_412, %gather3A_413 : vector<16xf32>
      %mul3A_437 = arith.mulf %gather3A_411, %gather3A_414 : vector<16xf32>
      %sub3A_438 = arith.subf %mul3A_436, %mul3A_437 : vector<16xf32>
      %mul3A_439 = arith.mulf %get3A_422, %sub3A_438 : vector<16xf32>
      %add3A_440 = arith.addf %add3A_435, %mul3A_439 : vector<16xf32>
      %broadcast_in_dim3A_441 = arith.constant 12 : i32
      %broadcast_in_dim3A_442 = vector.broadcast %broadcast_in_dim3A_441 : i32 to vector<16xi32>
      %broadcast_in_dim3A_443 = arith.constant 13 : i32
      %broadcast_in_dim3A_444 = vector.broadcast %broadcast_in_dim3A_443 : i32 to vector<16xi32>
      %gather3A_445 = tpu.vector_load_idx %arg18[%add3A_234, %broadcast_in_dim3A_442] : memref<512x64xf32, #tpu.memory_space<vmem>>[vector<16xi32>, vector<16xi32>], vector<16xf32>,
      %gather3A_446 = tpu.vector_load_idx %arg18[%add3A_234, %broadcast_in_dim3A_444] : memref<512x64xf32, #tpu.memory_space<vmem>>[vector<16xi32>, vector<16xi32>], vector<16xf32>,
      %gather3A_447 = tpu.vector_load_idx %arg19[%add3A_234, %broadcast_in_dim3A_442] : memref<512x64xf32, #tpu.memory_space<vmem>>[vector<16xi32>, vector<16xi32>], vector<16xf32>,
      %gather3A_448 = tpu.vector_load_idx %arg19[%add3A_234, %broadcast_in_dim3A_444] : memref<512x64xf32, #tpu.memory_space<vmem>>[vector<16xi32>, vector<16xi32>], vector<16xf32>,
      %get3A_449 = arith.constant 6 : i32
      %get3A_450 = arith.index_cast %get3A_449 : i32 to index
      %get3A_451 = arith.constant 0 : index
      %get3A_452 = tpu.vector_load %arg12[%get3A_450, %get3A_451] {strides = array<i32>} : memref<32x16xf32, #tpu.memory_space<vmem>>, vector<16xf32>,
      %get3A_453 = arith.constant 6 : i32
      %get3A_454 = arith.index_cast %get3A_453 : i32 to index
      %get3A_455 = arith.constant 0 : index
      %get3A_456 = tpu.vector_load %arg13[%get3A_454, %get3A_455] {strides = array<i32>} : memref<32x16xf32, #tpu.memory_space<vmem>>, vector<16xf32>,
      %mul3A_457 = arith.mulf %gather3A_445, %gather3A_445 : vector<16xf32>
      %mul3A_458 = arith.mulf %gather3A_446, %gather3A_446 : vector<16xf32>
      %add3A_459 = arith.addf %mul3A_457, %mul3A_458 : vector<16xf32>
      %add3A_460 = arith.addf %add3A_426, %add3A_459 : vector<16xf32>
      %mul3A_461 = arith.mulf %gather3A_447, %gather3A_447 : vector<16xf32>
      %mul3A_462 = arith.mulf %gather3A_448, %gather3A_448 : vector<16xf32>
      %add3A_463 = arith.addf %mul3A_461, %mul3A_462 : vector<16xf32>
      %add3A_464 = arith.addf %add3A_430, %add3A_463 : vector<16xf32>
      %mul3A_465 = arith.mulf %gather3A_445, %gather3A_447 : vector<16xf32>
      %mul3A_466 = arith.mulf %gather3A_446, %gather3A_448 : vector<16xf32>
      %add3A_467 = arith.addf %mul3A_465, %mul3A_466 : vector<16xf32>
      %mul3A_468 = arith.mulf %get3A_452, %add3A_467 : vector<16xf32>
      %add3A_469 = arith.addf %add3A_440, %mul3A_468 : vector<16xf32>
      %mul3A_470 = arith.mulf %gather3A_446, %gather3A_447 : vector<16xf32>
      %mul3A_471 = arith.mulf %gather3A_445, %gather3A_448 : vector<16xf32>
      %sub3A_472 = arith.subf %mul3A_470, %mul3A_471 : vector<16xf32>
      %mul3A_473 = arith.mulf %get3A_456, %sub3A_472 : vector<16xf32>
      %add3A_474 = arith.addf %add3A_469, %mul3A_473 : vector<16xf32>
      %broadcast_in_dim3A_475 = arith.constant 14 : i32
      %broadcast_in_dim3A_476 = vector.broadcast %broadcast_in_dim3A_475 : i32 to vector<16xi32>
      %broadcast_in_dim3A_477 = arith.constant 15 : i32
      %broadcast_in_dim3A_478 = vector.broadcast %broadcast_in_dim3A_477 : i32 to vector<16xi32>
      %gather3A_479 = tpu.vector_load_idx %arg18[%add3A_234, %broadcast_in_dim3A_476] : memref<512x64xf32, #tpu.memory_space<vmem>>[vector<16xi32>, vector<16xi32>], vector<16xf32>,
      %gather3A_480 = tpu.vector_load_idx %arg18[%add3A_234, %broadcast_in_dim3A_478] : memref<512x64xf32, #tpu.memory_space<vmem>>[vector<16xi32>, vector<16xi32>], vector<16xf32>,
      %gather3A_481 = tpu.vector_load_idx %arg19[%add3A_234, %broadcast_in_dim3A_476] : memref<512x64xf32, #tpu.memory_space<vmem>>[vector<16xi32>, vector<16xi32>], vector<16xf32>,
      %gather3A_482 = tpu.vector_load_idx %arg19[%add3A_234, %broadcast_in_dim3A_478] : memref<512x64xf32, #tpu.memory_space<vmem>>[vector<16xi32>, vector<16xi32>], vector<16xf32>,
      %get3A_483 = arith.constant 7 : i32
      %get3A_484 = arith.index_cast %get3A_483 : i32 to index
      %get3A_485 = arith.constant 0 : index
      %get3A_486 = tpu.vector_load %arg12[%get3A_484, %get3A_485] {strides = array<i32>} : memref<32x16xf32, #tpu.memory_space<vmem>>, vector<16xf32>,
      %get3A_487 = arith.constant 7 : i32
      %get3A_488 = arith.index_cast %get3A_487 : i32 to index
      %get3A_489 = arith.constant 0 : index
      %get3A_490 = tpu.vector_load %arg13[%get3A_488, %get3A_489] {strides = array<i32>} : memref<32x16xf32, #tpu.memory_space<vmem>>, vector<16xf32>,
      %mul3A_491 = arith.mulf %gather3A_479, %gather3A_479 : vector<16xf32>
      %mul3A_492 = arith.mulf %gather3A_480, %gather3A_480 : vector<16xf32>
      %add3A_493 = arith.addf %mul3A_491, %mul3A_492 : vector<16xf32>
      %add3A_494 = arith.addf %add3A_460, %add3A_493 : vector<16xf32>
      %mul3A_495 = arith.mulf %gather3A_481, %gather3A_481 : vector<16xf32>
      %mul3A_496 = arith.mulf %gather3A_482, %gather3A_482 : vector<16xf32>
      %add3A_497 = arith.addf %mul3A_495, %mul3A_496 : vector<16xf32>
      %add3A_498 = arith.addf %add3A_464, %add3A_497 : vector<16xf32>
      %mul3A_499 = arith.mulf %gather3A_479, %gather3A_481 : vector<16xf32>
      %mul3A_500 = arith.mulf %gather3A_480, %gather3A_482 : vector<16xf32>
      %add3A_501 = arith.addf %mul3A_499, %mul3A_500 : vector<16xf32>
      %mul3A_502 = arith.mulf %get3A_486, %add3A_501 : vector<16xf32>
      %add3A_503 = arith.addf %add3A_474, %mul3A_502 : vector<16xf32>
      %mul3A_504 = arith.mulf %gather3A_480, %gather3A_481 : vector<16xf32>
      %mul3A_505 = arith.mulf %gather3A_479, %gather3A_482 : vector<16xf32>
      %sub3A_506 = arith.subf %mul3A_504, %mul3A_505 : vector<16xf32>
      %mul3A_507 = arith.mulf %get3A_490, %sub3A_506 : vector<16xf32>
      %add3A_508 = arith.addf %add3A_503, %mul3A_507 : vector<16xf32>
      %broadcast_in_dim3A_509 = arith.constant 16 : i32
      %broadcast_in_dim3A_510 = vector.broadcast %broadcast_in_dim3A_509 : i32 to vector<16xi32>
      %broadcast_in_dim3A_511 = arith.constant 17 : i32
      %broadcast_in_dim3A_512 = vector.broadcast %broadcast_in_dim3A_511 : i32 to vector<16xi32>
      %gather3A_513 = tpu.vector_load_idx %arg18[%add3A_234, %broadcast_in_dim3A_510] : memref<512x64xf32, #tpu.memory_space<vmem>>[vector<16xi32>, vector<16xi32>], vector<16xf32>,
      %gather3A_514 = tpu.vector_load_idx %arg18[%add3A_234, %broadcast_in_dim3A_512] : memref<512x64xf32, #tpu.memory_space<vmem>>[vector<16xi32>, vector<16xi32>], vector<16xf32>,
      %gather3A_515 = tpu.vector_load_idx %arg19[%add3A_234, %broadcast_in_dim3A_510] : memref<512x64xf32, #tpu.memory_space<vmem>>[vector<16xi32>, vector<16xi32>], vector<16xf32>,
      %gather3A_516 = tpu.vector_load_idx %arg19[%add3A_234, %broadcast_in_dim3A_512] : memref<512x64xf32, #tpu.memory_space<vmem>>[vector<16xi32>, vector<16xi32>], vector<16xf32>,
      %get3A_517 = arith.constant 8 : i32
      %get3A_518 = arith.index_cast %get3A_517 : i32 to index
      %get3A_519 = arith.constant 0 : index
      %get3A_520 = tpu.vector_load %arg12[%get3A_518, %get3A_519] {strides = array<i32>} : memref<32x16xf32, #tpu.memory_space<vmem>>, vector<16xf32>,
      %get3A_521 = arith.constant 8 : i32
      %get3A_522 = arith.index_cast %get3A_521 : i32 to index
      %get3A_523 = arith.constant 0 : index
      %get3A_524 = tpu.vector_load %arg13[%get3A_522, %get3A_523] {strides = array<i32>} : memref<32x16xf32, #tpu.memory_space<vmem>>, vector<16xf32>,
      %mul3A_525 = arith.mulf %gather3A_513, %gather3A_513 : vector<16xf32>
      %mul3A_526 = arith.mulf %gather3A_514, %gather3A_514 : vector<16xf32>
      %add3A_527 = arith.addf %mul3A_525, %mul3A_526 : vector<16xf32>
      %add3A_528 = arith.addf %add3A_494, %add3A_527 : vector<16xf32>
      %mul3A_529 = arith.mulf %gather3A_515, %gather3A_515 : vector<16xf32>
      %mul3A_530 = arith.mulf %gather3A_516, %gather3A_516 : vector<16xf32>
      %add3A_531 = arith.addf %mul3A_529, %mul3A_530 : vector<16xf32>
      %add3A_532 = arith.addf %add3A_498, %add3A_531 : vector<16xf32>
      %mul3A_533 = arith.mulf %gather3A_513, %gather3A_515 : vector<16xf32>
      %mul3A_534 = arith.mulf %gather3A_514, %gather3A_516 : vector<16xf32>
      %add3A_535 = arith.addf %mul3A_533, %mul3A_534 : vector<16xf32>
      %mul3A_536 = arith.mulf %get3A_520, %add3A_535 : vector<16xf32>
      %add3A_537 = arith.addf %add3A_508, %mul3A_536 : vector<16xf32>
      %mul3A_538 = arith.mulf %gather3A_514, %gather3A_515 : vector<16xf32>
      %mul3A_539 = arith.mulf %gather3A_513, %gather3A_516 : vector<16xf32>
      %sub3A_540 = arith.subf %mul3A_538, %mul3A_539 : vector<16xf32>
      %mul3A_541 = arith.mulf %get3A_524, %sub3A_540 : vector<16xf32>
      %add3A_542 = arith.addf %add3A_537, %mul3A_541 : vector<16xf32>
      %broadcast_in_dim3A_543 = arith.constant 18 : i32
      %broadcast_in_dim3A_544 = vector.broadcast %broadcast_in_dim3A_543 : i32 to vector<16xi32>
      %broadcast_in_dim3A_545 = arith.constant 19 : i32
      %broadcast_in_dim3A_546 = vector.broadcast %broadcast_in_dim3A_545 : i32 to vector<16xi32>
      %gather3A_547 = tpu.vector_load_idx %arg18[%add3A_234, %broadcast_in_dim3A_544] : memref<512x64xf32, #tpu.memory_space<vmem>>[vector<16xi32>, vector<16xi32>], vector<16xf32>,
      %gather3A_548 = tpu.vector_load_idx %arg18[%add3A_234, %broadcast_in_dim3A_546] : memref<512x64xf32, #tpu.memory_space<vmem>>[vector<16xi32>, vector<16xi32>], vector<16xf32>,
      %gather3A_549 = tpu.vector_load_idx %arg19[%add3A_234, %broadcast_in_dim3A_544] : memref<512x64xf32, #tpu.memory_space<vmem>>[vector<16xi32>, vector<16xi32>], vector<16xf32>,
      %gather3A_550 = tpu.vector_load_idx %arg19[%add3A_234, %broadcast_in_dim3A_546] : memref<512x64xf32, #tpu.memory_space<vmem>>[vector<16xi32>, vector<16xi32>], vector<16xf32>,
      %get3A_551 = arith.constant 9 : i32
      %get3A_552 = arith.index_cast %get3A_551 : i32 to index
      %get3A_553 = arith.constant 0 : index
      %get3A_554 = tpu.vector_load %arg12[%get3A_552, %get3A_553] {strides = array<i32>} : memref<32x16xf32, #tpu.memory_space<vmem>>, vector<16xf32>,
      %get3A_555 = arith.constant 9 : i32
      %get3A_556 = arith.index_cast %get3A_555 : i32 to index
      %get3A_557 = arith.constant 0 : index
      %get3A_558 = tpu.vector_load %arg13[%get3A_556, %get3A_557] {strides = array<i32>} : memref<32x16xf32, #tpu.memory_space<vmem>>, vector<16xf32>,
      %mul3A_559 = arith.mulf %gather3A_547, %gather3A_547 : vector<16xf32>
      %mul3A_560 = arith.mulf %gather3A_548, %gather3A_548 : vector<16xf32>
      %add3A_561 = arith.addf %mul3A_559, %mul3A_560 : vector<16xf32>
      %add3A_562 = arith.addf %add3A_528, %add3A_561 : vector<16xf32>
      %mul3A_563 = arith.mulf %gather3A_549, %gather3A_549 : vector<16xf32>
      %mul3A_564 = arith.mulf %gather3A_550, %gather3A_550 : vector<16xf32>
      %add3A_565 = arith.addf %mul3A_563, %mul3A_564 : vector<16xf32>
      %add3A_566 = arith.addf %add3A_532, %add3A_565 : vector<16xf32>
      %mul3A_567 = arith.mulf %gather3A_547, %gather3A_549 : vector<16xf32>
      %mul3A_568 = arith.mulf %gather3A_548, %gather3A_550 : vector<16xf32>
      %add3A_569 = arith.addf %mul3A_567, %mul3A_568 : vector<16xf32>
      %mul3A_570 = arith.mulf %get3A_554, %add3A_569 : vector<16xf32>
      %add3A_571 = arith.addf %add3A_542, %mul3A_570 : vector<16xf32>
      %mul3A_572 = arith.mulf %gather3A_548, %gather3A_549 : vector<16xf32>
      %mul3A_573 = arith.mulf %gather3A_547, %gather3A_550 : vector<16xf32>
      %sub3A_574 = arith.subf %mul3A_572, %mul3A_573 : vector<16xf32>
      %mul3A_575 = arith.mulf %get3A_558, %sub3A_574 : vector<16xf32>
      %add3A_576 = arith.addf %add3A_571, %mul3A_575 : vector<16xf32>
      %broadcast_in_dim3A_577 = arith.constant 20 : i32
      %broadcast_in_dim3A_578 = vector.broadcast %broadcast_in_dim3A_577 : i32 to vector<16xi32>
      %broadcast_in_dim3A_579 = arith.constant 21 : i32
      %broadcast_in_dim3A_580 = vector.broadcast %broadcast_in_dim3A_579 : i32 to vector<16xi32>
      %gather3A_581 = tpu.vector_load_idx %arg18[%add3A_234, %broadcast_in_dim3A_578] : memref<512x64xf32, #tpu.memory_space<vmem>>[vector<16xi32>, vector<16xi32>], vector<16xf32>,
      %gather3A_582 = tpu.vector_load_idx %arg18[%add3A_234, %broadcast_in_dim3A_580] : memref<512x64xf32, #tpu.memory_space<vmem>>[vector<16xi32>, vector<16xi32>], vector<16xf32>,
      %gather3A_583 = tpu.vector_load_idx %arg19[%add3A_234, %broadcast_in_dim3A_578] : memref<512x64xf32, #tpu.memory_space<vmem>>[vector<16xi32>, vector<16xi32>], vector<16xf32>,
      %gather3A_584 = tpu.vector_load_idx %arg19[%add3A_234, %broadcast_in_dim3A_580] : memref<512x64xf32, #tpu.memory_space<vmem>>[vector<16xi32>, vector<16xi32>], vector<16xf32>,
      %get3A_585 = arith.constant 10 : i32
      %get3A_586 = arith.index_cast %get3A_585 : i32 to index
      %get3A_587 = arith.constant 0 : index
      %get3A_588 = tpu.vector_load %arg12[%get3A_586, %get3A_587] {strides = array<i32>} : memref<32x16xf32, #tpu.memory_space<vmem>>, vector<16xf32>,
      %get3A_589 = arith.constant 10 : i32
      %get3A_590 = arith.index_cast %get3A_589 : i32 to index
      %get3A_591 = arith.constant 0 : index
      %get3A_592 = tpu.vector_load %arg13[%get3A_590, %get3A_591] {strides = array<i32>} : memref<32x16xf32, #tpu.memory_space<vmem>>, vector<16xf32>,
      %mul3A_593 = arith.mulf %gather3A_581, %gather3A_581 : vector<16xf32>
      %mul3A_594 = arith.mulf %gather3A_582, %gather3A_582 : vector<16xf32>
      %add3A_595 = arith.addf %mul3A_593, %mul3A_594 : vector<16xf32>
      %add3A_596 = arith.addf %add3A_562, %add3A_595 : vector<16xf32>
      %mul3A_597 = arith.mulf %gather3A_583, %gather3A_583 : vector<16xf32>
      %mul3A_598 = arith.mulf %gather3A_584, %gather3A_584 : vector<16xf32>
      %add3A_599 = arith.addf %mul3A_597, %mul3A_598 : vector<16xf32>
      %add3A_600 = arith.addf %add3A_566, %add3A_599 : vector<16xf32>
      %mul3A_601 = arith.mulf %gather3A_581, %gather3A_583 : vector<16xf32>
      %mul3A_602 = arith.mulf %gather3A_582, %gather3A_584 : vector<16xf32>
      %add3A_603 = arith.addf %mul3A_601, %mul3A_602 : vector<16xf32>
      %mul3A_604 = arith.mulf %get3A_588, %add3A_603 : vector<16xf32>
      %add3A_605 = arith.addf %add3A_576, %mul3A_604 : vector<16xf32>
      %mul3A_606 = arith.mulf %gather3A_582, %gather3A_583 : vector<16xf32>
      %mul3A_607 = arith.mulf %gather3A_581, %gather3A_584 : vector<16xf32>
      %sub3A_608 = arith.subf %mul3A_606, %mul3A_607 : vector<16xf32>
      %mul3A_609 = arith.mulf %get3A_592, %sub3A_608 : vector<16xf32>
      %add3A_610 = arith.addf %add3A_605, %mul3A_609 : vector<16xf32>
      %broadcast_in_dim3A_611 = arith.constant 22 : i32
      %broadcast_in_dim3A_612 = vector.broadcast %broadcast_in_dim3A_611 : i32 to vector<16xi32>
      %broadcast_in_dim3A_613 = arith.constant 23 : i32
      %broadcast_in_dim3A_614 = vector.broadcast %broadcast_in_dim3A_613 : i32 to vector<16xi32>
      %gather3A_615 = tpu.vector_load_idx %arg18[%add3A_234, %broadcast_in_dim3A_612] : memref<512x64xf32, #tpu.memory_space<vmem>>[vector<16xi32>, vector<16xi32>], vector<16xf32>,
      %gather3A_616 = tpu.vector_load_idx %arg18[%add3A_234, %broadcast_in_dim3A_614] : memref<512x64xf32, #tpu.memory_space<vmem>>[vector<16xi32>, vector<16xi32>], vector<16xf32>,
      %gather3A_617 = tpu.vector_load_idx %arg19[%add3A_234, %broadcast_in_dim3A_612] : memref<512x64xf32, #tpu.memory_space<vmem>>[vector<16xi32>, vector<16xi32>], vector<16xf32>,
      %gather3A_618 = tpu.vector_load_idx %arg19[%add3A_234, %broadcast_in_dim3A_614] : memref<512x64xf32, #tpu.memory_space<vmem>>[vector<16xi32>, vector<16xi32>], vector<16xf32>,
      %get3A_619 = arith.constant 11 : i32
      %get3A_620 = arith.index_cast %get3A_619 : i32 to index
      %get3A_621 = arith.constant 0 : index
      %get3A_622 = tpu.vector_load %arg12[%get3A_620, %get3A_621] {strides = array<i32>} : memref<32x16xf32, #tpu.memory_space<vmem>>, vector<16xf32>,
      %get3A_623 = arith.constant 11 : i32
      %get3A_624 = arith.index_cast %get3A_623 : i32 to index
      %get3A_625 = arith.constant 0 : index
      %get3A_626 = tpu.vector_load %arg13[%get3A_624, %get3A_625] {strides = array<i32>} : memref<32x16xf32, #tpu.memory_space<vmem>>, vector<16xf32>,
      %mul3A_627 = arith.mulf %gather3A_615, %gather3A_615 : vector<16xf32>
      %mul3A_628 = arith.mulf %gather3A_616, %gather3A_616 : vector<16xf32>
      %add3A_629 = arith.addf %mul3A_627, %mul3A_628 : vector<16xf32>
      %add3A_630 = arith.addf %add3A_596, %add3A_629 : vector<16xf32>
      %mul3A_631 = arith.mulf %gather3A_617, %gather3A_617 : vector<16xf32>
      %mul3A_632 = arith.mulf %gather3A_618, %gather3A_618 : vector<16xf32>
      %add3A_633 = arith.addf %mul3A_631, %mul3A_632 : vector<16xf32>
      %add3A_634 = arith.addf %add3A_600, %add3A_633 : vector<16xf32>
      %mul3A_635 = arith.mulf %gather3A_615, %gather3A_617 : vector<16xf32>
      %mul3A_636 = arith.mulf %gather3A_616, %gather3A_618 : vector<16xf32>
      %add3A_637 = arith.addf %mul3A_635, %mul3A_636 : vector<16xf32>
      %mul3A_638 = arith.mulf %get3A_622, %add3A_637 : vector<16xf32>
      %add3A_639 = arith.addf %add3A_610, %mul3A_638 : vector<16xf32>
      %mul3A_640 = arith.mulf %gather3A_616, %gather3A_617 : vector<16xf32>
      %mul3A_641 = arith.mulf %gather3A_615, %gather3A_618 : vector<16xf32>
      %sub3A_642 = arith.subf %mul3A_640, %mul3A_641 : vector<16xf32>
      %mul3A_643 = arith.mulf %get3A_626, %sub3A_642 : vector<16xf32>
      %add3A_644 = arith.addf %add3A_639, %mul3A_643 : vector<16xf32>
      %broadcast_in_dim3A_645 = arith.constant 24 : i32
      %broadcast_in_dim3A_646 = vector.broadcast %broadcast_in_dim3A_645 : i32 to vector<16xi32>
      %broadcast_in_dim3A_647 = arith.constant 25 : i32
      %broadcast_in_dim3A_648 = vector.broadcast %broadcast_in_dim3A_647 : i32 to vector<16xi32>
      %gather3A_649 = tpu.vector_load_idx %arg18[%add3A_234, %broadcast_in_dim3A_646] : memref<512x64xf32, #tpu.memory_space<vmem>>[vector<16xi32>, vector<16xi32>], vector<16xf32>,
      %gather3A_650 = tpu.vector_load_idx %arg18[%add3A_234, %broadcast_in_dim3A_648] : memref<512x64xf32, #tpu.memory_space<vmem>>[vector<16xi32>, vector<16xi32>], vector<16xf32>,
      %gather3A_651 = tpu.vector_load_idx %arg19[%add3A_234, %broadcast_in_dim3A_646] : memref<512x64xf32, #tpu.memory_space<vmem>>[vector<16xi32>, vector<16xi32>], vector<16xf32>,
      %gather3A_652 = tpu.vector_load_idx %arg19[%add3A_234, %broadcast_in_dim3A_648] : memref<512x64xf32, #tpu.memory_space<vmem>>[vector<16xi32>, vector<16xi32>], vector<16xf32>,
      %get3A_653 = arith.constant 12 : i32
      %get3A_654 = arith.index_cast %get3A_653 : i32 to index
      %get3A_655 = arith.constant 0 : index
      %get3A_656 = tpu.vector_load %arg12[%get3A_654, %get3A_655] {strides = array<i32>} : memref<32x16xf32, #tpu.memory_space<vmem>>, vector<16xf32>,
      %get3A_657 = arith.constant 12 : i32
      %get3A_658 = arith.index_cast %get3A_657 : i32 to index
      %get3A_659 = arith.constant 0 : index
      %get3A_660 = tpu.vector_load %arg13[%get3A_658, %get3A_659] {strides = array<i32>} : memref<32x16xf32, #tpu.memory_space<vmem>>, vector<16xf32>,
      %mul3A_661 = arith.mulf %gather3A_649, %gather3A_649 : vector<16xf32>
      %mul3A_662 = arith.mulf %gather3A_650, %gather3A_650 : vector<16xf32>
      %add3A_663 = arith.addf %mul3A_661, %mul3A_662 : vector<16xf32>
      %add3A_664 = arith.addf %add3A_630, %add3A_663 : vector<16xf32>
      %mul3A_665 = arith.mulf %gather3A_651, %gather3A_651 : vector<16xf32>
      %mul3A_666 = arith.mulf %gather3A_652, %gather3A_652 : vector<16xf32>
      %add3A_667 = arith.addf %mul3A_665, %mul3A_666 : vector<16xf32>
      %add3A_668 = arith.addf %add3A_634, %add3A_667 : vector<16xf32>
      %mul3A_669 = arith.mulf %gather3A_649, %gather3A_651 : vector<16xf32>
      %mul3A_670 = arith.mulf %gather3A_650, %gather3A_652 : vector<16xf32>
      %add3A_671 = arith.addf %mul3A_669, %mul3A_670 : vector<16xf32>
      %mul3A_672 = arith.mulf %get3A_656, %add3A_671 : vector<16xf32>
      %add3A_673 = arith.addf %add3A_644, %mul3A_672 : vector<16xf32>
      %mul3A_674 = arith.mulf %gather3A_650, %gather3A_651 : vector<16xf32>
      %mul3A_675 = arith.mulf %gather3A_649, %gather3A_652 : vector<16xf32>
      %sub3A_676 = arith.subf %mul3A_674, %mul3A_675 : vector<16xf32>
      %mul3A_677 = arith.mulf %get3A_660, %sub3A_676 : vector<16xf32>
      %add3A_678 = arith.addf %add3A_673, %mul3A_677 : vector<16xf32>
      %broadcast_in_dim3A_679 = arith.constant 26 : i32
      %broadcast_in_dim3A_680 = vector.broadcast %broadcast_in_dim3A_679 : i32 to vector<16xi32>
      %broadcast_in_dim3A_681 = arith.constant 27 : i32
      %broadcast_in_dim3A_682 = vector.broadcast %broadcast_in_dim3A_681 : i32 to vector<16xi32>
      %gather3A_683 = tpu.vector_load_idx %arg18[%add3A_234, %broadcast_in_dim3A_680] : memref<512x64xf32, #tpu.memory_space<vmem>>[vector<16xi32>, vector<16xi32>], vector<16xf32>,
      %gather3A_684 = tpu.vector_load_idx %arg18[%add3A_234, %broadcast_in_dim3A_682] : memref<512x64xf32, #tpu.memory_space<vmem>>[vector<16xi32>, vector<16xi32>], vector<16xf32>,
      %gather3A_685 = tpu.vector_load_idx %arg19[%add3A_234, %broadcast_in_dim3A_680] : memref<512x64xf32, #tpu.memory_space<vmem>>[vector<16xi32>, vector<16xi32>], vector<16xf32>,
      %gather3A_686 = tpu.vector_load_idx %arg19[%add3A_234, %broadcast_in_dim3A_682] : memref<512x64xf32, #tpu.memory_space<vmem>>[vector<16xi32>, vector<16xi32>], vector<16xf32>,
      %get3A_687 = arith.constant 13 : i32
      %get3A_688 = arith.index_cast %get3A_687 : i32 to index
      %get3A_689 = arith.constant 0 : index
      %get3A_690 = tpu.vector_load %arg12[%get3A_688, %get3A_689] {strides = array<i32>} : memref<32x16xf32, #tpu.memory_space<vmem>>, vector<16xf32>,
      %get3A_691 = arith.constant 13 : i32
      %get3A_692 = arith.index_cast %get3A_691 : i32 to index
      %get3A_693 = arith.constant 0 : index
      %get3A_694 = tpu.vector_load %arg13[%get3A_692, %get3A_693] {strides = array<i32>} : memref<32x16xf32, #tpu.memory_space<vmem>>, vector<16xf32>,
      %mul3A_695 = arith.mulf %gather3A_683, %gather3A_683 : vector<16xf32>
      %mul3A_696 = arith.mulf %gather3A_684, %gather3A_684 : vector<16xf32>
      %add3A_697 = arith.addf %mul3A_695, %mul3A_696 : vector<16xf32>
      %add3A_698 = arith.addf %add3A_664, %add3A_697 : vector<16xf32>
      %mul3A_699 = arith.mulf %gather3A_685, %gather3A_685 : vector<16xf32>
      %mul3A_700 = arith.mulf %gather3A_686, %gather3A_686 : vector<16xf32>
      %add3A_701 = arith.addf %mul3A_699, %mul3A_700 : vector<16xf32>
      %add3A_702 = arith.addf %add3A_668, %add3A_701 : vector<16xf32>
      %mul3A_703 = arith.mulf %gather3A_683, %gather3A_685 : vector<16xf32>
      %mul3A_704 = arith.mulf %gather3A_684, %gather3A_686 : vector<16xf32>
      %add3A_705 = arith.addf %mul3A_703, %mul3A_704 : vector<16xf32>
      %mul3A_706 = arith.mulf %get3A_690, %add3A_705 : vector<16xf32>
      %add3A_707 = arith.addf %add3A_678, %mul3A_706 : vector<16xf32>
      %mul3A_708 = arith.mulf %gather3A_684, %gather3A_685 : vector<16xf32>
      %mul3A_709 = arith.mulf %gather3A_683, %gather3A_686 : vector<16xf32>
      %sub3A_710 = arith.subf %mul3A_708, %mul3A_709 : vector<16xf32>
      %mul3A_711 = arith.mulf %get3A_694, %sub3A_710 : vector<16xf32>
      %add3A_712 = arith.addf %add3A_707, %mul3A_711 : vector<16xf32>
      %broadcast_in_dim3A_713 = arith.constant 28 : i32
      %broadcast_in_dim3A_714 = vector.broadcast %broadcast_in_dim3A_713 : i32 to vector<16xi32>
      %broadcast_in_dim3A_715 = arith.constant 29 : i32
      %broadcast_in_dim3A_716 = vector.broadcast %broadcast_in_dim3A_715 : i32 to vector<16xi32>
      %gather3A_717 = tpu.vector_load_idx %arg18[%add3A_234, %broadcast_in_dim3A_714] : memref<512x64xf32, #tpu.memory_space<vmem>>[vector<16xi32>, vector<16xi32>], vector<16xf32>,
      %gather3A_718 = tpu.vector_load_idx %arg18[%add3A_234, %broadcast_in_dim3A_716] : memref<512x64xf32, #tpu.memory_space<vmem>>[vector<16xi32>, vector<16xi32>], vector<16xf32>,
      %gather3A_719 = tpu.vector_load_idx %arg19[%add3A_234, %broadcast_in_dim3A_714] : memref<512x64xf32, #tpu.memory_space<vmem>>[vector<16xi32>, vector<16xi32>], vector<16xf32>,
      %gather3A_720 = tpu.vector_load_idx %arg19[%add3A_234, %broadcast_in_dim3A_716] : memref<512x64xf32, #tpu.memory_space<vmem>>[vector<16xi32>, vector<16xi32>], vector<16xf32>,
      %get3A_721 = arith.constant 14 : i32
      %get3A_722 = arith.index_cast %get3A_721 : i32 to index
      %get3A_723 = arith.constant 0 : index
      %get3A_724 = tpu.vector_load %arg12[%get3A_722, %get3A_723] {strides = array<i32>} : memref<32x16xf32, #tpu.memory_space<vmem>>, vector<16xf32>,
      %get3A_725 = arith.constant 14 : i32
      %get3A_726 = arith.index_cast %get3A_725 : i32 to index
      %get3A_727 = arith.constant 0 : index
      %get3A_728 = tpu.vector_load %arg13[%get3A_726, %get3A_727] {strides = array<i32>} : memref<32x16xf32, #tpu.memory_space<vmem>>, vector<16xf32>,
      %mul3A_729 = arith.mulf %gather3A_717, %gather3A_717 : vector<16xf32>
      %mul3A_730 = arith.mulf %gather3A_718, %gather3A_718 : vector<16xf32>
      %add3A_731 = arith.addf %mul3A_729, %mul3A_730 : vector<16xf32>
      %add3A_732 = arith.addf %add3A_698, %add3A_731 : vector<16xf32>
      %mul3A_733 = arith.mulf %gather3A_719, %gather3A_719 : vector<16xf32>
      %mul3A_734 = arith.mulf %gather3A_720, %gather3A_720 : vector<16xf32>
      %add3A_735 = arith.addf %mul3A_733, %mul3A_734 : vector<16xf32>
      %add3A_736 = arith.addf %add3A_702, %add3A_735 : vector<16xf32>
      %mul3A_737 = arith.mulf %gather3A_717, %gather3A_719 : vector<16xf32>
      %mul3A_738 = arith.mulf %gather3A_718, %gather3A_720 : vector<16xf32>
      %add3A_739 = arith.addf %mul3A_737, %mul3A_738 : vector<16xf32>
      %mul3A_740 = arith.mulf %get3A_724, %add3A_739 : vector<16xf32>
      %add3A_741 = arith.addf %add3A_712, %mul3A_740 : vector<16xf32>
      %mul3A_742 = arith.mulf %gather3A_718, %gather3A_719 : vector<16xf32>
      %mul3A_743 = arith.mulf %gather3A_717, %gather3A_720 : vector<16xf32>
      %sub3A_744 = arith.subf %mul3A_742, %mul3A_743 : vector<16xf32>
      %mul3A_745 = arith.mulf %get3A_728, %sub3A_744 : vector<16xf32>
      %add3A_746 = arith.addf %add3A_741, %mul3A_745 : vector<16xf32>
      %broadcast_in_dim3A_747 = arith.constant 30 : i32
      %broadcast_in_dim3A_748 = vector.broadcast %broadcast_in_dim3A_747 : i32 to vector<16xi32>
      %broadcast_in_dim3A_749 = arith.constant 31 : i32
      %broadcast_in_dim3A_750 = vector.broadcast %broadcast_in_dim3A_749 : i32 to vector<16xi32>
      %gather3A_751 = tpu.vector_load_idx %arg18[%add3A_234, %broadcast_in_dim3A_748] : memref<512x64xf32, #tpu.memory_space<vmem>>[vector<16xi32>, vector<16xi32>], vector<16xf32>,
      %gather3A_752 = tpu.vector_load_idx %arg18[%add3A_234, %broadcast_in_dim3A_750] : memref<512x64xf32, #tpu.memory_space<vmem>>[vector<16xi32>, vector<16xi32>], vector<16xf32>,
      %gather3A_753 = tpu.vector_load_idx %arg19[%add3A_234, %broadcast_in_dim3A_748] : memref<512x64xf32, #tpu.memory_space<vmem>>[vector<16xi32>, vector<16xi32>], vector<16xf32>,
      %gather3A_754 = tpu.vector_load_idx %arg19[%add3A_234, %broadcast_in_dim3A_750] : memref<512x64xf32, #tpu.memory_space<vmem>>[vector<16xi32>, vector<16xi32>], vector<16xf32>,
      %get3A_755 = arith.constant 15 : i32
      %get3A_756 = arith.index_cast %get3A_755 : i32 to index
      %get3A_757 = arith.constant 0 : index
      %get3A_758 = tpu.vector_load %arg12[%get3A_756, %get3A_757] {strides = array<i32>} : memref<32x16xf32, #tpu.memory_space<vmem>>, vector<16xf32>,
      %get3A_759 = arith.constant 15 : i32
      %get3A_760 = arith.index_cast %get3A_759 : i32 to index
      %get3A_761 = arith.constant 0 : index
      %get3A_762 = tpu.vector_load %arg13[%get3A_760, %get3A_761] {strides = array<i32>} : memref<32x16xf32, #tpu.memory_space<vmem>>, vector<16xf32>,
      %mul3A_763 = arith.mulf %gather3A_751, %gather3A_751 : vector<16xf32>
      %mul3A_764 = arith.mulf %gather3A_752, %gather3A_752 : vector<16xf32>
      %add3A_765 = arith.addf %mul3A_763, %mul3A_764 : vector<16xf32>
      %add3A_766 = arith.addf %add3A_732, %add3A_765 : vector<16xf32>
      %mul3A_767 = arith.mulf %gather3A_753, %gather3A_753 : vector<16xf32>
      %mul3A_768 = arith.mulf %gather3A_754, %gather3A_754 : vector<16xf32>
      %add3A_769 = arith.addf %mul3A_767, %mul3A_768 : vector<16xf32>
      %add3A_770 = arith.addf %add3A_736, %add3A_769 : vector<16xf32>
      %mul3A_771 = arith.mulf %gather3A_751, %gather3A_753 : vector<16xf32>
      %mul3A_772 = arith.mulf %gather3A_752, %gather3A_754 : vector<16xf32>
      %add3A_773 = arith.addf %mul3A_771, %mul3A_772 : vector<16xf32>
      %mul3A_774 = arith.mulf %get3A_758, %add3A_773 : vector<16xf32>
      %add3A_775 = arith.addf %add3A_746, %mul3A_774 : vector<16xf32>
      %mul3A_776 = arith.mulf %gather3A_752, %gather3A_753 : vector<16xf32>
      %mul3A_777 = arith.mulf %gather3A_751, %gather3A_754 : vector<16xf32>
      %sub3A_778 = arith.subf %mul3A_776, %mul3A_777 : vector<16xf32>
      %mul3A_779 = arith.mulf %get3A_762, %sub3A_778 : vector<16xf32>
      %add3A_780 = arith.addf %add3A_775, %mul3A_779 : vector<16xf32>
      %broadcast_in_dim3A_781 = arith.constant 32 : i32
      %broadcast_in_dim3A_782 = vector.broadcast %broadcast_in_dim3A_781 : i32 to vector<16xi32>
      %broadcast_in_dim3A_783 = arith.constant 33 : i32
      %broadcast_in_dim3A_784 = vector.broadcast %broadcast_in_dim3A_783 : i32 to vector<16xi32>
      %gather3A_785 = tpu.vector_load_idx %arg18[%add3A_234, %broadcast_in_dim3A_782] : memref<512x64xf32, #tpu.memory_space<vmem>>[vector<16xi32>, vector<16xi32>], vector<16xf32>,
      %gather3A_786 = tpu.vector_load_idx %arg18[%add3A_234, %broadcast_in_dim3A_784] : memref<512x64xf32, #tpu.memory_space<vmem>>[vector<16xi32>, vector<16xi32>], vector<16xf32>,
      %gather3A_787 = tpu.vector_load_idx %arg19[%add3A_234, %broadcast_in_dim3A_782] : memref<512x64xf32, #tpu.memory_space<vmem>>[vector<16xi32>, vector<16xi32>], vector<16xf32>,
      %gather3A_788 = tpu.vector_load_idx %arg19[%add3A_234, %broadcast_in_dim3A_784] : memref<512x64xf32, #tpu.memory_space<vmem>>[vector<16xi32>, vector<16xi32>], vector<16xf32>,
      %get3A_789 = arith.constant 16 : i32
      %get3A_790 = arith.index_cast %get3A_789 : i32 to index
      %get3A_791 = arith.constant 0 : index
      %get3A_792 = tpu.vector_load %arg12[%get3A_790, %get3A_791] {strides = array<i32>} : memref<32x16xf32, #tpu.memory_space<vmem>>, vector<16xf32>,
      %get3A_793 = arith.constant 16 : i32
      %get3A_794 = arith.index_cast %get3A_793 : i32 to index
      %get3A_795 = arith.constant 0 : index
      %get3A_796 = tpu.vector_load %arg13[%get3A_794, %get3A_795] {strides = array<i32>} : memref<32x16xf32, #tpu.memory_space<vmem>>, vector<16xf32>,
      %mul3A_797 = arith.mulf %gather3A_785, %gather3A_785 : vector<16xf32>
      %mul3A_798 = arith.mulf %gather3A_786, %gather3A_786 : vector<16xf32>
      %add3A_799 = arith.addf %mul3A_797, %mul3A_798 : vector<16xf32>
      %add3A_800 = arith.addf %add3A_766, %add3A_799 : vector<16xf32>
      %mul3A_801 = arith.mulf %gather3A_787, %gather3A_787 : vector<16xf32>
      %mul3A_802 = arith.mulf %gather3A_788, %gather3A_788 : vector<16xf32>
      %add3A_803 = arith.addf %mul3A_801, %mul3A_802 : vector<16xf32>
      %add3A_804 = arith.addf %add3A_770, %add3A_803 : vector<16xf32>
      %mul3A_805 = arith.mulf %gather3A_785, %gather3A_787 : vector<16xf32>
      %mul3A_806 = arith.mulf %gather3A_786, %gather3A_788 : vector<16xf32>
      %add3A_807 = arith.addf %mul3A_805, %mul3A_806 : vector<16xf32>
      %mul3A_808 = arith.mulf %get3A_792, %add3A_807 : vector<16xf32>
      %add3A_809 = arith.addf %add3A_780, %mul3A_808 : vector<16xf32>
      %mul3A_810 = arith.mulf %gather3A_786, %gather3A_787 : vector<16xf32>
      %mul3A_811 = arith.mulf %gather3A_785, %gather3A_788 : vector<16xf32>
      %sub3A_812 = arith.subf %mul3A_810, %mul3A_811 : vector<16xf32>
      %mul3A_813 = arith.mulf %get3A_796, %sub3A_812 : vector<16xf32>
      %add3A_814 = arith.addf %add3A_809, %mul3A_813 : vector<16xf32>
      %broadcast_in_dim3A_815 = arith.constant 34 : i32
      %broadcast_in_dim3A_816 = vector.broadcast %broadcast_in_dim3A_815 : i32 to vector<16xi32>
      %broadcast_in_dim3A_817 = arith.constant 35 : i32
      %broadcast_in_dim3A_818 = vector.broadcast %broadcast_in_dim3A_817 : i32 to vector<16xi32>
      %gather3A_819 = tpu.vector_load_idx %arg18[%add3A_234, %broadcast_in_dim3A_816] : memref<512x64xf32, #tpu.memory_space<vmem>>[vector<16xi32>, vector<16xi32>], vector<16xf32>,
      %gather3A_820 = tpu.vector_load_idx %arg18[%add3A_234, %broadcast_in_dim3A_818] : memref<512x64xf32, #tpu.memory_space<vmem>>[vector<16xi32>, vector<16xi32>], vector<16xf32>,
      %gather3A_821 = tpu.vector_load_idx %arg19[%add3A_234, %broadcast_in_dim3A_816] : memref<512x64xf32, #tpu.memory_space<vmem>>[vector<16xi32>, vector<16xi32>], vector<16xf32>,
      %gather3A_822 = tpu.vector_load_idx %arg19[%add3A_234, %broadcast_in_dim3A_818] : memref<512x64xf32, #tpu.memory_space<vmem>>[vector<16xi32>, vector<16xi32>], vector<16xf32>,
      %get3A_823 = arith.constant 17 : i32
      %get3A_824 = arith.index_cast %get3A_823 : i32 to index
      %get3A_825 = arith.constant 0 : index
      %get3A_826 = tpu.vector_load %arg12[%get3A_824, %get3A_825] {strides = array<i32>} : memref<32x16xf32, #tpu.memory_space<vmem>>, vector<16xf32>,
      %get3A_827 = arith.constant 17 : i32
      %get3A_828 = arith.index_cast %get3A_827 : i32 to index
      %get3A_829 = arith.constant 0 : index
      %get3A_830 = tpu.vector_load %arg13[%get3A_828, %get3A_829] {strides = array<i32>} : memref<32x16xf32, #tpu.memory_space<vmem>>, vector<16xf32>,
      %mul3A_831 = arith.mulf %gather3A_819, %gather3A_819 : vector<16xf32>
      %mul3A_832 = arith.mulf %gather3A_820, %gather3A_820 : vector<16xf32>
      %add3A_833 = arith.addf %mul3A_831, %mul3A_832 : vector<16xf32>
      %add3A_834 = arith.addf %add3A_800, %add3A_833 : vector<16xf32>
      %mul3A_835 = arith.mulf %gather3A_821, %gather3A_821 : vector<16xf32>
      %mul3A_836 = arith.mulf %gather3A_822, %gather3A_822 : vector<16xf32>
      %add3A_837 = arith.addf %mul3A_835, %mul3A_836 : vector<16xf32>
      %add3A_838 = arith.addf %add3A_804, %add3A_837 : vector<16xf32>
      %mul3A_839 = arith.mulf %gather3A_819, %gather3A_821 : vector<16xf32>
      %mul3A_840 = arith.mulf %gather3A_820, %gather3A_822 : vector<16xf32>
      %add3A_841 = arith.addf %mul3A_839, %mul3A_840 : vector<16xf32>
      %mul3A_842 = arith.mulf %get3A_826, %add3A_841 : vector<16xf32>
      %add3A_843 = arith.addf %add3A_814, %mul3A_842 : vector<16xf32>
      %mul3A_844 = arith.mulf %gather3A_820, %gather3A_821 : vector<16xf32>
      %mul3A_845 = arith.mulf %gather3A_819, %gather3A_822 : vector<16xf32>
      %sub3A_846 = arith.subf %mul3A_844, %mul3A_845 : vector<16xf32>
      %mul3A_847 = arith.mulf %get3A_830, %sub3A_846 : vector<16xf32>
      %add3A_848 = arith.addf %add3A_843, %mul3A_847 : vector<16xf32>
      %broadcast_in_dim3A_849 = arith.constant 36 : i32
      %broadcast_in_dim3A_850 = vector.broadcast %broadcast_in_dim3A_849 : i32 to vector<16xi32>
      %broadcast_in_dim3A_851 = arith.constant 37 : i32
      %broadcast_in_dim3A_852 = vector.broadcast %broadcast_in_dim3A_851 : i32 to vector<16xi32>
      %gather3A_853 = tpu.vector_load_idx %arg18[%add3A_234, %broadcast_in_dim3A_850] : memref<512x64xf32, #tpu.memory_space<vmem>>[vector<16xi32>, vector<16xi32>], vector<16xf32>,
      %gather3A_854 = tpu.vector_load_idx %arg18[%add3A_234, %broadcast_in_dim3A_852] : memref<512x64xf32, #tpu.memory_space<vmem>>[vector<16xi32>, vector<16xi32>], vector<16xf32>,
      %gather3A_855 = tpu.vector_load_idx %arg19[%add3A_234, %broadcast_in_dim3A_850] : memref<512x64xf32, #tpu.memory_space<vmem>>[vector<16xi32>, vector<16xi32>], vector<16xf32>,
      %gather3A_856 = tpu.vector_load_idx %arg19[%add3A_234, %broadcast_in_dim3A_852] : memref<512x64xf32, #tpu.memory_space<vmem>>[vector<16xi32>, vector<16xi32>], vector<16xf32>,
      %get3A_857 = arith.constant 18 : i32
      %get3A_858 = arith.index_cast %get3A_857 : i32 to index
      %get3A_859 = arith.constant 0 : index
      %get3A_860 = tpu.vector_load %arg12[%get3A_858, %get3A_859] {strides = array<i32>} : memref<32x16xf32, #tpu.memory_space<vmem>>, vector<16xf32>,
      %get3A_861 = arith.constant 18 : i32
      %get3A_862 = arith.index_cast %get3A_861 : i32 to index
      %get3A_863 = arith.constant 0 : index
      %get3A_864 = tpu.vector_load %arg13[%get3A_862, %get3A_863] {strides = array<i32>} : memref<32x16xf32, #tpu.memory_space<vmem>>, vector<16xf32>,
      %mul3A_865 = arith.mulf %gather3A_853, %gather3A_853 : vector<16xf32>
      %mul3A_866 = arith.mulf %gather3A_854, %gather3A_854 : vector<16xf32>
      %add3A_867 = arith.addf %mul3A_865, %mul3A_866 : vector<16xf32>
      %add3A_868 = arith.addf %add3A_834, %add3A_867 : vector<16xf32>
      %mul3A_869 = arith.mulf %gather3A_855, %gather3A_855 : vector<16xf32>
      %mul3A_870 = arith.mulf %gather3A_856, %gather3A_856 : vector<16xf32>
      %add3A_871 = arith.addf %mul3A_869, %mul3A_870 : vector<16xf32>
      %add3A_872 = arith.addf %add3A_838, %add3A_871 : vector<16xf32>
      %mul3A_873 = arith.mulf %gather3A_853, %gather3A_855 : vector<16xf32>
      %mul3A_874 = arith.mulf %gather3A_854, %gather3A_856 : vector<16xf32>
      %add3A_875 = arith.addf %mul3A_873, %mul3A_874 : vector<16xf32>
      %mul3A_876 = arith.mulf %get3A_860, %add3A_875 : vector<16xf32>
      %add3A_877 = arith.addf %add3A_848, %mul3A_876 : vector<16xf32>
      %mul3A_878 = arith.mulf %gather3A_854, %gather3A_855 : vector<16xf32>
      %mul3A_879 = arith.mulf %gather3A_853, %gather3A_856 : vector<16xf32>
      %sub3A_880 = arith.subf %mul3A_878, %mul3A_879 : vector<16xf32>
      %mul3A_881 = arith.mulf %get3A_864, %sub3A_880 : vector<16xf32>
      %add3A_882 = arith.addf %add3A_877, %mul3A_881 : vector<16xf32>
      %broadcast_in_dim3A_883 = arith.constant 38 : i32
      %broadcast_in_dim3A_884 = vector.broadcast %broadcast_in_dim3A_883 : i32 to vector<16xi32>
      %broadcast_in_dim3A_885 = arith.constant 39 : i32
      %broadcast_in_dim3A_886 = vector.broadcast %broadcast_in_dim3A_885 : i32 to vector<16xi32>
      %gather3A_887 = tpu.vector_load_idx %arg18[%add3A_234, %broadcast_in_dim3A_884] : memref<512x64xf32, #tpu.memory_space<vmem>>[vector<16xi32>, vector<16xi32>], vector<16xf32>,
      %gather3A_888 = tpu.vector_load_idx %arg18[%add3A_234, %broadcast_in_dim3A_886] : memref<512x64xf32, #tpu.memory_space<vmem>>[vector<16xi32>, vector<16xi32>], vector<16xf32>,
      %gather3A_889 = tpu.vector_load_idx %arg19[%add3A_234, %broadcast_in_dim3A_884] : memref<512x64xf32, #tpu.memory_space<vmem>>[vector<16xi32>, vector<16xi32>], vector<16xf32>,
      %gather3A_890 = tpu.vector_load_idx %arg19[%add3A_234, %broadcast_in_dim3A_886] : memref<512x64xf32, #tpu.memory_space<vmem>>[vector<16xi32>, vector<16xi32>], vector<16xf32>,
      %get3A_891 = arith.constant 19 : i32
      %get3A_892 = arith.index_cast %get3A_891 : i32 to index
      %get3A_893 = arith.constant 0 : index
      %get3A_894 = tpu.vector_load %arg12[%get3A_892, %get3A_893] {strides = array<i32>} : memref<32x16xf32, #tpu.memory_space<vmem>>, vector<16xf32>,
      %get3A_895 = arith.constant 19 : i32
      %get3A_896 = arith.index_cast %get3A_895 : i32 to index
      %get3A_897 = arith.constant 0 : index
      %get3A_898 = tpu.vector_load %arg13[%get3A_896, %get3A_897] {strides = array<i32>} : memref<32x16xf32, #tpu.memory_space<vmem>>, vector<16xf32>,
      %mul3A_899 = arith.mulf %gather3A_887, %gather3A_887 : vector<16xf32>
      %mul3A_900 = arith.mulf %gather3A_888, %gather3A_888 : vector<16xf32>
      %add3A_901 = arith.addf %mul3A_899, %mul3A_900 : vector<16xf32>
      %add3A_902 = arith.addf %add3A_868, %add3A_901 : vector<16xf32>
      %mul3A_903 = arith.mulf %gather3A_889, %gather3A_889 : vector<16xf32>
      %mul3A_904 = arith.mulf %gather3A_890, %gather3A_890 : vector<16xf32>
      %add3A_905 = arith.addf %mul3A_903, %mul3A_904 : vector<16xf32>
      %add3A_906 = arith.addf %add3A_872, %add3A_905 : vector<16xf32>
      %mul3A_907 = arith.mulf %gather3A_887, %gather3A_889 : vector<16xf32>
      %mul3A_908 = arith.mulf %gather3A_888, %gather3A_890 : vector<16xf32>
      %add3A_909 = arith.addf %mul3A_907, %mul3A_908 : vector<16xf32>
      %mul3A_910 = arith.mulf %get3A_894, %add3A_909 : vector<16xf32>
      %add3A_911 = arith.addf %add3A_882, %mul3A_910 : vector<16xf32>
      %mul3A_912 = arith.mulf %gather3A_888, %gather3A_889 : vector<16xf32>
      %mul3A_913 = arith.mulf %gather3A_887, %gather3A_890 : vector<16xf32>
      %sub3A_914 = arith.subf %mul3A_912, %mul3A_913 : vector<16xf32>
      %mul3A_915 = arith.mulf %get3A_898, %sub3A_914 : vector<16xf32>
      %add3A_916 = arith.addf %add3A_911, %mul3A_915 : vector<16xf32>
      %broadcast_in_dim3A_917 = arith.constant 40 : i32
      %broadcast_in_dim3A_918 = vector.broadcast %broadcast_in_dim3A_917 : i32 to vector<16xi32>
      %broadcast_in_dim3A_919 = arith.constant 41 : i32
      %broadcast_in_dim3A_920 = vector.broadcast %broadcast_in_dim3A_919 : i32 to vector<16xi32>
      %gather3A_921 = tpu.vector_load_idx %arg18[%add3A_234, %broadcast_in_dim3A_918] : memref<512x64xf32, #tpu.memory_space<vmem>>[vector<16xi32>, vector<16xi32>], vector<16xf32>,
      %gather3A_922 = tpu.vector_load_idx %arg18[%add3A_234, %broadcast_in_dim3A_920] : memref<512x64xf32, #tpu.memory_space<vmem>>[vector<16xi32>, vector<16xi32>], vector<16xf32>,
      %gather3A_923 = tpu.vector_load_idx %arg19[%add3A_234, %broadcast_in_dim3A_918] : memref<512x64xf32, #tpu.memory_space<vmem>>[vector<16xi32>, vector<16xi32>], vector<16xf32>,
      %gather3A_924 = tpu.vector_load_idx %arg19[%add3A_234, %broadcast_in_dim3A_920] : memref<512x64xf32, #tpu.memory_space<vmem>>[vector<16xi32>, vector<16xi32>], vector<16xf32>,
      %get3A_925 = arith.constant 20 : i32
      %get3A_926 = arith.index_cast %get3A_925 : i32 to index
      %get3A_927 = arith.constant 0 : index
      %get3A_928 = tpu.vector_load %arg12[%get3A_926, %get3A_927] {strides = array<i32>} : memref<32x16xf32, #tpu.memory_space<vmem>>, vector<16xf32>,
      %get3A_929 = arith.constant 20 : i32
      %get3A_930 = arith.index_cast %get3A_929 : i32 to index
      %get3A_931 = arith.constant 0 : index
      %get3A_932 = tpu.vector_load %arg13[%get3A_930, %get3A_931] {strides = array<i32>} : memref<32x16xf32, #tpu.memory_space<vmem>>, vector<16xf32>,
      %mul3A_933 = arith.mulf %gather3A_921, %gather3A_921 : vector<16xf32>
      %mul3A_934 = arith.mulf %gather3A_922, %gather3A_922 : vector<16xf32>
      %add3A_935 = arith.addf %mul3A_933, %mul3A_934 : vector<16xf32>
      %add3A_936 = arith.addf %add3A_902, %add3A_935 : vector<16xf32>
      %mul3A_937 = arith.mulf %gather3A_923, %gather3A_923 : vector<16xf32>
      %mul3A_938 = arith.mulf %gather3A_924, %gather3A_924 : vector<16xf32>
      %add3A_939 = arith.addf %mul3A_937, %mul3A_938 : vector<16xf32>
      %add3A_940 = arith.addf %add3A_906, %add3A_939 : vector<16xf32>
      %mul3A_941 = arith.mulf %gather3A_921, %gather3A_923 : vector<16xf32>
      %mul3A_942 = arith.mulf %gather3A_922, %gather3A_924 : vector<16xf32>
      %add3A_943 = arith.addf %mul3A_941, %mul3A_942 : vector<16xf32>
      %mul3A_944 = arith.mulf %get3A_928, %add3A_943 : vector<16xf32>
      %add3A_945 = arith.addf %add3A_916, %mul3A_944 : vector<16xf32>
      %mul3A_946 = arith.mulf %gather3A_922, %gather3A_923 : vector<16xf32>
      %mul3A_947 = arith.mulf %gather3A_921, %gather3A_924 : vector<16xf32>
      %sub3A_948 = arith.subf %mul3A_946, %mul3A_947 : vector<16xf32>
      %mul3A_949 = arith.mulf %get3A_932, %sub3A_948 : vector<16xf32>
      %add3A_950 = arith.addf %add3A_945, %mul3A_949 : vector<16xf32>
      %broadcast_in_dim3A_951 = arith.constant 42 : i32
      %broadcast_in_dim3A_952 = vector.broadcast %broadcast_in_dim3A_951 : i32 to vector<16xi32>
      %broadcast_in_dim3A_953 = arith.constant 43 : i32
      %broadcast_in_dim3A_954 = vector.broadcast %broadcast_in_dim3A_953 : i32 to vector<16xi32>
      %gather3A_955 = tpu.vector_load_idx %arg18[%add3A_234, %broadcast_in_dim3A_952] : memref<512x64xf32, #tpu.memory_space<vmem>>[vector<16xi32>, vector<16xi32>], vector<16xf32>,
      %gather3A_956 = tpu.vector_load_idx %arg18[%add3A_234, %broadcast_in_dim3A_954] : memref<512x64xf32, #tpu.memory_space<vmem>>[vector<16xi32>, vector<16xi32>], vector<16xf32>,
      %gather3A_957 = tpu.vector_load_idx %arg19[%add3A_234, %broadcast_in_dim3A_952] : memref<512x64xf32, #tpu.memory_space<vmem>>[vector<16xi32>, vector<16xi32>], vector<16xf32>,
      %gather3A_958 = tpu.vector_load_idx %arg19[%add3A_234, %broadcast_in_dim3A_954] : memref<512x64xf32, #tpu.memory_space<vmem>>[vector<16xi32>, vector<16xi32>], vector<16xf32>,
      %get3A_959 = arith.constant 21 : i32
      %get3A_960 = arith.index_cast %get3A_959 : i32 to index
      %get3A_961 = arith.constant 0 : index
      %get3A_962 = tpu.vector_load %arg12[%get3A_960, %get3A_961] {strides = array<i32>} : memref<32x16xf32, #tpu.memory_space<vmem>>, vector<16xf32>,
      %get3A_963 = arith.constant 21 : i32
      %get3A_964 = arith.index_cast %get3A_963 : i32 to index
      %get3A_965 = arith.constant 0 : index
      %get3A_966 = tpu.vector_load %arg13[%get3A_964, %get3A_965] {strides = array<i32>} : memref<32x16xf32, #tpu.memory_space<vmem>>, vector<16xf32>,
      %mul3A_967 = arith.mulf %gather3A_955, %gather3A_955 : vector<16xf32>
      %mul3A_968 = arith.mulf %gather3A_956, %gather3A_956 : vector<16xf32>
      %add3A_969 = arith.addf %mul3A_967, %mul3A_968 : vector<16xf32>
      %add3A_970 = arith.addf %add3A_936, %add3A_969 : vector<16xf32>
      %mul3A_971 = arith.mulf %gather3A_957, %gather3A_957 : vector<16xf32>
      %mul3A_972 = arith.mulf %gather3A_958, %gather3A_958 : vector<16xf32>
      %add3A_973 = arith.addf %mul3A_971, %mul3A_972 : vector<16xf32>
      %add3A_974 = arith.addf %add3A_940, %add3A_973 : vector<16xf32>
      %mul3A_975 = arith.mulf %gather3A_955, %gather3A_957 : vector<16xf32>
      %mul3A_976 = arith.mulf %gather3A_956, %gather3A_958 : vector<16xf32>
      %add3A_977 = arith.addf %mul3A_975, %mul3A_976 : vector<16xf32>
      %mul3A_978 = arith.mulf %get3A_962, %add3A_977 : vector<16xf32>
      %add3A_979 = arith.addf %add3A_950, %mul3A_978 : vector<16xf32>
      %mul3A_980 = arith.mulf %gather3A_956, %gather3A_957 : vector<16xf32>
      %mul3A_981 = arith.mulf %gather3A_955, %gather3A_958 : vector<16xf32>
      %sub3A_982 = arith.subf %mul3A_980, %mul3A_981 : vector<16xf32>
      %mul3A_983 = arith.mulf %get3A_966, %sub3A_982 : vector<16xf32>
      %add3A_984 = arith.addf %add3A_979, %mul3A_983 : vector<16xf32>
      %broadcast_in_dim3A_985 = arith.constant 44 : i32
      %broadcast_in_dim3A_986 = vector.broadcast %broadcast_in_dim3A_985 : i32 to vector<16xi32>
      %broadcast_in_dim3A_987 = arith.constant 45 : i32
      %broadcast_in_dim3A_988 = vector.broadcast %broadcast_in_dim3A_987 : i32 to vector<16xi32>
      %gather3A_989 = tpu.vector_load_idx %arg18[%add3A_234, %broadcast_in_dim3A_986] : memref<512x64xf32, #tpu.memory_space<vmem>>[vector<16xi32>, vector<16xi32>], vector<16xf32>,
      %gather3A_990 = tpu.vector_load_idx %arg18[%add3A_234, %broadcast_in_dim3A_988] : memref<512x64xf32, #tpu.memory_space<vmem>>[vector<16xi32>, vector<16xi32>], vector<16xf32>,
      %gather3A_991 = tpu.vector_load_idx %arg19[%add3A_234, %broadcast_in_dim3A_986] : memref<512x64xf32, #tpu.memory_space<vmem>>[vector<16xi32>, vector<16xi32>], vector<16xf32>,
      %gather3A_992 = tpu.vector_load_idx %arg19[%add3A_234, %broadcast_in_dim3A_988] : memref<512x64xf32, #tpu.memory_space<vmem>>[vector<16xi32>, vector<16xi32>], vector<16xf32>,
      %get3A_993 = arith.constant 22 : i32
      %get3A_994 = arith.index_cast %get3A_993 : i32 to index
      %get3A_995 = arith.constant 0 : index
      %get3A_996 = tpu.vector_load %arg12[%get3A_994, %get3A_995] {strides = array<i32>} : memref<32x16xf32, #tpu.memory_space<vmem>>, vector<16xf32>,
      %get3A_997 = arith.constant 22 : i32
      %get3A_998 = arith.index_cast %get3A_997 : i32 to index
      %get3A_999 = arith.constant 0 : index
      %get3A_1000 = tpu.vector_load %arg13[%get3A_998, %get3A_999] {strides = array<i32>} : memref<32x16xf32, #tpu.memory_space<vmem>>, vector<16xf32>,
      %mul3A_1001 = arith.mulf %gather3A_989, %gather3A_989 : vector<16xf32>
      %mul3A_1002 = arith.mulf %gather3A_990, %gather3A_990 : vector<16xf32>
      %add3A_1003 = arith.addf %mul3A_1001, %mul3A_1002 : vector<16xf32>
      %add3A_1004 = arith.addf %add3A_970, %add3A_1003 : vector<16xf32>
      %mul3A_1005 = arith.mulf %gather3A_991, %gather3A_991 : vector<16xf32>
      %mul3A_1006 = arith.mulf %gather3A_992, %gather3A_992 : vector<16xf32>
      %add3A_1007 = arith.addf %mul3A_1005, %mul3A_1006 : vector<16xf32>
      %add3A_1008 = arith.addf %add3A_974, %add3A_1007 : vector<16xf32>
      %mul3A_1009 = arith.mulf %gather3A_989, %gather3A_991 : vector<16xf32>
      %mul3A_1010 = arith.mulf %gather3A_990, %gather3A_992 : vector<16xf32>
      %add3A_1011 = arith.addf %mul3A_1009, %mul3A_1010 : vector<16xf32>
      %mul3A_1012 = arith.mulf %get3A_996, %add3A_1011 : vector<16xf32>
      %add3A_1013 = arith.addf %add3A_984, %mul3A_1012 : vector<16xf32>
      %mul3A_1014 = arith.mulf %gather3A_990, %gather3A_991 : vector<16xf32>
      %mul3A_1015 = arith.mulf %gather3A_989, %gather3A_992 : vector<16xf32>
      %sub3A_1016 = arith.subf %mul3A_1014, %mul3A_1015 : vector<16xf32>
      %mul3A_1017 = arith.mulf %get3A_1000, %sub3A_1016 : vector<16xf32>
      %add3A_1018 = arith.addf %add3A_1013, %mul3A_1017 : vector<16xf32>
      %broadcast_in_dim3A_1019 = arith.constant 46 : i32
      %broadcast_in_dim3A_1020 = vector.broadcast %broadcast_in_dim3A_1019 : i32 to vector<16xi32>
      %broadcast_in_dim3A_1021 = arith.constant 47 : i32
      %broadcast_in_dim3A_1022 = vector.broadcast %broadcast_in_dim3A_1021 : i32 to vector<16xi32>
      %gather3A_1023 = tpu.vector_load_idx %arg18[%add3A_234, %broadcast_in_dim3A_1020] : memref<512x64xf32, #tpu.memory_space<vmem>>[vector<16xi32>, vector<16xi32>], vector<16xf32>,
      %gather3A_1024 = tpu.vector_load_idx %arg18[%add3A_234, %broadcast_in_dim3A_1022] : memref<512x64xf32, #tpu.memory_space<vmem>>[vector<16xi32>, vector<16xi32>], vector<16xf32>,
      %gather3A_1025 = tpu.vector_load_idx %arg19[%add3A_234, %broadcast_in_dim3A_1020] : memref<512x64xf32, #tpu.memory_space<vmem>>[vector<16xi32>, vector<16xi32>], vector<16xf32>,
      %gather3A_1026 = tpu.vector_load_idx %arg19[%add3A_234, %broadcast_in_dim3A_1022] : memref<512x64xf32, #tpu.memory_space<vmem>>[vector<16xi32>, vector<16xi32>], vector<16xf32>,
      %get3A_1027 = arith.constant 23 : i32
      %get3A_1028 = arith.index_cast %get3A_1027 : i32 to index
      %get3A_1029 = arith.constant 0 : index
      %get3A_1030 = tpu.vector_load %arg12[%get3A_1028, %get3A_1029] {strides = array<i32>} : memref<32x16xf32, #tpu.memory_space<vmem>>, vector<16xf32>,
      %get3A_1031 = arith.constant 23 : i32
      %get3A_1032 = arith.index_cast %get3A_1031 : i32 to index
      %get3A_1033 = arith.constant 0 : index
      %get3A_1034 = tpu.vector_load %arg13[%get3A_1032, %get3A_1033] {strides = array<i32>} : memref<32x16xf32, #tpu.memory_space<vmem>>, vector<16xf32>,
      %mul3A_1035 = arith.mulf %gather3A_1023, %gather3A_1023 : vector<16xf32>
      %mul3A_1036 = arith.mulf %gather3A_1024, %gather3A_1024 : vector<16xf32>
      %add3A_1037 = arith.addf %mul3A_1035, %mul3A_1036 : vector<16xf32>
      %add3A_1038 = arith.addf %add3A_1004, %add3A_1037 : vector<16xf32>
      %mul3A_1039 = arith.mulf %gather3A_1025, %gather3A_1025 : vector<16xf32>
      %mul3A_1040 = arith.mulf %gather3A_1026, %gather3A_1026 : vector<16xf32>
      %add3A_1041 = arith.addf %mul3A_1039, %mul3A_1040 : vector<16xf32>
      %add3A_1042 = arith.addf %add3A_1008, %add3A_1041 : vector<16xf32>
      %mul3A_1043 = arith.mulf %gather3A_1023, %gather3A_1025 : vector<16xf32>
      %mul3A_1044 = arith.mulf %gather3A_1024, %gather3A_1026 : vector<16xf32>
      %add3A_1045 = arith.addf %mul3A_1043, %mul3A_1044 : vector<16xf32>
      %mul3A_1046 = arith.mulf %get3A_1030, %add3A_1045 : vector<16xf32>
      %add3A_1047 = arith.addf %add3A_1018, %mul3A_1046 : vector<16xf32>
      %mul3A_1048 = arith.mulf %gather3A_1024, %gather3A_1025 : vector<16xf32>
      %mul3A_1049 = arith.mulf %gather3A_1023, %gather3A_1026 : vector<16xf32>
      %sub3A_1050 = arith.subf %mul3A_1048, %mul3A_1049 : vector<16xf32>
      %mul3A_1051 = arith.mulf %get3A_1034, %sub3A_1050 : vector<16xf32>
      %add3A_1052 = arith.addf %add3A_1047, %mul3A_1051 : vector<16xf32>
      %broadcast_in_dim3A_1053 = arith.constant 48 : i32
      %broadcast_in_dim3A_1054 = vector.broadcast %broadcast_in_dim3A_1053 : i32 to vector<16xi32>
      %broadcast_in_dim3A_1055 = arith.constant 49 : i32
      %broadcast_in_dim3A_1056 = vector.broadcast %broadcast_in_dim3A_1055 : i32 to vector<16xi32>
      %gather3A_1057 = tpu.vector_load_idx %arg18[%add3A_234, %broadcast_in_dim3A_1054] : memref<512x64xf32, #tpu.memory_space<vmem>>[vector<16xi32>, vector<16xi32>], vector<16xf32>,
      %gather3A_1058 = tpu.vector_load_idx %arg18[%add3A_234, %broadcast_in_dim3A_1056] : memref<512x64xf32, #tpu.memory_space<vmem>>[vector<16xi32>, vector<16xi32>], vector<16xf32>,
      %gather3A_1059 = tpu.vector_load_idx %arg19[%add3A_234, %broadcast_in_dim3A_1054] : memref<512x64xf32, #tpu.memory_space<vmem>>[vector<16xi32>, vector<16xi32>], vector<16xf32>,
      %gather3A_1060 = tpu.vector_load_idx %arg19[%add3A_234, %broadcast_in_dim3A_1056] : memref<512x64xf32, #tpu.memory_space<vmem>>[vector<16xi32>, vector<16xi32>], vector<16xf32>,
      %get3A_1061 = arith.constant 24 : i32
      %get3A_1062 = arith.index_cast %get3A_1061 : i32 to index
      %get3A_1063 = arith.constant 0 : index
      %get3A_1064 = tpu.vector_load %arg12[%get3A_1062, %get3A_1063] {strides = array<i32>} : memref<32x16xf32, #tpu.memory_space<vmem>>, vector<16xf32>,
      %get3A_1065 = arith.constant 24 : i32
      %get3A_1066 = arith.index_cast %get3A_1065 : i32 to index
      %get3A_1067 = arith.constant 0 : index
      %get3A_1068 = tpu.vector_load %arg13[%get3A_1066, %get3A_1067] {strides = array<i32>} : memref<32x16xf32, #tpu.memory_space<vmem>>, vector<16xf32>,
      %mul3A_1069 = arith.mulf %gather3A_1057, %gather3A_1057 : vector<16xf32>
      %mul3A_1070 = arith.mulf %gather3A_1058, %gather3A_1058 : vector<16xf32>
      %add3A_1071 = arith.addf %mul3A_1069, %mul3A_1070 : vector<16xf32>
      %add3A_1072 = arith.addf %add3A_1038, %add3A_1071 : vector<16xf32>
      %mul3A_1073 = arith.mulf %gather3A_1059, %gather3A_1059 : vector<16xf32>
      %mul3A_1074 = arith.mulf %gather3A_1060, %gather3A_1060 : vector<16xf32>
      %add3A_1075 = arith.addf %mul3A_1073, %mul3A_1074 : vector<16xf32>
      %add3A_1076 = arith.addf %add3A_1042, %add3A_1075 : vector<16xf32>
      %mul3A_1077 = arith.mulf %gather3A_1057, %gather3A_1059 : vector<16xf32>
      %mul3A_1078 = arith.mulf %gather3A_1058, %gather3A_1060 : vector<16xf32>
      %add3A_1079 = arith.addf %mul3A_1077, %mul3A_1078 : vector<16xf32>
      %mul3A_1080 = arith.mulf %get3A_1064, %add3A_1079 : vector<16xf32>
      %add3A_1081 = arith.addf %add3A_1052, %mul3A_1080 : vector<16xf32>
      %mul3A_1082 = arith.mulf %gather3A_1058, %gather3A_1059 : vector<16xf32>
      %mul3A_1083 = arith.mulf %gather3A_1057, %gather3A_1060 : vector<16xf32>
      %sub3A_1084 = arith.subf %mul3A_1082, %mul3A_1083 : vector<16xf32>
      %mul3A_1085 = arith.mulf %get3A_1068, %sub3A_1084 : vector<16xf32>
      %add3A_1086 = arith.addf %add3A_1081, %mul3A_1085 : vector<16xf32>
      %broadcast_in_dim3A_1087 = arith.constant 50 : i32
      %broadcast_in_dim3A_1088 = vector.broadcast %broadcast_in_dim3A_1087 : i32 to vector<16xi32>
      %broadcast_in_dim3A_1089 = arith.constant 51 : i32
      %broadcast_in_dim3A_1090 = vector.broadcast %broadcast_in_dim3A_1089 : i32 to vector<16xi32>
      %gather3A_1091 = tpu.vector_load_idx %arg18[%add3A_234, %broadcast_in_dim3A_1088] : memref<512x64xf32, #tpu.memory_space<vmem>>[vector<16xi32>, vector<16xi32>], vector<16xf32>,
      %gather3A_1092 = tpu.vector_load_idx %arg18[%add3A_234, %broadcast_in_dim3A_1090] : memref<512x64xf32, #tpu.memory_space<vmem>>[vector<16xi32>, vector<16xi32>], vector<16xf32>,
      %gather3A_1093 = tpu.vector_load_idx %arg19[%add3A_234, %broadcast_in_dim3A_1088] : memref<512x64xf32, #tpu.memory_space<vmem>>[vector<16xi32>, vector<16xi32>], vector<16xf32>,
      %gather3A_1094 = tpu.vector_load_idx %arg19[%add3A_234, %broadcast_in_dim3A_1090] : memref<512x64xf32, #tpu.memory_space<vmem>>[vector<16xi32>, vector<16xi32>], vector<16xf32>,
      %get3A_1095 = arith.constant 25 : i32
      %get3A_1096 = arith.index_cast %get3A_1095 : i32 to index
      %get3A_1097 = arith.constant 0 : index
      %get3A_1098 = tpu.vector_load %arg12[%get3A_1096, %get3A_1097] {strides = array<i32>} : memref<32x16xf32, #tpu.memory_space<vmem>>, vector<16xf32>,
      %get3A_1099 = arith.constant 25 : i32
      %get3A_1100 = arith.index_cast %get3A_1099 : i32 to index
      %get3A_1101 = arith.constant 0 : index
      %get3A_1102 = tpu.vector_load %arg13[%get3A_1100, %get3A_1101] {strides = array<i32>} : memref<32x16xf32, #tpu.memory_space<vmem>>, vector<16xf32>,
      %mul3A_1103 = arith.mulf %gather3A_1091, %gather3A_1091 : vector<16xf32>
      %mul3A_1104 = arith.mulf %gather3A_1092, %gather3A_1092 : vector<16xf32>
      %add3A_1105 = arith.addf %mul3A_1103, %mul3A_1104 : vector<16xf32>
      %add3A_1106 = arith.addf %add3A_1072, %add3A_1105 : vector<16xf32>
      %mul3A_1107 = arith.mulf %gather3A_1093, %gather3A_1093 : vector<16xf32>
      %mul3A_1108 = arith.mulf %gather3A_1094, %gather3A_1094 : vector<16xf32>
      %add3A_1109 = arith.addf %mul3A_1107, %mul3A_1108 : vector<16xf32>
      %add3A_1110 = arith.addf %add3A_1076, %add3A_1109 : vector<16xf32>
      %mul3A_1111 = arith.mulf %gather3A_1091, %gather3A_1093 : vector<16xf32>
      %mul3A_1112 = arith.mulf %gather3A_1092, %gather3A_1094 : vector<16xf32>
      %add3A_1113 = arith.addf %mul3A_1111, %mul3A_1112 : vector<16xf32>
      %mul3A_1114 = arith.mulf %get3A_1098, %add3A_1113 : vector<16xf32>
      %add3A_1115 = arith.addf %add3A_1086, %mul3A_1114 : vector<16xf32>
      %mul3A_1116 = arith.mulf %gather3A_1092, %gather3A_1093 : vector<16xf32>
      %mul3A_1117 = arith.mulf %gather3A_1091, %gather3A_1094 : vector<16xf32>
      %sub3A_1118 = arith.subf %mul3A_1116, %mul3A_1117 : vector<16xf32>
      %mul3A_1119 = arith.mulf %get3A_1102, %sub3A_1118 : vector<16xf32>
      %add3A_1120 = arith.addf %add3A_1115, %mul3A_1119 : vector<16xf32>
      %broadcast_in_dim3A_1121 = arith.constant 52 : i32
      %broadcast_in_dim3A_1122 = vector.broadcast %broadcast_in_dim3A_1121 : i32 to vector<16xi32>
      %broadcast_in_dim3A_1123 = arith.constant 53 : i32
      %broadcast_in_dim3A_1124 = vector.broadcast %broadcast_in_dim3A_1123 : i32 to vector<16xi32>
      %gather3A_1125 = tpu.vector_load_idx %arg18[%add3A_234, %broadcast_in_dim3A_1122] : memref<512x64xf32, #tpu.memory_space<vmem>>[vector<16xi32>, vector<16xi32>], vector<16xf32>,
      %gather3A_1126 = tpu.vector_load_idx %arg18[%add3A_234, %broadcast_in_dim3A_1124] : memref<512x64xf32, #tpu.memory_space<vmem>>[vector<16xi32>, vector<16xi32>], vector<16xf32>,
      %gather3A_1127 = tpu.vector_load_idx %arg19[%add3A_234, %broadcast_in_dim3A_1122] : memref<512x64xf32, #tpu.memory_space<vmem>>[vector<16xi32>, vector<16xi32>], vector<16xf32>,
      %gather3A_1128 = tpu.vector_load_idx %arg19[%add3A_234, %broadcast_in_dim3A_1124] : memref<512x64xf32, #tpu.memory_space<vmem>>[vector<16xi32>, vector<16xi32>], vector<16xf32>,
      %get3A_1129 = arith.constant 26 : i32
      %get3A_1130 = arith.index_cast %get3A_1129 : i32 to index
      %get3A_1131 = arith.constant 0 : index
      %get3A_1132 = tpu.vector_load %arg12[%get3A_1130, %get3A_1131] {strides = array<i32>} : memref<32x16xf32, #tpu.memory_space<vmem>>, vector<16xf32>,
      %get3A_1133 = arith.constant 26 : i32
      %get3A_1134 = arith.index_cast %get3A_1133 : i32 to index
      %get3A_1135 = arith.constant 0 : index
      %get3A_1136 = tpu.vector_load %arg13[%get3A_1134, %get3A_1135] {strides = array<i32>} : memref<32x16xf32, #tpu.memory_space<vmem>>, vector<16xf32>,
      %mul3A_1137 = arith.mulf %gather3A_1125, %gather3A_1125 : vector<16xf32>
      %mul3A_1138 = arith.mulf %gather3A_1126, %gather3A_1126 : vector<16xf32>
      %add3A_1139 = arith.addf %mul3A_1137, %mul3A_1138 : vector<16xf32>
      %add3A_1140 = arith.addf %add3A_1106, %add3A_1139 : vector<16xf32>
      %mul3A_1141 = arith.mulf %gather3A_1127, %gather3A_1127 : vector<16xf32>
      %mul3A_1142 = arith.mulf %gather3A_1128, %gather3A_1128 : vector<16xf32>
      %add3A_1143 = arith.addf %mul3A_1141, %mul3A_1142 : vector<16xf32>
      %add3A_1144 = arith.addf %add3A_1110, %add3A_1143 : vector<16xf32>
      %mul3A_1145 = arith.mulf %gather3A_1125, %gather3A_1127 : vector<16xf32>
      %mul3A_1146 = arith.mulf %gather3A_1126, %gather3A_1128 : vector<16xf32>
      %add3A_1147 = arith.addf %mul3A_1145, %mul3A_1146 : vector<16xf32>
      %mul3A_1148 = arith.mulf %get3A_1132, %add3A_1147 : vector<16xf32>
      %add3A_1149 = arith.addf %add3A_1120, %mul3A_1148 : vector<16xf32>
      %mul3A_1150 = arith.mulf %gather3A_1126, %gather3A_1127 : vector<16xf32>
      %mul3A_1151 = arith.mulf %gather3A_1125, %gather3A_1128 : vector<16xf32>
      %sub3A_1152 = arith.subf %mul3A_1150, %mul3A_1151 : vector<16xf32>
      %mul3A_1153 = arith.mulf %get3A_1136, %sub3A_1152 : vector<16xf32>
      %add3A_1154 = arith.addf %add3A_1149, %mul3A_1153 : vector<16xf32>
      %broadcast_in_dim3A_1155 = arith.constant 54 : i32
      %broadcast_in_dim3A_1156 = vector.broadcast %broadcast_in_dim3A_1155 : i32 to vector<16xi32>
      %broadcast_in_dim3A_1157 = arith.constant 55 : i32
      %broadcast_in_dim3A_1158 = vector.broadcast %broadcast_in_dim3A_1157 : i32 to vector<16xi32>
      %gather3A_1159 = tpu.vector_load_idx %arg18[%add3A_234, %broadcast_in_dim3A_1156] : memref<512x64xf32, #tpu.memory_space<vmem>>[vector<16xi32>, vector<16xi32>], vector<16xf32>,
      %gather3A_1160 = tpu.vector_load_idx %arg18[%add3A_234, %broadcast_in_dim3A_1158] : memref<512x64xf32, #tpu.memory_space<vmem>>[vector<16xi32>, vector<16xi32>], vector<16xf32>,
      %gather3A_1161 = tpu.vector_load_idx %arg19[%add3A_234, %broadcast_in_dim3A_1156] : memref<512x64xf32, #tpu.memory_space<vmem>>[vector<16xi32>, vector<16xi32>], vector<16xf32>,
      %gather3A_1162 = tpu.vector_load_idx %arg19[%add3A_234, %broadcast_in_dim3A_1158] : memref<512x64xf32, #tpu.memory_space<vmem>>[vector<16xi32>, vector<16xi32>], vector<16xf32>,
      %get3A_1163 = arith.constant 27 : i32
      %get3A_1164 = arith.index_cast %get3A_1163 : i32 to index
      %get3A_1165 = arith.constant 0 : index
      %get3A_1166 = tpu.vector_load %arg12[%get3A_1164, %get3A_1165] {strides = array<i32>} : memref<32x16xf32, #tpu.memory_space<vmem>>, vector<16xf32>,
      %get3A_1167 = arith.constant 27 : i32
      %get3A_1168 = arith.index_cast %get3A_1167 : i32 to index
      %get3A_1169 = arith.constant 0 : index
      %get3A_1170 = tpu.vector_load %arg13[%get3A_1168, %get3A_1169] {strides = array<i32>} : memref<32x16xf32, #tpu.memory_space<vmem>>, vector<16xf32>,
      %mul3A_1171 = arith.mulf %gather3A_1159, %gather3A_1159 : vector<16xf32>
      %mul3A_1172 = arith.mulf %gather3A_1160, %gather3A_1160 : vector<16xf32>
      %add3A_1173 = arith.addf %mul3A_1171, %mul3A_1172 : vector<16xf32>
      %add3A_1174 = arith.addf %add3A_1140, %add3A_1173 : vector<16xf32>
      %mul3A_1175 = arith.mulf %gather3A_1161, %gather3A_1161 : vector<16xf32>
      %mul3A_1176 = arith.mulf %gather3A_1162, %gather3A_1162 : vector<16xf32>
      %add3A_1177 = arith.addf %mul3A_1175, %mul3A_1176 : vector<16xf32>
      %add3A_1178 = arith.addf %add3A_1144, %add3A_1177 : vector<16xf32>
      %mul3A_1179 = arith.mulf %gather3A_1159, %gather3A_1161 : vector<16xf32>
      %mul3A_1180 = arith.mulf %gather3A_1160, %gather3A_1162 : vector<16xf32>
      %add3A_1181 = arith.addf %mul3A_1179, %mul3A_1180 : vector<16xf32>
      %mul3A_1182 = arith.mulf %get3A_1166, %add3A_1181 : vector<16xf32>
      %add3A_1183 = arith.addf %add3A_1154, %mul3A_1182 : vector<16xf32>
      %mul3A_1184 = arith.mulf %gather3A_1160, %gather3A_1161 : vector<16xf32>
      %mul3A_1185 = arith.mulf %gather3A_1159, %gather3A_1162 : vector<16xf32>
      %sub3A_1186 = arith.subf %mul3A_1184, %mul3A_1185 : vector<16xf32>
      %mul3A_1187 = arith.mulf %get3A_1170, %sub3A_1186 : vector<16xf32>
      %add3A_1188 = arith.addf %add3A_1183, %mul3A_1187 : vector<16xf32>
      %broadcast_in_dim3A_1189 = arith.constant 56 : i32
      %broadcast_in_dim3A_1190 = vector.broadcast %broadcast_in_dim3A_1189 : i32 to vector<16xi32>
      %broadcast_in_dim3A_1191 = arith.constant 57 : i32
      %broadcast_in_dim3A_1192 = vector.broadcast %broadcast_in_dim3A_1191 : i32 to vector<16xi32>
      %gather3A_1193 = tpu.vector_load_idx %arg18[%add3A_234, %broadcast_in_dim3A_1190] : memref<512x64xf32, #tpu.memory_space<vmem>>[vector<16xi32>, vector<16xi32>], vector<16xf32>,
      %gather3A_1194 = tpu.vector_load_idx %arg18[%add3A_234, %broadcast_in_dim3A_1192] : memref<512x64xf32, #tpu.memory_space<vmem>>[vector<16xi32>, vector<16xi32>], vector<16xf32>,
      %gather3A_1195 = tpu.vector_load_idx %arg19[%add3A_234, %broadcast_in_dim3A_1190] : memref<512x64xf32, #tpu.memory_space<vmem>>[vector<16xi32>, vector<16xi32>], vector<16xf32>,
      %gather3A_1196 = tpu.vector_load_idx %arg19[%add3A_234, %broadcast_in_dim3A_1192] : memref<512x64xf32, #tpu.memory_space<vmem>>[vector<16xi32>, vector<16xi32>], vector<16xf32>,
      %get3A_1197 = arith.constant 28 : i32
      %get3A_1198 = arith.index_cast %get3A_1197 : i32 to index
      %get3A_1199 = arith.constant 0 : index
      %get3A_1200 = tpu.vector_load %arg12[%get3A_1198, %get3A_1199] {strides = array<i32>} : memref<32x16xf32, #tpu.memory_space<vmem>>, vector<16xf32>,
      %get3A_1201 = arith.constant 28 : i32
      %get3A_1202 = arith.index_cast %get3A_1201 : i32 to index
      %get3A_1203 = arith.constant 0 : index
      %get3A_1204 = tpu.vector_load %arg13[%get3A_1202, %get3A_1203] {strides = array<i32>} : memref<32x16xf32, #tpu.memory_space<vmem>>, vector<16xf32>,
      %mul3A_1205 = arith.mulf %gather3A_1193, %gather3A_1193 : vector<16xf32>
      %mul3A_1206 = arith.mulf %gather3A_1194, %gather3A_1194 : vector<16xf32>
      %add3A_1207 = arith.addf %mul3A_1205, %mul3A_1206 : vector<16xf32>
      %add3A_1208 = arith.addf %add3A_1174, %add3A_1207 : vector<16xf32>
      %mul3A_1209 = arith.mulf %gather3A_1195, %gather3A_1195 : vector<16xf32>
      %mul3A_1210 = arith.mulf %gather3A_1196, %gather3A_1196 : vector<16xf32>
      %add3A_1211 = arith.addf %mul3A_1209, %mul3A_1210 : vector<16xf32>
      %add3A_1212 = arith.addf %add3A_1178, %add3A_1211 : vector<16xf32>
      %mul3A_1213 = arith.mulf %gather3A_1193, %gather3A_1195 : vector<16xf32>
      %mul3A_1214 = arith.mulf %gather3A_1194, %gather3A_1196 : vector<16xf32>
      %add3A_1215 = arith.addf %mul3A_1213, %mul3A_1214 : vector<16xf32>
      %mul3A_1216 = arith.mulf %get3A_1200, %add3A_1215 : vector<16xf32>
      %add3A_1217 = arith.addf %add3A_1188, %mul3A_1216 : vector<16xf32>
      %mul3A_1218 = arith.mulf %gather3A_1194, %gather3A_1195 : vector<16xf32>
      %mul3A_1219 = arith.mulf %gather3A_1193, %gather3A_1196 : vector<16xf32>
      %sub3A_1220 = arith.subf %mul3A_1218, %mul3A_1219 : vector<16xf32>
      %mul3A_1221 = arith.mulf %get3A_1204, %sub3A_1220 : vector<16xf32>
      %add3A_1222 = arith.addf %add3A_1217, %mul3A_1221 : vector<16xf32>
      %broadcast_in_dim3A_1223 = arith.constant 58 : i32
      %broadcast_in_dim3A_1224 = vector.broadcast %broadcast_in_dim3A_1223 : i32 to vector<16xi32>
      %broadcast_in_dim3A_1225 = arith.constant 59 : i32
      %broadcast_in_dim3A_1226 = vector.broadcast %broadcast_in_dim3A_1225 : i32 to vector<16xi32>
      %gather3A_1227 = tpu.vector_load_idx %arg18[%add3A_234, %broadcast_in_dim3A_1224] : memref<512x64xf32, #tpu.memory_space<vmem>>[vector<16xi32>, vector<16xi32>], vector<16xf32>,
      %gather3A_1228 = tpu.vector_load_idx %arg18[%add3A_234, %broadcast_in_dim3A_1226] : memref<512x64xf32, #tpu.memory_space<vmem>>[vector<16xi32>, vector<16xi32>], vector<16xf32>,
      %gather3A_1229 = tpu.vector_load_idx %arg19[%add3A_234, %broadcast_in_dim3A_1224] : memref<512x64xf32, #tpu.memory_space<vmem>>[vector<16xi32>, vector<16xi32>], vector<16xf32>,
      %gather3A_1230 = tpu.vector_load_idx %arg19[%add3A_234, %broadcast_in_dim3A_1226] : memref<512x64xf32, #tpu.memory_space<vmem>>[vector<16xi32>, vector<16xi32>], vector<16xf32>,
      %get3A_1231 = arith.constant 29 : i32
      %get3A_1232 = arith.index_cast %get3A_1231 : i32 to index
      %get3A_1233 = arith.constant 0 : index
      %get3A_1234 = tpu.vector_load %arg12[%get3A_1232, %get3A_1233] {strides = array<i32>} : memref<32x16xf32, #tpu.memory_space<vmem>>, vector<16xf32>,
      %get3A_1235 = arith.constant 29 : i32
      %get3A_1236 = arith.index_cast %get3A_1235 : i32 to index
      %get3A_1237 = arith.constant 0 : index
      %get3A_1238 = tpu.vector_load %arg13[%get3A_1236, %get3A_1237] {strides = array<i32>} : memref<32x16xf32, #tpu.memory_space<vmem>>, vector<16xf32>,
      %mul3A_1239 = arith.mulf %gather3A_1227, %gather3A_1227 : vector<16xf32>
      %mul3A_1240 = arith.mulf %gather3A_1228, %gather3A_1228 : vector<16xf32>
      %add3A_1241 = arith.addf %mul3A_1239, %mul3A_1240 : vector<16xf32>
      %add3A_1242 = arith.addf %add3A_1208, %add3A_1241 : vector<16xf32>
      %mul3A_1243 = arith.mulf %gather3A_1229, %gather3A_1229 : vector<16xf32>
      %mul3A_1244 = arith.mulf %gather3A_1230, %gather3A_1230 : vector<16xf32>
      %add3A_1245 = arith.addf %mul3A_1243, %mul3A_1244 : vector<16xf32>
      %add3A_1246 = arith.addf %add3A_1212, %add3A_1245 : vector<16xf32>
      %mul3A_1247 = arith.mulf %gather3A_1227, %gather3A_1229 : vector<16xf32>
      %mul3A_1248 = arith.mulf %gather3A_1228, %gather3A_1230 : vector<16xf32>
      %add3A_1249 = arith.addf %mul3A_1247, %mul3A_1248 : vector<16xf32>
      %mul3A_1250 = arith.mulf %get3A_1234, %add3A_1249 : vector<16xf32>
      %add3A_1251 = arith.addf %add3A_1222, %mul3A_1250 : vector<16xf32>
      %mul3A_1252 = arith.mulf %gather3A_1228, %gather3A_1229 : vector<16xf32>
      %mul3A_1253 = arith.mulf %gather3A_1227, %gather3A_1230 : vector<16xf32>
      %sub3A_1254 = arith.subf %mul3A_1252, %mul3A_1253 : vector<16xf32>
      %mul3A_1255 = arith.mulf %get3A_1238, %sub3A_1254 : vector<16xf32>
      %add3A_1256 = arith.addf %add3A_1251, %mul3A_1255 : vector<16xf32>
      %broadcast_in_dim3A_1257 = arith.constant 60 : i32
      %broadcast_in_dim3A_1258 = vector.broadcast %broadcast_in_dim3A_1257 : i32 to vector<16xi32>
      %broadcast_in_dim3A_1259 = arith.constant 61 : i32
      %broadcast_in_dim3A_1260 = vector.broadcast %broadcast_in_dim3A_1259 : i32 to vector<16xi32>
      %gather3A_1261 = tpu.vector_load_idx %arg18[%add3A_234, %broadcast_in_dim3A_1258] : memref<512x64xf32, #tpu.memory_space<vmem>>[vector<16xi32>, vector<16xi32>], vector<16xf32>,
      %gather3A_1262 = tpu.vector_load_idx %arg18[%add3A_234, %broadcast_in_dim3A_1260] : memref<512x64xf32, #tpu.memory_space<vmem>>[vector<16xi32>, vector<16xi32>], vector<16xf32>,
      %gather3A_1263 = tpu.vector_load_idx %arg19[%add3A_234, %broadcast_in_dim3A_1258] : memref<512x64xf32, #tpu.memory_space<vmem>>[vector<16xi32>, vector<16xi32>], vector<16xf32>,
      %gather3A_1264 = tpu.vector_load_idx %arg19[%add3A_234, %broadcast_in_dim3A_1260] : memref<512x64xf32, #tpu.memory_space<vmem>>[vector<16xi32>, vector<16xi32>], vector<16xf32>,
      %get3A_1265 = arith.constant 30 : i32
      %get3A_1266 = arith.index_cast %get3A_1265 : i32 to index
      %get3A_1267 = arith.constant 0 : index
      %get3A_1268 = tpu.vector_load %arg12[%get3A_1266, %get3A_1267] {strides = array<i32>} : memref<32x16xf32, #tpu.memory_space<vmem>>, vector<16xf32>,
      %get3A_1269 = arith.constant 30 : i32
      %get3A_1270 = arith.index_cast %get3A_1269 : i32 to index
      %get3A_1271 = arith.constant 0 : index
      %get3A_1272 = tpu.vector_load %arg13[%get3A_1270, %get3A_1271] {strides = array<i32>} : memref<32x16xf32, #tpu.memory_space<vmem>>, vector<16xf32>,
      %mul3A_1273 = arith.mulf %gather3A_1261, %gather3A_1261 : vector<16xf32>
      %mul3A_1274 = arith.mulf %gather3A_1262, %gather3A_1262 : vector<16xf32>
      %add3A_1275 = arith.addf %mul3A_1273, %mul3A_1274 : vector<16xf32>
      %add3A_1276 = arith.addf %add3A_1242, %add3A_1275 : vector<16xf32>
      %mul3A_1277 = arith.mulf %gather3A_1263, %gather3A_1263 : vector<16xf32>
      %mul3A_1278 = arith.mulf %gather3A_1264, %gather3A_1264 : vector<16xf32>
      %add3A_1279 = arith.addf %mul3A_1277, %mul3A_1278 : vector<16xf32>
      %add3A_1280 = arith.addf %add3A_1246, %add3A_1279 : vector<16xf32>
      %mul3A_1281 = arith.mulf %gather3A_1261, %gather3A_1263 : vector<16xf32>
      %mul3A_1282 = arith.mulf %gather3A_1262, %gather3A_1264 : vector<16xf32>
      %add3A_1283 = arith.addf %mul3A_1281, %mul3A_1282 : vector<16xf32>
      %mul3A_1284 = arith.mulf %get3A_1268, %add3A_1283 : vector<16xf32>
      %add3A_1285 = arith.addf %add3A_1256, %mul3A_1284 : vector<16xf32>
      %mul3A_1286 = arith.mulf %gather3A_1262, %gather3A_1263 : vector<16xf32>
      %mul3A_1287 = arith.mulf %gather3A_1261, %gather3A_1264 : vector<16xf32>
      %sub3A_1288 = arith.subf %mul3A_1286, %mul3A_1287 : vector<16xf32>
      %mul3A_1289 = arith.mulf %get3A_1272, %sub3A_1288 : vector<16xf32>
      %add3A_1290 = arith.addf %add3A_1285, %mul3A_1289 : vector<16xf32>
      %broadcast_in_dim3A_1291 = arith.constant 62 : i32
      %broadcast_in_dim3A_1292 = vector.broadcast %broadcast_in_dim3A_1291 : i32 to vector<16xi32>
      %broadcast_in_dim3A_1293 = arith.constant 63 : i32
      %broadcast_in_dim3A_1294 = vector.broadcast %broadcast_in_dim3A_1293 : i32 to vector<16xi32>
      %gather3A_1295 = tpu.vector_load_idx %arg18[%add3A_234, %broadcast_in_dim3A_1292] : memref<512x64xf32, #tpu.memory_space<vmem>>[vector<16xi32>, vector<16xi32>], vector<16xf32>,
      %gather3A_1296 = tpu.vector_load_idx %arg18[%add3A_234, %broadcast_in_dim3A_1294] : memref<512x64xf32, #tpu.memory_space<vmem>>[vector<16xi32>, vector<16xi32>], vector<16xf32>,
      %gather3A_1297 = tpu.vector_load_idx %arg19[%add3A_234, %broadcast_in_dim3A_1292] : memref<512x64xf32, #tpu.memory_space<vmem>>[vector<16xi32>, vector<16xi32>], vector<16xf32>,
      %gather3A_1298 = tpu.vector_load_idx %arg19[%add3A_234, %broadcast_in_dim3A_1294] : memref<512x64xf32, #tpu.memory_space<vmem>>[vector<16xi32>, vector<16xi32>], vector<16xf32>,
      %get3A_1299 = arith.constant 31 : i32
      %get3A_1300 = arith.index_cast %get3A_1299 : i32 to index
      %get3A_1301 = arith.constant 0 : index
      %get3A_1302 = tpu.vector_load %arg12[%get3A_1300, %get3A_1301] {strides = array<i32>} : memref<32x16xf32, #tpu.memory_space<vmem>>, vector<16xf32>,
      %get3A_1303 = arith.constant 31 : i32
      %get3A_1304 = arith.index_cast %get3A_1303 : i32 to index
      %get3A_1305 = arith.constant 0 : index
      %get3A_1306 = tpu.vector_load %arg13[%get3A_1304, %get3A_1305] {strides = array<i32>} : memref<32x16xf32, #tpu.memory_space<vmem>>, vector<16xf32>,
      %mul3A_1307 = arith.mulf %gather3A_1295, %gather3A_1295 : vector<16xf32>
      %mul3A_1308 = arith.mulf %gather3A_1296, %gather3A_1296 : vector<16xf32>
      %add3A_1309 = arith.addf %mul3A_1307, %mul3A_1308 : vector<16xf32>
      %add3A_1310 = arith.addf %add3A_1276, %add3A_1309 : vector<16xf32>
      %mul3A_1311 = arith.mulf %gather3A_1297, %gather3A_1297 : vector<16xf32>
      %mul3A_1312 = arith.mulf %gather3A_1298, %gather3A_1298 : vector<16xf32>
      %add3A_1313 = arith.addf %mul3A_1311, %mul3A_1312 : vector<16xf32>
      %add3A_1314 = arith.addf %add3A_1280, %add3A_1313 : vector<16xf32>
      %mul3A_1315 = arith.mulf %gather3A_1295, %gather3A_1297 : vector<16xf32>
      %mul3A_1316 = arith.mulf %gather3A_1296, %gather3A_1298 : vector<16xf32>
      %add3A_1317 = arith.addf %mul3A_1315, %mul3A_1316 : vector<16xf32>
      %mul3A_1318 = arith.mulf %get3A_1302, %add3A_1317 : vector<16xf32>
      %add3A_1319 = arith.addf %add3A_1290, %mul3A_1318 : vector<16xf32>
      %mul3A_1320 = arith.mulf %gather3A_1296, %gather3A_1297 : vector<16xf32>
      %mul3A_1321 = arith.mulf %gather3A_1295, %gather3A_1298 : vector<16xf32>
      %sub3A_1322 = arith.subf %mul3A_1320, %mul3A_1321 : vector<16xf32>
      %mul3A_1323 = arith.mulf %get3A_1306, %sub3A_1322 : vector<16xf32>
      %add3A_1324 = arith.addf %add3A_1319, %mul3A_1323 : vector<16xf32>
      %add3A_1325 = arith.constant 1.000000e+00 : f32
      %add3A_1326 = vector.broadcast %add3A_1325 : f32 to vector<16xf32>
      %add3A_1327 = arith.addf %add3A_1326, %add3A_1310 : vector<16xf32>
      %bitcast3A = vector.bitcast %add3A_1327 : vector<16xf32> to vector<16xi32>
      %shift_right_arithmetic3A = arith.constant 1 : i32
      %shift_right_arithmetic3A_1328 = vector.broadcast %shift_right_arithmetic3A : i32 to vector<16xi32>
      %shift_right_arithmetic3A_1329 = arith.shrsi %bitcast3A, %shift_right_arithmetic3A_1328 : vector<16xi32>
      %sub3A_1330 = arith.constant 1597463007 : i32
      %sub3A_1331 = vector.broadcast %sub3A_1330 : i32 to vector<16xi32>
      %sub3A_1332 = arith.subi %sub3A_1331, %shift_right_arithmetic3A_1329 : vector<16xi32>
      %bitcast3A_1333 = vector.bitcast %sub3A_1332 : vector<16xi32> to vector<16xf32>
      %mul3A_1334 = arith.constant 5.000000e-01 : f32
      %mul3A_1335 = vector.broadcast %mul3A_1334 : f32 to vector<16xf32>
      %mul3A_1336 = arith.mulf %mul3A_1335, %add3A_1327 : vector<16xf32>
      %mul3A_1337 = arith.mulf %mul3A_1336, %bitcast3A_1333 : vector<16xf32>
      %mul3A_1338 = arith.mulf %mul3A_1337, %bitcast3A_1333 : vector<16xf32>
      %sub3A_1339 = arith.constant 1.500000e+00 : f32
      %sub3A_1340 = vector.broadcast %sub3A_1339 : f32 to vector<16xf32>
      %sub3A_1341 = arith.subf %sub3A_1340, %mul3A_1338 : vector<16xf32>
      %mul3A_1342 = arith.mulf %bitcast3A_1333, %sub3A_1341 : vector<16xf32>
      %mul3A_1343 = arith.constant 5.000000e-01 : f32
      %mul3A_1344 = vector.broadcast %mul3A_1343 : f32 to vector<16xf32>
      %mul3A_1345 = arith.mulf %mul3A_1344, %add3A_1327 : vector<16xf32>
      %mul3A_1346 = arith.mulf %mul3A_1345, %mul3A_1342 : vector<16xf32>
      %mul3A_1347 = arith.mulf %mul3A_1346, %mul3A_1342 : vector<16xf32>
      %sub3A_1348 = arith.constant 1.500000e+00 : f32
      %sub3A_1349 = vector.broadcast %sub3A_1348 : f32 to vector<16xf32>
      %sub3A_1350 = arith.subf %sub3A_1349, %mul3A_1347 : vector<16xf32>
      %mul3A_1351 = arith.mulf %mul3A_1342, %sub3A_1350 : vector<16xf32>
      %mul3A_1352 = arith.constant 5.000000e-01 : f32
      %mul3A_1353 = vector.broadcast %mul3A_1352 : f32 to vector<16xf32>
      %mul3A_1354 = arith.mulf %mul3A_1353, %add3A_1327 : vector<16xf32>
      %mul3A_1355 = arith.mulf %mul3A_1354, %mul3A_1351 : vector<16xf32>
      %mul3A_1356 = arith.mulf %mul3A_1355, %mul3A_1351 : vector<16xf32>
      %sub3A_1357 = arith.constant 1.500000e+00 : f32
      %sub3A_1358 = vector.broadcast %sub3A_1357 : f32 to vector<16xf32>
      %sub3A_1359 = arith.subf %sub3A_1358, %mul3A_1356 : vector<16xf32>
      %mul3A_1360 = arith.mulf %mul3A_1351, %sub3A_1359 : vector<16xf32>
      %mul3A_1361 = arith.mulf %add3A_1327, %mul3A_1360 : vector<16xf32>
      %add3A_1362 = arith.constant 1.000000e+00 : f32
      %add3A_1363 = vector.broadcast %add3A_1362 : f32 to vector<16xf32>
      %add3A_1364 = arith.addf %add3A_1363, %add3A_1314 : vector<16xf32>
      %bitcast3A_1365 = vector.bitcast %add3A_1364 : vector<16xf32> to vector<16xi32>
      %shift_right_arithmetic3A_1366 = arith.constant 1 : i32
      %shift_right_arithmetic3A_1367 = vector.broadcast %shift_right_arithmetic3A_1366 : i32 to vector<16xi32>
      %shift_right_arithmetic3A_1368 = arith.shrsi %bitcast3A_1365, %shift_right_arithmetic3A_1367 : vector<16xi32>
      %sub3A_1369 = arith.constant 1597463007 : i32
      %sub3A_1370 = vector.broadcast %sub3A_1369 : i32 to vector<16xi32>
      %sub3A_1371 = arith.subi %sub3A_1370, %shift_right_arithmetic3A_1368 : vector<16xi32>
      %bitcast3A_1372 = vector.bitcast %sub3A_1371 : vector<16xi32> to vector<16xf32>
      %mul3A_1373 = arith.constant 5.000000e-01 : f32
      %mul3A_1374 = vector.broadcast %mul3A_1373 : f32 to vector<16xf32>
      %mul3A_1375 = arith.mulf %mul3A_1374, %add3A_1364 : vector<16xf32>
      %mul3A_1376 = arith.mulf %mul3A_1375, %bitcast3A_1372 : vector<16xf32>
      %mul3A_1377 = arith.mulf %mul3A_1376, %bitcast3A_1372 : vector<16xf32>
      %sub3A_1378 = arith.constant 1.500000e+00 : f32
      %sub3A_1379 = vector.broadcast %sub3A_1378 : f32 to vector<16xf32>
      %sub3A_1380 = arith.subf %sub3A_1379, %mul3A_1377 : vector<16xf32>
      %mul3A_1381 = arith.mulf %bitcast3A_1372, %sub3A_1380 : vector<16xf32>
      %mul3A_1382 = arith.constant 5.000000e-01 : f32
      %mul3A_1383 = vector.broadcast %mul3A_1382 : f32 to vector<16xf32>
      %mul3A_1384 = arith.mulf %mul3A_1383, %add3A_1364 : vector<16xf32>
      %mul3A_1385 = arith.mulf %mul3A_1384, %mul3A_1381 : vector<16xf32>
      %mul3A_1386 = arith.mulf %mul3A_1385, %mul3A_1381 : vector<16xf32>
      %sub3A_1387 = arith.constant 1.500000e+00 : f32
      %sub3A_1388 = vector.broadcast %sub3A_1387 : f32 to vector<16xf32>
      %sub3A_1389 = arith.subf %sub3A_1388, %mul3A_1386 : vector<16xf32>
      %mul3A_1390 = arith.mulf %mul3A_1381, %sub3A_1389 : vector<16xf32>
      %mul3A_1391 = arith.constant 5.000000e-01 : f32
      %mul3A_1392 = vector.broadcast %mul3A_1391 : f32 to vector<16xf32>
      %mul3A_1393 = arith.mulf %mul3A_1392, %add3A_1364 : vector<16xf32>
      %mul3A_1394 = arith.mulf %mul3A_1393, %mul3A_1390 : vector<16xf32>
      %mul3A_1395 = arith.mulf %mul3A_1394, %mul3A_1390 : vector<16xf32>
      %sub3A_1396 = arith.constant 1.500000e+00 : f32
      %sub3A_1397 = vector.broadcast %sub3A_1396 : f32 to vector<16xf32>
      %sub3A_1398 = arith.subf %sub3A_1397, %mul3A_1395 : vector<16xf32>
      %mul3A_1399 = arith.mulf %mul3A_1390, %sub3A_1398 : vector<16xf32>
      %mul3A_1400 = arith.mulf %add3A_1364, %mul3A_1399 : vector<16xf32>
      %mul3A_1401 = arith.mulf %mul3A_1361, %mul3A_1400 : vector<16xf32>
      %sub3A_1402 = arith.subf %mul3A_1401, %add3A_1324 : vector<16xf32>
      %max3A = arith.constant 1.00000012 : f32
      %max3A_1403 = vector.broadcast %max3A : f32 to vector<16xf32>
      %max3A_1404 = arith.maximumf %sub3A_1402, %max3A_1403 : vector<16xf32>
      %sub3A_1405 = arith.constant 1.000000e+00 : f32
      %sub3A_1406 = vector.broadcast %sub3A_1405 : f32 to vector<16xf32>
      %sub3A_1407 = arith.subf %max3A_1404, %sub3A_1406 : vector<16xf32>
      %add3A_1408 = arith.constant 2.000000e+00 : f32
      %add3A_1409 = vector.broadcast %add3A_1408 : f32 to vector<16xf32>
      %add3A_1410 = arith.addf %sub3A_1407, %add3A_1409 : vector<16xf32>
      %mul3A_1411 = arith.mulf %sub3A_1407, %add3A_1410 : vector<16xf32>
      %bitcast3A_1412 = vector.bitcast %mul3A_1411 : vector<16xf32> to vector<16xi32>
      %shift_right_arithmetic3A_1413 = arith.constant 1 : i32
      %shift_right_arithmetic3A_1414 = vector.broadcast %shift_right_arithmetic3A_1413 : i32 to vector<16xi32>
      %shift_right_arithmetic3A_1415 = arith.shrsi %bitcast3A_1412, %shift_right_arithmetic3A_1414 : vector<16xi32>
      %sub3A_1416 = arith.constant 1597463007 : i32
      %sub3A_1417 = vector.broadcast %sub3A_1416 : i32 to vector<16xi32>
      %sub3A_1418 = arith.subi %sub3A_1417, %shift_right_arithmetic3A_1415 : vector<16xi32>
      %bitcast3A_1419 = vector.bitcast %sub3A_1418 : vector<16xi32> to vector<16xf32>
      %mul3A_1420 = arith.constant 5.000000e-01 : f32
      %mul3A_1421 = vector.broadcast %mul3A_1420 : f32 to vector<16xf32>
      %mul3A_1422 = arith.mulf %mul3A_1421, %mul3A_1411 : vector<16xf32>
      %mul3A_1423 = arith.mulf %mul3A_1422, %bitcast3A_1419 : vector<16xf32>
      %mul3A_1424 = arith.mulf %mul3A_1423, %bitcast3A_1419 : vector<16xf32>
      %sub3A_1425 = arith.constant 1.500000e+00 : f32
      %sub3A_1426 = vector.broadcast %sub3A_1425 : f32 to vector<16xf32>
      %sub3A_1427 = arith.subf %sub3A_1426, %mul3A_1424 : vector<16xf32>
      %mul3A_1428 = arith.mulf %bitcast3A_1419, %sub3A_1427 : vector<16xf32>
      %mul3A_1429 = arith.constant 5.000000e-01 : f32
      %mul3A_1430 = vector.broadcast %mul3A_1429 : f32 to vector<16xf32>
      %mul3A_1431 = arith.mulf %mul3A_1430, %mul3A_1411 : vector<16xf32>
      %mul3A_1432 = arith.mulf %mul3A_1431, %mul3A_1428 : vector<16xf32>
      %mul3A_1433 = arith.mulf %mul3A_1432, %mul3A_1428 : vector<16xf32>
      %sub3A_1434 = arith.constant 1.500000e+00 : f32
      %sub3A_1435 = vector.broadcast %sub3A_1434 : f32 to vector<16xf32>
      %sub3A_1436 = arith.subf %sub3A_1435, %mul3A_1433 : vector<16xf32>
      %mul3A_1437 = arith.mulf %mul3A_1428, %sub3A_1436 : vector<16xf32>
      %mul3A_1438 = arith.constant 5.000000e-01 : f32
      %mul3A_1439 = vector.broadcast %mul3A_1438 : f32 to vector<16xf32>
      %mul3A_1440 = arith.mulf %mul3A_1439, %mul3A_1411 : vector<16xf32>
      %mul3A_1441 = arith.mulf %mul3A_1440, %mul3A_1437 : vector<16xf32>
      %mul3A_1442 = arith.mulf %mul3A_1441, %mul3A_1437 : vector<16xf32>
      %sub3A_1443 = arith.constant 1.500000e+00 : f32
      %sub3A_1444 = vector.broadcast %sub3A_1443 : f32 to vector<16xf32>
      %sub3A_1445 = arith.subf %sub3A_1444, %mul3A_1442 : vector<16xf32>
      %mul3A_1446 = arith.mulf %mul3A_1437, %sub3A_1445 : vector<16xf32>
      %mul3A_1447 = arith.mulf %mul3A_1411, %mul3A_1446 : vector<16xf32>
      %add3A_1448 = arith.addf %sub3A_1407, %mul3A_1447 : vector<16xf32>
      %add3A_1449 = arith.constant 1.000000e+00 : f32
      %add3A_1450 = vector.broadcast %add3A_1449 : f32 to vector<16xf32>
      %add3A_1451 = arith.addf %add3A_1450, %add3A_1448 : vector<16xf32>
      %bitcast3A_1452 = vector.bitcast %add3A_1451 : vector<16xf32> to vector<16xi32>
      %shift_right_arithmetic3A_1453 = arith.constant 23 : i32
      %shift_right_arithmetic3A_1454 = vector.broadcast %shift_right_arithmetic3A_1453 : i32 to vector<16xi32>
      %shift_right_arithmetic3A_1455 = arith.shrsi %bitcast3A_1452, %shift_right_arithmetic3A_1454 : vector<16xi32>
      %sub3A_1456 = arith.constant 127 : i32
      %sub3A_1457 = vector.broadcast %sub3A_1456 : i32 to vector<16xi32>
      %sub3A_1458 = arith.subi %shift_right_arithmetic3A_1455, %sub3A_1457 : vector<16xi32>
      %and3A = arith.constant 8388607 : i32
      %and3A_1459 = vector.broadcast %and3A : i32 to vector<16xi32>
      %and3A_1460 = arith.andi %bitcast3A_1452, %and3A_1459 : vector<16xi32>
      %or3A = arith.constant 1065353216 : i32
      %or3A_1461 = vector.broadcast %or3A : i32 to vector<16xi32>
      %or3A_1462 = arith.ori %and3A_1460, %or3A_1461 : vector<16xi32>
      %bitcast3A_1463 = vector.bitcast %or3A_1462 : vector<16xi32> to vector<16xf32>
      %gt3A = arith.constant 1.41421354 : f32
      %gt3A_1464 = vector.broadcast %gt3A : f32 to vector<16xf32>
      %gt3A_1465 = arith.cmpf ogt, %bitcast3A_1463, %gt3A_1464 : vector<16xf32>
      %mul3A_1466 = arith.constant 5.000000e-01 : f32
      %mul3A_1467 = vector.broadcast %mul3A_1466 : f32 to vector<16xf32>
      %mul3A_1468 = arith.mulf %bitcast3A_1463, %mul3A_1467 : vector<16xf32>
      %select_n3A = arith.select %gt3A_1465, %mul3A_1468, %bitcast3A_1463 : vector<16xi1>, vector<16xf32>
      %jit3A = arith.constant 1 : i32
      %jit3A_1469 = arith.constant 0 : i32
      %broadcast_in_dim3A_1470 = vector.broadcast %jit3A : i32 to vector<16xi32>
      %broadcast_in_dim3A_1471 = vector.broadcast %jit3A_1469 : i32 to vector<16xi32>
      %select_n3A_1472 = arith.select %gt3A_1465, %broadcast_in_dim3A_1470, %broadcast_in_dim3A_1471 : vector<16xi1>, vector<16xi32>
      %add3A_1473 = arith.addi %sub3A_1458, %select_n3A_1472 : vector<16xi32>
      %sub3A_1474 = arith.constant 1.000000e+00 : f32
      %sub3A_1475 = vector.broadcast %sub3A_1474 : f32 to vector<16xf32>
      %sub3A_1476 = arith.subf %select_n3A, %sub3A_1475 : vector<16xf32>
      %add3A_1477 = arith.constant 1.000000e+00 : f32
      %add3A_1478 = vector.broadcast %add3A_1477 : f32 to vector<16xf32>
      %add3A_1479 = arith.addf %select_n3A, %add3A_1478 : vector<16xf32>
      %div3A = arith.divf %sub3A_1476, %add3A_1479 : vector<16xf32>
      %mul3A_1480 = arith.mulf %div3A, %div3A : vector<16xf32>
      %mul3A_1481 = arith.constant 0.111111112 : f32
      %mul3A_1482 = vector.broadcast %mul3A_1481 : f32 to vector<16xf32>
      %mul3A_1483 = arith.mulf %mul3A_1480, %mul3A_1482 : vector<16xf32>
      %mul3A_1484 = arith.mulf %mul3A_1480, %mul3A_1483 : vector<16xf32>
      %add3A_1485 = arith.constant 0.142857149 : f32
      %add3A_1486 = vector.broadcast %add3A_1485 : f32 to vector<16xf32>
      %add3A_1487 = arith.addf %mul3A_1484, %add3A_1486 : vector<16xf32>
      %mul3A_1488 = arith.mulf %mul3A_1480, %add3A_1487 : vector<16xf32>
      %add3A_1489 = arith.constant 2.000000e-01 : f32
      %add3A_1490 = vector.broadcast %add3A_1489 : f32 to vector<16xf32>
      %add3A_1491 = arith.addf %mul3A_1488, %add3A_1490 : vector<16xf32>
      %mul3A_1492 = arith.mulf %mul3A_1480, %add3A_1491 : vector<16xf32>
      %add3A_1493 = arith.constant 0.333333343 : f32
      %add3A_1494 = vector.broadcast %add3A_1493 : f32 to vector<16xf32>
      %add3A_1495 = arith.addf %mul3A_1492, %add3A_1494 : vector<16xf32>
      %mul3A_1496 = arith.mulf %mul3A_1480, %add3A_1495 : vector<16xf32>
      %add3A_1497 = arith.constant 1.000000e+00 : f32
      %add3A_1498 = vector.broadcast %add3A_1497 : f32 to vector<16xf32>
      %add3A_1499 = arith.addf %mul3A_1496, %add3A_1498 : vector<16xf32>
      %mul3A_1500 = arith.constant 2.000000e+00 : f32
      %mul3A_1501 = vector.broadcast %mul3A_1500 : f32 to vector<16xf32>
      %mul3A_1502 = arith.mulf %mul3A_1501, %div3A : vector<16xf32>
      %mul3A_1503 = arith.mulf %mul3A_1502, %add3A_1499 : vector<16xf32>
      %convert_element_type3A = arith.sitofp %add3A_1473 : vector<16xi32> to vector<16xf32>
      %mul3A_1504 = arith.constant 0.693147182 : f32
      %mul3A_1505 = vector.broadcast %mul3A_1504 : f32 to vector<16xf32>
      %mul3A_1506 = arith.mulf %convert_element_type3A, %mul3A_1505 : vector<16xf32>
      %add3A_1507 = arith.addf %mul3A_1506, %mul3A_1503 : vector<16xf32>
      %get3A_1508 = arith.index_cast %mul3A_232 : i32 to index
      %get3A_1509 = tpu.vector_load %arg20[%get3A_1508] {strides = array<i32>} : memref<512xf32, #tpu.memory_space<vmem>>, vector<16xf32>,
      %neg3A = arith.constant 0.000000e+00 : f32
      %neg3A_1510 = vector.broadcast %neg3A : f32 to vector<16xf32>
      %neg3A_1511 = arith.subf %neg3A_1510, %get3A_1509 : vector<16xf32>
      %mul3A_1512 = arith.mulf %neg3A_1511, %add3A_1507 : vector<16xf32>
      %mul3A_1513 = arith.mulf %mul3A_1512, %add3A_1507 : vector<16xf32>
      %get3A_1514 = arith.index_cast %mul3A_232 : i32 to index
      %get3A_1515 = tpu.vector_load %arg21[%get3A_1514] {strides = array<i32>} : memref<512xf32, #tpu.memory_space<vmem>>, vector<16xf32>,
      %add3A_1516 = arith.addf %mul3A_1513, %get3A_1515 : vector<16xf32>
      %get3A_1517 = arith.index_cast %mul3A_232 : i32 to index
      %get3A_1518 = tpu.vector_load %arg22[%get3A_1517] {strides = array<i32>} : memref<512xf32, #tpu.memory_space<vmem>>, vector<16xf32>,
      %add3A_1519 = arith.addf %add3A_1516, %get3A_1518 : vector<16xf32>
      %swap3A = arith.index_cast %mul3A_232 : i32 to index
      %swap3A_1520 = tpu.vector_load %arg23[%swap3A] {strides = array<i32>} : memref<512xf32, #tpu.memory_space<vmem>>, vector<16xf32>,
      tpu.vector_store %arg23[%swap3A], %add3A_1519 {strides = array<i32>} : memref<512xf32, #tpu.memory_space<vmem>>, vector<16xf32>,
    }
    %scan3A_229 = arith.constant 32 : i32
    "tpu.region"() ({
      %run_scoped3A = tpu.sem_alloc : memref<!tpu.dma_semaphore, #tpu.memory_space<semaphore_mem>>
      %dma_start3A_230 = tpu.memref_slice %arg11[%mul3A_2] : memref<16384xf32, #tpu.memory_space<hbm>> -> memref<512xf32, #tpu.memory_space<hbm>>
      %dma_start3A_231 = tpu.memref_slice %arg11[%mul3A_2] : memref<16384xf32, #tpu.memory_space<hbm>> -> memref<512xf32, #tpu.memory_space<hbm>>
      tpu.enqueue_dma source(%arg23 : memref<512xf32, #tpu.memory_space<vmem>>) target(%dma_start3A_231 : memref<512xf32, #tpu.memory_space<hbm>>) target_semaphore(%run_scoped3A : memref<!tpu.dma_semaphore, #tpu.memory_space<semaphore_mem>>)
      %dma_wait3A_232 = tpu.memref_slice %arg11[%mul3A_2] : memref<16384xf32, #tpu.memory_space<hbm>> -> memref<512xf32, #tpu.memory_space<hbm>>
      %dma_wait3A_233 = tpu.memref_slice %arg11[%mul3A_2] : memref<16384xf32, #tpu.memory_space<hbm>> -> memref<512xf32, #tpu.memory_space<hbm>>
      tpu.wait_dma2 semaphore(%run_scoped3A : memref<!tpu.dma_semaphore, #tpu.memory_space<semaphore_mem>>) src(%arg23 : memref<512xf32, #tpu.memory_space<vmem>>) dst(%dma_wait3A_233 : memref<512xf32, #tpu.memory_space<hbm>>)
      tpu.yield
    }) : () -> ()
    return
  }
}

</mosaic_0001>

<sc_bundles>
// kernel: kernel.3.cloned.1.call-start
scs
__scs_entry_jumppad:
0x0: {  	(pc) =	sbr.rel $0x88, $3  }
0x1: {  	(tag) =	ssettag $0x0;
	lr =	simm.s32 $0x1  }
0x2: {  	[smem:$0x3F9A] =	sst lr;
	_ =	strace $0xD0000000  }
0x3: {  	_ = 	snop  }
0x4: {  	_ = 	snop  }
0x5: {  	_ = 	snop  }
0x6: {  	_ = 	snop  }
0x7: {  	_ = 	snop  }
__scs_overlays_trampoline_lowered:
0x8: {  	[smem:$0x3FA9] =	sst s0  }
0x9: {  	[smem:$0x3FAA] =	sst s1  }
0xa: {  	[smem:$0x3FAB] =	sst s2  }
0xb: {  	[smem:$0x3FAC] =	sst s3  }
0xc: {  	[smem:$0x3FAD] =	sst s4  }
0xd: {  	[smem:$0x3FAE] =	sst s5  }
0xe: {  	[smem:$0x3FAF] =	sst s6  }
0xf: {  	[smem:$0x3FB0] =	sst s7  }
0x10: {  	[smem:$0x3FB1] =	sst s8  }
0x11: {  	[smem:$0x3FB2] =	sst s9;
	s0 =	simm.s32 @!p0 $0x0  }
0x12: {  	s1 =	sld [smem:$0x3F98];
	s0 =	simm.s32 @p0 $0x1  }
0x13: {  	[smem:$0x3FB3] =	sst s0;
	s0 =	simm.s32 @!p1 $0x0  }
0x14: {  	s2 =	sld [smem:$0x3F97];
	s0 =	simm.s32 @p1 $0x1  }
0x15: {  	[smem:$0x3FB4] =	sst s0;
	s0 =	simm.s32 @!p2 $0x0  }
0x16: {  	s3 =	sld [smem:$0x3FDB];
	s0 =	simm.s32 @p2 $0x1  }
0x17: {  	s4 =	simm.s32 $0x1BF5;
	[smem:$0x3FB6] =	sst s0  }
0x18: {  	s0 =	sld [smem:$0x3F99];
	_ =	swait.ge [sflag:s4], $0x0  }
0x19: {  	s7 =	sld [smem:$0x3F9A]  }
0x1a: {  	s8 =	sadd.s32 $0xFFFFE003, lr  }
0x1b: {  	s9 =	sadd.s32 $0xFFFFFEF7, lr;
	s5 =	simm.s32 $0xFFFFFFFF;
	p2 =	slt.u32 s8, $0xFFFFF086  }
0x1c: {  	p1 =	slt.u32 s9, $0xF7A;
	s5 =	simm.s32 @!p2 $0x0  }
0x1d: {  	s5 =	simm.s32 @p1 $0x1;
	p0 =	seq.s32 s7, s2  }
0x1e: {  	s7 =	smul.u32 @!p0 $0xF7A, s2;
	p2 =	seq.s32 @!p0 s5, $0x0  }
0x1f: {  	s9 =	smul.u32 $0xF7A, s1;
	s8 =	simm.s32 @!p0 $0x1BF5;
	p2 =	por !p2, p0  }
0x20: {  	[sflag:s8] =	ssyncset.s32 @!p0 $0xFFFFF086;
	s6 =	sadd.s32 @!p0 s3, s7;
	s7 =	simm.s32 @!p0 $0x108  }
0x21: {  	s3 =	sadd.s32 s3, s9;
	s6 =	sadd.s32 @!p0 $0x88, s6;
	s7 =	simm.s32 @p2 $0x1082  }
0x22: {  	[simem:s7], [sflag:s8] =	dma.local @!p0 [hbm:s6], $0xF7A  }
0x23: {  	s9 =	sor.u32 $0xD0000000, s2;
	s6 =	simm.s32 $0x108;
	_ =	swait.ge @!p0 [sflag:s8], $0x0  }
0x24: {  	s3 =	sadd.s32 $0x88, s3;
	s6 =	simm.s32 @!p1 $0x1082;
	[sflag:s4] =	ssyncset.s32 $0xFFFFF086  }
0x25: {  	[simem:s6], [sflag:s4] =	dma.local [hbm:s3], $0xF7A  }
0x26: {  	[smem:$0x3F9A] =	sst s1;
	(tag) =	ssettag s2;
	_ =	strace s9  }
0x27: {  	s1 =	sld [smem:$0x3FAA]  }
0x28: {  	s2 =	sld [smem:$0x3FAB]  }
0x29: {  	s4 =	sld [smem:$0x3FAD]  }
0x2a: {  	p0 =	seq.s32 s5, $0x0;
	s5 =	sld [smem:$0x3FAE]  }
0x2b: {  	s6 =	sld [smem:$0x3FAF]  }
0x2c: {  	s7 =	sld [smem:$0x3FB0]  }
0x2d: {  	s3 =	simm.s32 $0x108;
	s8 =	sld [smem:$0x3FB1]  }
0x2e: {  	s3 =	simm.s32 @!p0 $0x1082;
	s9 =	sld [smem:$0x3FB2]  }
0x2f: {  	lr =	sadd.s32 s0, s3;
	s0 =	sld [smem:$0x3FA9]  }
0x30: {  	s3 =	sld [smem:$0x3FAC]  }
0x31: {  	[smem:$0x3FB5] =	sst s10  }
0x32: {  	s10 =	sld [smem:$0x3FB3];
	_ =	sdelay $0x3  }
0x33: {  	p0 =	seq.s32 s10, $0x1;
	s10 =	sld [smem:$0x3FB5];
	_ =	sdelay $0x3  }
0x34: {  	[smem:$0x3FB5] =	sst s10  }
0x35: {  	s10 =	sld [smem:$0x3FB4];
	_ =	sdelay $0x3  }
0x36: {  	p1 =	seq.s32 s10, $0x1;
	s10 =	sld [smem:$0x3FB5];
	_ =	sdelay $0x3  }
0x37: {  	[smem:$0x3FB5] =	sst s10  }
0x38: {  	s10 =	sld [smem:$0x3FB6]  }
0x39: {  	_ = 	snop;
	(pc) =	sbr.ind lr, $3  }
0x3a: {  	_ = 	snop  }
0x3b: {  	_ = 	snop  }
0x3c: {  	p2 =	seq.s32 s10, $0x1;
	s10 =	sld [smem:$0x3FB5]  }
0x3d: {  	_ =	shalt  }
0x3e: {  	_ =	shalt  }
0x3f: {  	_ =	shalt  }
0x40: {  	_ =	shalt  }
0x41: {  	_ =	shalt  }
0x42: {  	_ =	shalt  }
0x43: {  	_ =	shalt  }
0x44: {  	_ =	shalt  }
0x45: {  	_ =	shalt  }
0x46: {  	_ =	shalt  }
0x47: {  	_ =	shalt  }
0x48: {  	_ =	shalt  }
0x49: {  	_ =	shalt  }
0x4a: {  	_ =	shalt  }
0x4b: {  	_ =	shalt  }
0x4c: {  	_ =	shalt  }
0x4d: {  	_ =	shalt  }
0x4e: {  	_ =	shalt  }
0x4f: {  	_ =	shalt  }
0x50: {  	_ =	shalt  }
0x51: {  	_ =	shalt  }
0x52: {  	_ =	shalt  }
0x53: {  	_ =	shalt  }
0x54: {  	_ =	shalt  }
0x55: {  	_ =	shalt  }
0x56: {  	_ =	shalt  }
0x57: {  	_ =	shalt  }
0x58: {  	_ =	shalt  }
0x59: {  	_ =	shalt  }
0x5a: {  	_ =	shalt  }
0x5b: {  	_ =	shalt  }
0x5c: {  	_ =	shalt  }
0x5d: {  	_ =	shalt  }
0x5e: {  	_ =	shalt  }
0x5f: {  	_ =	shalt  }
0x60: {  	_ =	shalt  }
0x61: {  	_ =	shalt  }
0x62: {  	_ =	shalt  }
0x63: {  	_ =	shalt  }
0x64: {  	_ =	shalt  }
0x65: {  	_ =	shalt  }
0x66: {  	_ =	shalt  }
0x67: {  	_ =	shalt  }
0x68: {  	_ =	shalt  }
0x69: {  	_ =	shalt  }
0x6a: {  	_ =	shalt  }
0x6b: {  	_ =	shalt  }
0x6c: {  	_ =	shalt  }
0x6d: {  	_ =	shalt  }
0x6e: {  	_ =	shalt  }
0x6f: {  	_ =	shalt  }
0x70: {  	_ =	shalt  }
0x71: {  	_ =	shalt  }
0x72: {  	_ =	shalt  }
0x73: {  	_ =	shalt  }
0x74: {  	_ =	shalt  }
0x75: {  	_ =	shalt  }
0x76: {  	_ =	shalt  }
0x77: {  	_ =	shalt  }
0x78: {  	_ =	shalt  }
0x79: {  	_ =	shalt  }
0x7a: {  	_ =	shalt  }
0x7b: {  	_ =	shalt  }
0x7c: {  	_ =	shalt  }
0x7d: {  	_ =	shalt  }
0x7e: {  	_ =	shalt  }
0x7f: {  	_ =	shalt  }
0x80: {  	_ =	shalt  }
0x81: {  	_ =	shalt  }
0x82: {  	_ =	shalt  }
0x83: {  	_ =	shalt  }
0x84: {  	_ =	shalt  }
0x85: {  	_ =	shalt  }
0x86: {  	_ =	shalt  }
0x87: {  	_ =	shalt  }
.Lfunc_end0:
.L_simem_size_0:
called_computation_lowered:
.L_overlay_start_0:
0x88: {  	s2 =	sld [smem:$0x3FD9]  }
0x89: {  	s3 =	sld [smem:$0x3FFE];
	_ =	sdelay $0x1  }
0x8a: {  	s1 =	srdreg.scid  }
0x8b: {  	s0 =	sand.u32 $0x1, s1  }
0x8c: {  	s17 =	sshll.u32 s0, $0xA;
	s2 =	sadd.s32 s3, s2  }
0x8d: {  	s2 =	sadd.s32 s2, s17  }
0x8e: {  	[smem:$0x3FC1] =	sst s2  }
0x8f: {  	_ = 	snop  }
0x90: {  	s2 =	sld [smem:$0x3FC9]  }
0x91: {  	s18 =	sld [smem:$0x3FC8]  }
0x92: {  	s4 =	sld [smem:$0x3FC7]  }
0x93: {  	s5 =	sld [smem:$0x3FC3]  }
0x94: {  	s6 =	sld [smem:$0x3FD0];
	(tm) =	ssettm $0x1  }
0x95: {  	s7 =	sld [smem:$0x3FFB];
	_ =	sdelay $0x3  }
0x96: {  	_ =	strace s7  }
0x97: {  	s7 =	sld [smem:$0x3FFC];
	_ =	sdelay $0x3  }
0x98: {  	_ =	strace s7  }
0x99: {  	s7 =	sld [smem:$0x3FFD];
	_ =	sdelay $0x3  }
0x9a: {  	_ =	strace s7  }
0x9b: {  	_ =	strace $0x8FFFFFFF  }
0x9c: {  	s19 =	sld [smem:$0x3FDB];
	_ =	sdelay $0x1  }
0x9d: {  	s8 =	simm.s32 $_scs_section_size  }
0x9e: {  	s9 =	simm.s32 $_size__tile_overlayer_lowered;
	s10 =	simm.s32 $_tile_overlayer_lowered  }
0x9f: {  	s22 =	simm.s32 $0x1BFF;
	s21 =	sshll.u32 s10, $0x1;
	s7 =	sadd.s32 s8, s19  }
0xa0: {  	s11 =	simm.s32 $0x0;
	s20 =	sshll.u32 s9, $0x1;
	s9 =	sadd.s32 s21, s7  }
0xa1: {  	[timem:s11], [sflag:s22] =	dma.local [hbm:s9], s20  }
0xa2: {  	_ =	swait.ge [sflag:s22], s20  }
0xa3: {  	s8 =	ssub.s32 $0x0, s20;
	[sflag:s22] =	ssyncset.done $0x0  }
0xa4: {  	[sflag:s22] =	ssyncadd.s32 s8;
	_ =	sdelay $0x1  }
0xa5: {  	s23 =	simm.s32 $0x1B8B  }
0xa6: {  	_ =	swait.ge [sflag:s23], $0x1  }
0xa7: {  	[sflag:s23] =	ssyncset.done $0x0  }
0xa8: {  	s25 =	simm.s32 $0x1B8E;
	s24 =	sld [smem:$0x3FFE];
	[sflag:s23] =	ssyncadd.s32 $0xFFFFFFFF  }
0xa9: {  	s26 =	simm.s32 $execute0_lowered;
	[smem:$0x3FD2] =	sst s25  }
0xaa: {  	s9 =	sshll.u32 s26, $0x1;
	_ =	strace $0x80000046;
	[dreg:$0x1] =	wrdreg $0xFFFFFFFF  }
0xab: {  	s28 =	simm.s32 $_size_execute0_lowered;
	s7 =	sadd.s32 s7, s9;
	[dreg:$0x0] =	wrdreg $0x0  }
0xac: {  	s9 =	sshll.u32 s28, $0x1;
	[dreg:$0x2] =	wrdreg s7  }
0xad: {  	[dreg:$0x3] =	wrdreg s9  }
0xae: {  	[dreg:$0x4] =	wrdreg $0xC0  }
0xaf: {  	_ =	task [dreg:s11], $0x5FFFF  }
0xb0: {  	[dreg:$0x1] =	wrdreg $0xFFFFFFFF  }
0xb1: {  	[dreg:$0x0] =	wrdreg $0x60  }
0xb2: {  	[dreg:$0x2] =	wrdreg s24  }
0xb3: {  	[dreg:$0x3] =	wrdreg s2  }
0xb4: {  	[dreg:$0x4] =	wrdreg s18  }
0xb5: {  	[dreg:$0x5] =	wrdreg s4  }
0xb6: {  	[dreg:$0x6] =	wrdreg s5  }
0xb7: {  	[dreg:$0x7] =	wrdreg s6  }
0xb8: {  	[dreg:$0x8] =	wrdreg $0x9  }
0xb9: {  	_ =	task.clear_ibuf [dreg:s11], $0x9FFFF;
	_ =	strace $0x90000046  }
0xba: {  	s29 =	simm.s32 $0x9;
	_ =	strace $0x80000048  }
0xbb: {  	_ =	swait.ge [sflag:s29], $0x1  }
0xbc: {  	[sflag:s29] =	ssyncadd.s32 $0xFFFFFFFF  }
0xbd: {  	_ =	strace $0x90000048  }
0xbe: {  	_ =	sfence  }
0xbf: {  	s30 =	sld [smem:$0x0];
	_ =	sdelay $0x2  }
0xc0: {  	s31 =	sshll.u32 s1, $0xD;
	s1 =	sshrl.u32 s1, $0x2  }
0xc1: {  	s3 =	sand.u32 $0x4000, s31;
	s1 =	sadd.s32 s1, s30  }
0xc2: {  	s0 =	sor.u32 s3, s0;
	s1 =	sshll.u32 s1, $0x11  }
0xc3: {  	s0 =	sor.u32 s1, s0  }
0xc4: {  	s0 =	sadd.s32 $0x8F2B, s0  }
0xc5: {  	[sflag:s0] =	ssyncadd.remote.s32 $0x1  }
0xc6: {  	_ =	sfence.sel $0xFFFF  }
0xc7: {  	[dreg:$0x0] =	wrdreg $0xFFFFFFFF;
	(pc) =	sbr.abs _section_cstart, $3  }
0xc8: {  	[dreg:$0x1] =	wrdreg $0xFFFFFFFF  }
0xc9: {  	_ =	task.clear_ibuf [dreg:s11], $0x2FFFF;
	_ =	strace $0x9FFFFFFF  }
0xca: {  	(tm) =	ssettm $0x7FFFFFFF  }
0xcb: {  	_ =	shalt  }
tec
execute0_lowered:
.L_overlay_start_1:
0x0: {  	(tag) =	ssettag $0x1  }
0x1: {  	s0 =	rddreg [dreg:$0x0]  }
0x2: {  	s2 =	rddreg [dreg:$0x1]  }
0x3: {  	s8 =	rddreg [dreg:$0x2]  }
0x4: {  	s11 =	rddreg [dreg:$0x3]  }
0x5: {  	s1 =	rddreg [dreg:$0x4]  }
0x6: {  	s12 =	rddreg [dreg:$0x5];
	s3 =	simm.s32 $0x0  }
0x7: {  	s4 =	srdreg.scid;
	s6 =	stileid.u32;
	s14 =	simm.s32 $0x2  }
0x8: {  	s16 =	simm.s32 $0x400;
	s17 =	simm.s32 $0x600;
	s18 =	simm.s32 $0x800  }
0x9: {  	s19 =	simm.s32 $0xA00;
	s20 =	simm.s32 $0x80;
	s21 =	simm.s32 $0xC00  }
0xa: {  	s22 =	simm.s32 $0x8C00;
	s15 =	simm.s32 $0x10F80;
	s23 =	simm.s32 $0x780  }
0xb: {  	s24 =	simm.s32 $0x11180;
	s25 =	simm.s32 $0x1;
	s26 =	simm.s32 $0x11200  }
0xc: {  	s28 =	simm.s32 $0x0;
	[smem:$0x7FF] =	sst s3;
	s5 =	sand.u32 $0x1, s4  }
0xd: {  	s6 =	sshll.u32 s6, $0x7;
	s4 =	sadd.s32 $0xF43600, s0;
	_ =	strace $0x80000047  }
0xe: {  	s7 =	sshll.u32 s5, $0x6;
	s30 =	ssub.s32 $0x2, s5;
	s5 =	sadd.s32 $0xF43400, s0  }
0xf: {  	s13 =	sor.u32 s7, s6;
	s9 =	sshrl.u32 s30, $0x1;
	s6 =	sadd.s32 $0x1000, s0  }
0x10: {  	s10 =	sadd.s32 s13, s0;
	s31 =	ssub.s32 s30, s9;
	s7 =	sadd.s32 s2, s13  }
0x11: {  	v0 =	vlaneseq.u32;
	s8 =	sadd.s32 s8, s13;
	s11 =	sadd.s32 s11, s13;
	s12 =	sadd.s32 s12, s13  }
0x12: {  	v1 =	vimm.s32 $0x0;
	v0 =	vmul.u32 $0x40, v0;
	s9 =	sadd.s32 $0xF44000, s10;
	s10 =	sadd.s32 $0xF43800, s10;
	s13 =	smax.u32 s31, $0x1  }
.LBB2_1:
0x13: {  	[tilespmem:s3], [sflag:$0x2] =	stream.linear.gather [hbm4b:s4+s3], $0x200, $0x38;
	[tilespmem:$0x11400] =	vst v63  }
0x14: {  	_ =	swait.ge [sflag:s14], $0x200  }
0x15: {  	[sflag:s14] =	ssyncset.done $0x0  }
0x16: {  	s0 =	simm.s32 $0x200;
	[sflag:s14] =	ssyncadd.s32 $0xFFFFFE00  }
0x17: {  	[tilespmem:s0], [sflag:$0x2] =	stream.linear.gather [hbm4b:s5+s3], $0x200, $0x38;
	[tilespmem:$0x11400] =	vst v63  }
0x18: {  	_ =	swait.ge [sflag:s14], $0x200  }
0x19: {  	[sflag:s14] =	ssyncset.done $0x0  }
0x1a: {  	[sflag:s14] =	ssyncadd.s32 $0xFFFFFE00  }
0x1b: {  	[tilespmem:s16], [sflag:$0x2] =	stream.linear.gather [hbm4b:s7+s3], $0x200, $0x38;
	[tilespmem:$0x11400] =	vst v63  }
0x1c: {  	_ =	swait.ge [sflag:s14], $0x200  }
0x1d: {  	[sflag:s14] =	ssyncset.done $0x0  }
0x1e: {  	[sflag:s14] =	ssyncadd.s32 $0xFFFFFE00  }
0x1f: {  	[tilespmem:s17], [sflag:$0x2] =	stream.linear.gather [hbm4b:s8+s3], $0x200, $0x38;
	[tilespmem:$0x11400] =	vst v63  }
0x20: {  	_ =	swait.ge [sflag:s14], $0x200  }
0x21: {  	[sflag:s14] =	ssyncset.done $0x0  }
0x22: {  	[sflag:s14] =	ssyncadd.s32 $0xFFFFFE00  }
0x23: {  	[tilespmem:s18], [sflag:$0x2] =	stream.linear.gather [hbm4b:s9+s3], $0x200, $0x38;
	[tilespmem:$0x11400] =	vst v63  }
0x24: {  	_ =	swait.ge [sflag:s14], $0x200  }
0x25: {  	[sflag:s14] =	ssyncset.done $0x0  }
0x26: {  	[sflag:s14] =	ssyncadd.s32 $0xFFFFFE00  }
0x27: {  	[tilespmem:s19], [sflag:$0x2] =	stream.linear.gather [hbm4b:s10+s3], $0x200, $0x38;
	[tilespmem:$0x11400] =	vst v63  }
0x28: {  	_ =	swait.ge [sflag:s14], $0x200  }
0x29: {  	[sflag:s14] =	ssyncset.done $0x0  }
0x2a: {  	s29 =	simm.s32 $0x10C00;
	[sflag:s14] =	ssyncadd.s32 $0xFFFFFE00  }
0x2b: {  	[tilespmem:s29], [sflag:$0x2] =	stream.linear.gather [hbm4b:s11+s3], $0x200, $0x38;
	[tilespmem:$0x11400] =	vst v63  }
0x2c: {  	_ =	swait.ge [sflag:s14], $0x200  }
0x2d: {  	[sflag:s14] =	ssyncset.done $0x0  }
0x2e: {  	[sflag:s14] =	ssyncadd.s32 $0xFFFFFE00  }
0x2f: {  	[tilespmem:s21], [sflag:$0x1] =	stream.indirect.gather [hbm4b:s6+s20], $0x40, s18, s20, $0xb8;
	[tilespmem:$0x11400] =	vst v63  }
0x30: {  	_ = 	snop  }
0x31: {  	[tilespmem:s22], [sflag:$0x1] =	stream.indirect.gather [hbm4b:s6+s20], $0x40, s19, s20, $0xb8;
	[tilespmem:$0x11400] =	vst v63  }
0x32: {  	s30 =	simm.s32 $0x10E00  }
0x33: {  	[tilespmem:s30], [sflag:$0x1] =	stream.indirect.gather [hbm4b:s1+s20], $0x1, s16, s20, $0xb8;
	[tilespmem:$0x11400] =	vst v63  }
0x34: {  	s31 =	simm.s32 $0x11000  }
0x35: {  	[tilespmem:s31], [sflag:$0x1] =	stream.indirect.gather [hbm4b:s1+s20], $0x1, s17, s20, $0xb8;
	[tilespmem:$0x11400] =	vst v63  }
0x36: {  	s2 =	simm.s32 $0x2C00;
	s0 =	simm.s32 $0x880  }
0x37: {  	[tilespmem:s2], [sflag:$0x1] =	stream.indirect.gather [hbm4b:s6+s20], $0x40, s0, s20, $0xb8;
	[tilespmem:$0x11400] =	vst v63  }
0x38: {  	s0 =	simm.s32 $0xA80;
	s2 =	simm.s32 $0xAC00  }
0x39: {  	[tilespmem:s2], [sflag:$0x1] =	stream.indirect.gather [hbm4b:s6+s20], $0x40, s0, s20, $0xb8;
	[tilespmem:$0x11400] =	vst v63  }
0x3a: {  	s0 =	simm.s32 $0x480;
	s2 =	simm.s32 $0x10E80  }
0x3b: {  	[tilespmem:s2], [sflag:$0x1] =	stream.indirect.gather [hbm4b:s1+s20], $0x1, s0, s20, $0xb8;
	[tilespmem:$0x11400] =	vst v63  }
0x3c: {  	s0 =	simm.s32 $0x680;
	s2 =	simm.s32 $0x11080  }
0x3d: {  	[tilespmem:s2], [sflag:$0x1] =	stream.indirect.gather [hbm4b:s1+s20], $0x1, s0, s20, $0xb8;
	[tilespmem:$0x11400] =	vst v63  }
0x3e: {  	s0 =	simm.s32 $0x900;
	s2 =	simm.s32 $0x4C00  }
0x3f: {  	[tilespmem:s2], [sflag:$0x1] =	stream.indirect.gather [hbm4b:s6+s20], $0x40, s0, s20, $0xb8;
	[tilespmem:$0x11400] =	vst v63  }
0x40: {  	s0 =	simm.s32 $0xB00;
	s2 =	simm.s32 $0xCC00  }
0x41: {  	[tilespmem:s2], [sflag:$0x1] =	stream.indirect.gather [hbm4b:s6+s20], $0x40, s0, s20, $0xb8;
	[tilespmem:$0x11400] =	vst v63  }
0x42: {  	s0 =	simm.s32 $0x500;
	s2 =	simm.s32 $0x10F00  }
0x43: {  	[tilespmem:s2], [sflag:$0x1] =	stream.indirect.gather [hbm4b:s1+s20], $0x1, s0, s20, $0xb8;
	[tilespmem:$0x11400] =	vst v63  }
0x44: {  	s0 =	simm.s32 $0x700;
	s2 =	simm.s32 $0x11100  }
0x45: {  	[tilespmem:s2], [sflag:$0x1] =	stream.indirect.gather [hbm4b:s1+s20], $0x1, s0, s20, $0xb8;
	[tilespmem:$0x11400] =	vst v63  }
0x46: {  	s0 =	simm.s32 $0x980;
	s2 =	simm.s32 $0x6C00  }
0x47: {  	[tilespmem:s2], [sflag:$0x1] =	stream.indirect.gather [hbm4b:s6+s20], $0x40, s0, s20, $0xb8;
	[tilespmem:$0x11400] =	vst v63  }
0x48: {  	s0 =	simm.s32 $0xB80;
	s2 =	simm.s32 $0xEC00  }
0x49: {  	[tilespmem:s2], [sflag:$0x1] =	stream.indirect.gather [hbm4b:s6+s20], $0x40, s0, s20, $0xb8;
	[tilespmem:$0x11400] =	vst v63  }
0x4a: {  	s2 =	simm.s32 $0x580  }
0x4b: {  	[tilespmem:s15], [sflag:$0x1] =	stream.indirect.gather [hbm4b:s1+s20], $0x1, s2, s20, $0xb8;
	[tilespmem:$0x11400] =	vst v63  }
0x4c: {  	_ = 	snop  }
0x4d: {  	[tilespmem:s24], [sflag:$0x1] =	stream.indirect.gather [hbm4b:s1+s20], $0x1, s23, s20, $0xb8;
	[tilespmem:$0x11400] =	vst v63  }
0x4e: {  	_ =	swait.ge [sflag:s25], $0x2000  }
0x4f: {  	[sflag:s25] =	ssyncset.done $0x0  }
0x50: {  	[sflag:s25] =	ssyncadd.s32 $0xFFFFE000  }
0x51: {  	_ =	swait.ge [sflag:s25], $0x2000  }
0x52: {  	[sflag:s25] =	ssyncset.done $0x0  }
0x53: {  	[sflag:s25] =	ssyncadd.s32 $0xFFFFE000  }
0x54: {  	_ =	swait.ge [sflag:s25], $0x80  }
0x55: {  	[sflag:s25] =	ssyncset.done $0x0  }
0x56: {  	[sflag:s25] =	ssyncadd.s32 $0xFFFFFF80  }
0x57: {  	_ =	swait.ge [sflag:s25], $0x80  }
0x58: {  	[sflag:s25] =	ssyncset.done $0x0  }
0x59: {  	[sflag:s25] =	ssyncadd.s32 $0xFFFFFF80  }
0x5a: {  	_ =	swait.ge [sflag:s25], $0x2000  }
0x5b: {  	[sflag:s25] =	ssyncset.done $0x0  }
0x5c: {  	[sflag:s25] =	ssyncadd.s32 $0xFFFFE000  }
0x5d: {  	_ =	swait.ge [sflag:s25], $0x2000  }
0x5e: {  	[sflag:s25] =	ssyncset.done $0x0  }
0x5f: {  	[sflag:s25] =	ssyncadd.s32 $0xFFFFE000  }
0x60: {  	_ =	swait.ge [sflag:s25], $0x80  }
0x61: {  	[sflag:s25] =	ssyncset.done $0x0  }
0x62: {  	[sflag:s25] =	ssyncadd.s32 $0xFFFFFF80  }
0x63: {  	_ =	swait.ge [sflag:s25], $0x80  }
0x64: {  	[sflag:s25] =	ssyncset.done $0x0  }
0x65: {  	[sflag:s25] =	ssyncadd.s32 $0xFFFFFF80  }
0x66: {  	_ =	swait.ge [sflag:s25], $0x2000  }
0x67: {  	[sflag:s25] =	ssyncset.done $0x0  }
0x68: {  	[sflag:s25] =	ssyncadd.s32 $0xFFFFE000  }
0x69: {  	_ =	swait.ge [sflag:s25], $0x2000  }
0x6a: {  	[sflag:s25] =	ssyncset.done $0x0  }
0x6b: {  	[sflag:s25] =	ssyncadd.s32 $0xFFFFE000  }
0x6c: {  	_ =	swait.ge [sflag:s25], $0x80  }
0x6d: {  	[sflag:s25] =	ssyncset.done $0x0  }
0x6e: {  	[sflag:s25] =	ssyncadd.s32 $0xFFFFFF80  }
0x6f: {  	_ =	swait.ge [sflag:s25], $0x80  }
0x70: {  	[sflag:s25] =	ssyncset.done $0x0  }
0x71: {  	[sflag:s25] =	ssyncadd.s32 $0xFFFFFF80  }
0x72: {  	_ =	swait.ge [sflag:s25], $0x2000  }
0x73: {  	[sflag:s25] =	ssyncset.done $0x0  }
0x74: {  	[sflag:s25] =	ssyncadd.s32 $0xFFFFE000  }
0x75: {  	_ =	swait.ge [sflag:s25], $0x2000  }
0x76: {  	[sflag:s25] =	ssyncset.done $0x0  }
0x77: {  	[sflag:s25] =	ssyncadd.s32 $0xFFFFE000  }
0x78: {  	_ =	swait.ge [sflag:s25], $0x80  }
0x79: {  	[sflag:s25] =	ssyncset.done $0x0  }
0x7a: {  	[sflag:s25] =	ssyncadd.s32 $0xFFFFFF80  }
0x7b: {  	_ =	swait.ge [sflag:s25], $0x80  }
0x7c: {  	[sflag:s25] =	ssyncset.done $0x0  }
0x7d: {  	s0 =	simm.s32 $0x11200;
	s2 =	simm.s32 $0x0;
	[sflag:s25] =	ssyncadd.s32 $0xFFFFFF80  }
.LBB2_2:
0x7e: {  	v2 =	vmov s2  }
0x7f: {  	v2 =	vshll.u32 v2, $0x6  }
0x80: {  	v2 =	vor.u32 v0, v2;
	_ =	sdelay $0x1  }
0x81: {  	v3 =	vor.u32 $0x1, v2  }
0x82: {  	v9 =	vld [tilespmem:$0x0]  }
0x83: {  	v17 =	vld [tilespmem:$0x200];
	v7 =	vor.u32 $0x2, v2  }
0x84: {  	v8 =	vor.u32 $0x3, v2;
	v4 =	vld.idx.msk [tilespmem:v2+s21+$0x0], $0xffff  }
0x85: {  	v6 =	vld.idx.msk [tilespmem:v2+s22+$0x0], $0xffff  }
0x86: {  	v5 =	vld.idx.msk [tilespmem:v3+s21+$0x0], $0xffff  }
0x87: {  	v15 =	vor.u32 $0x4, v2;
	v3 =	vld.idx.msk [tilespmem:v3+s22+$0x0], $0xffff  }
0x88: {  	v57 =	vor.u32 $0x5, v2;
	v10 =	vld.idx.msk [tilespmem:v7+s21+$0x0], $0xffff  }
0x89: {  	v13 =	vld.idx.msk [tilespmem:v8+s21+$0x0], $0xffff  }
0x8a: {  	v22 =	vor.u32 $0x6, v2;
	v7 =	vld.idx.msk [tilespmem:v7+s22+$0x0], $0xffff  }
0x8b: {  	v26 =	vor.u32 $0x7, v2;
	v8 =	vld.idx.msk [tilespmem:v8+s22+$0x0], $0xffff;
	v11 =	vmul.f32 v6, v4;
	v14 =	vmul.f32 v4, v4  }
0x8c: {  	v24 =	vld.idx.msk [tilespmem:v15+s21+$0x0], $0xffff;
	v18 =	vmul.f32 v6, v6;
	v12 =	vmul.f32 v3, v5  }
0x8d: {  	v21 =	vld.idx.msk [tilespmem:v57+s21+$0x0], $0xffff;
	v16 =	vmul.f32 v5, v5;
	v19 =	vmul.f32 v3, v3  }
0x8e: {  	v15 =	vld.idx.msk [tilespmem:v15+s22+$0x0], $0xffff;
	v5 =	vmul.f32 v6, v5;
	v3 =	vmul.f32 v3, v4  }
0x8f: {  	v23 =	vor.u32 $0x8, v2;
	v33 =	vld.idx.msk [tilespmem:v22+s21+$0x0], $0xffff;
	v62 =	vmul.f32 v10, v10;
	v63 =	vmul.f32 v13, v13  }
0x90: {  	v36 =	vld.idx.msk [tilespmem:v26+s21+$0x0], $0xffff;
	v25 =	vmul.f32 v7, v10;
	v20 =	vmul.f32 v8, v13  }
0x91: {  	v40 =	vor.u32 $0x9, v2;
	v22 =	vld.idx.msk [tilespmem:v22+s22+$0x0], $0xffff;
	v13 =	vmul.f32 v7, v13;
	v10 =	vmul.f32 v8, v10  }
0x92: {  	v56 =	vor.u32 $0xB, v2;
	v39 =	vld.idx.msk [tilespmem:v26+s22+$0x0], $0xffff;
	v27 =	vmul.f32 v7, v7;
	v28 =	vmul.f32 v8, v8  }
0x93: {  	v58 =	vld [tilespmem:$0x10];
	v31 =	vmul.f32 v24, v24;
	v32 =	vmul.f32 v21, v21  }
0x94: {  	v54 =	vld.idx.msk [tilespmem:v23+s22+$0x0], $0xffff;
	v34 =	vmul.f32 v15, v24;
	v37 =	vmul.f32 v15, v15  }
0x95: {  	v60 =	vld [tilespmem:$0x210];
	v55 =	vor.u32 $0xA, v2;
	v45 =	vmul.f32 v15, v21;
	v48 =	vmul.f32 v33, v33  }
0x96: {  	v53 =	vld.idx.msk [tilespmem:v40+s21+$0x0], $0xffff;
	v49 =	vmul.f32 v36, v36;
	v51 =	vmul.f32 v22, v33;
	v11 =	vadd.f32 v12, v11  }
0x97: {  	v26 =	vld.idx.msk [tilespmem:v56+s21+$0x0], $0xffff;
	v52 =	vmul.f32 v39, v36;
	v14 =	vadd.f32 v16, v14;
	v3 =	vsub.f32 v5, v3  }
0x98: {  	v12 =	vld.idx.msk [tilespmem:v57+s22+$0x0], $0xffff;
	v5 =	vadd.f32 v20, v25;
	v10 =	vsub.f32 v13, v10;
	v57 =	vmul.f32 v22, v22  }
0x99: {  	v50 =	vld.idx.msk [tilespmem:v23+s21+$0x0], $0xffff;
	v6 =	vadd.f32 v28, v27;
	v27 =	vmul.f32 v54, v54;
	v9 =	vmul.f32 v11, v9  }
0x9a: {  	v59 =	vadd.f32 v19, v18;
	v13 =	vld.idx.msk [tilespmem:v40+s22+$0x0], $0xffff;
	v3 =	vmul.f32 v3, v17;
	v5 =	vmul.f32 v5, v58  }
0x9b: {  	v7 =	vadd.f32 v32, v31;
	v4 =	vmul.f32 v10, v60;
	v11 =	vmul.f32 v39, v33  }
0x9c: {  	v10 =	vmul.f32 v39, v39;
	v39 =	vmul.f32 v26, v26;
	v61 =	vadd.f32 $0.0e+00, v9  }
0x9d: {  	v9 =	vadd.f32 v63, v62;
	v62 =	vmul.f32 v53, v53;
	v35 =	vmul.f32 v12, v21  }
0x9e: {  	v30 =	vld [tilespmem:$0x20];
	v31 =	vor.u32 $0xD, v2;
	v38 =	vmul.f32 v12, v12;
	v46 =	vmul.f32 v12, v24  }
0x9f: {  	v41 =	vld [tilespmem:$0x220];
	v6 =	vadd.f32 v6, v59;
	v24 =	vmul.f32 v54, v50;
	v25 =	vmul.f32 v13, v53  }
0xa0: {  	v44 =	vld [tilespmem:$0x30];
	v28 =	vmul.f32 v13, v13;
	v3 =	vadd.f32 v61, v3;
	v29 =	vadd.f32 v9, v14  }
0xa1: {  	v47 =	vld [tilespmem:$0x230];
	v14 =	vmul.f32 v22, v36;
	v9 =	vadd.f32 v52, v51;
	v42 =	vadd.f32 v38, v37  }
0xa2: {  	v63 =	vld.idx.msk [tilespmem:v55+s21+$0x0], $0xffff;
	v61 =	vmul.f32 v50, v50;
	v8 =	vsub.f32 v45, v46;
	v33 =	vadd.f32 v28, v27  }
0xa3: {  	v32 =	vld [tilespmem:$0x240];
	v45 =	vor.u32 $0xE, v2;
	v3 =	vadd.f32 v5, v3;
	v5 =	vadd.f32 v35, v34  }
0xa4: {  	v21 =	vld.idx.msk [tilespmem:v55+s22+$0x0], $0xffff;
	v36 =	vmul.f32 v13, v50;
	v43 =	vadd.f32 v7, v29;
	v11 =	vsub.f32 v14, v11  }
0xa5: {  	v60 =	vld [tilespmem:$0x40];
	v58 =	vmul.f32 v9, v44;
	v29 =	vor.u32 $0xC, v2;
	v35 =	vmul.f32 v54, v53  }
0xa6: {  	v37 =	vld [tilespmem:$0x250];
	v6 =	vadd.f32 v42, v6;
	v3 =	vadd.f32 v3, v4;
	v5 =	vmul.f32 v5, v30  }
0xa7: {  	v8 =	vmul.f32 v8, v41;
	v38 =	vmul.f32 v63, v63;
	v30 =	vld.idx.msk [tilespmem:v56+s22+$0x0], $0xffff;
	v9 =	vsub.f32 v35, v36  }
0xa8: {  	v59 =	vmul.f32 v11, v47;
	v3 =	vadd.f32 v5, v3;
	v5 =	vadd.f32 v49, v48;
	v54 =	vld.idx.msk [tilespmem:v45+s21+$0x0], $0xffff  }
0xa9: {  	v41 =	vmul.f32 v21, v63;
	v16 =	vmul.f32 v21, v26;
	v47 =	vor.u32 $0xF, v2;
	v22 =	vld.idx.msk [tilespmem:v45+s22+$0x0], $0xffff  }
0xaa: {  	v35 =	vor.u32 $0x12, v2;
	v40 =	vld.idx.msk [tilespmem:v29+s21+$0x0], $0xffff;
	v3 =	vadd.f32 v3, v8;
	v4 =	vadd.f32 v5, v43  }
0xab: {  	v48 =	vmul.f32 v21, v21;
	v44 =	vld.idx.msk [tilespmem:v29+s22+$0x0], $0xffff;
	v8 =	vadd.f32 v10, v57;
	v10 =	vadd.f32 v62, v61  }
0xac: {  	v46 =	vld.idx.msk [tilespmem:v31+s22+$0x0], $0xffff;
	v5 =	vadd.f32 v25, v24;
	v42 =	vmul.f32 v30, v26;
	v12 =	vmul.f32 v30, v63  }
0xad: {  	v34 =	vld [tilespmem:$0x50];
	v11 =	vmul.f32 v30, v30;
	v3 =	vadd.f32 v58, v3;
	v6 =	vadd.f32 v8, v6  }
0xae: {  	v43 =	vld.idx.msk [tilespmem:v31+s21+$0x0], $0xffff;
	v4 =	vadd.f32 v10, v4;
	v5 =	vmul.f32 v5, v60;
	v8 =	vmul.f32 v9, v32  }
0xaf: {  	v10 =	vadd.f32 v42, v41;
	v28 =	vmul.f32 v54, v54;
	v31 =	vmul.f32 v22, v54  }
0xb0: {  	v57 =	vld.idx.msk [tilespmem:v47+s21+$0x0], $0xffff;
	v12 =	vsub.f32 v16, v12;
	v52 =	vmul.f32 v40, v40;
	v55 =	vmul.f32 v44, v40  }
0xb1: {  	v61 =	vld.idx.msk [tilespmem:v47+s22+$0x0], $0xffff;
	v3 =	vadd.f32 v3, v59;
	v58 =	vmul.f32 v44, v44;
	v59 =	vmul.f32 v46, v46  }
0xb2: {  	v51 =	vld [tilespmem:$0x60];
	v62 =	vor.u32 $0x11, v2;
	v9 =	vmul.f32 v46, v40;
	v49 =	vmul.f32 v10, v34  }
0xb3: {  	v27 =	vld [tilespmem:$0x270];
	v60 =	vor.u32 $0x10, v2;
	v50 =	vmul.f32 v12, v37;
	v53 =	vmul.f32 v43, v43  }
0xb4: {  	v25 =	vld [tilespmem:$0x70];
	v6 =	vadd.f32 v33, v6;
	v56 =	vmul.f32 v46, v43;
	v26 =	vmul.f32 v44, v43  }
0xb5: {  	v63 =	vld [tilespmem:$0x260];
	v37 =	vor.u32 $0x13, v2;
	v3 =	vadd.f32 v5, v3;
	v5 =	vadd.f32 v39, v38  }
0xb6: {  	v21 =	vld.idx.msk [tilespmem:v35+s22+$0x0], $0xffff;
	v24 =	vadd.f32 v59, v58;
	v29 =	vmul.f32 v57, v57;
	v32 =	vmul.f32 v61, v57  }
0xb7: {  	v33 =	vld.idx.msk [tilespmem:v62+s21+$0x0], $0xffff;
	v16 =	vmul.f32 v22, v57;
	v9 =	vsub.f32 v26, v9;
	v3 =	vadd.f32 v3, v8  }
0xb8: {  	v36 =	vld.idx.msk [tilespmem:v62+s22+$0x0], $0xffff;
	v13 =	vmul.f32 v61, v54;
	v4 =	vadd.f32 v5, v4;
	v8 =	vadd.f32 v11, v48  }
0xb9: {  	v44 =	vld.idx.msk [tilespmem:v35+s21+$0x0], $0xffff;
	v38 =	vmul.f32 v22, v22;
	v11 =	vadd.f32 v53, v52;
	v5 =	vadd.f32 v56, v55  }
0xba: {  	v12 =	vmul.f32 v61, v61;
	v30 =	vld.idx.msk [tilespmem:v60+s21+$0x0], $0xffff;
	v10 =	vadd.f32 v32, v31;
	v13 =	vsub.f32 v16, v13  }
0xbb: {  	v34 =	vld.idx.msk [tilespmem:v60+s22+$0x0], $0xffff;
	v6 =	vadd.f32 v8, v6;
	v5 =	vmul.f32 v5, v51;
	v8 =	vmul.f32 v9, v63  }
0xbc: {  	v52 =	vor.u32 $0x15, v2;
	v39 =	vmul.f32 v10, v25;
	v40 =	vmul.f32 v13, v27  }
0xbd: {  	v3 =	vadd.f32 v49, v3;
	v43 =	vmul.f32 v33, v33;
	v46 =	vmul.f32 v36, v33  }
0xbe: {  	v41 =	vld [tilespmem:$0x80];
	v4 =	vadd.f32 v11, v4;
	v49 =	vmul.f32 v36, v36;
	v58 =	vmul.f32 v44, v44  }
0xbf: {  	v47 =	vld.idx.msk [tilespmem:v37+s21+$0x0], $0xffff;
	v61 =	vmul.f32 v21, v44;
	v25 =	vor.u32 $0x16, v2;
	v27 =	vor.u32 $0x17, v2  }
0xc0: {  	v51 =	vld.idx.msk [tilespmem:v37+s22+$0x0], $0xffff;
	v3 =	vadd.f32 v3, v50;
	v42 =	vmul.f32 v30, v30;
	v45 =	vmul.f32 v34, v30  }
0xc1: {  	v57 =	vld [tilespmem:$0x290];
	v6 =	vadd.f32 v24, v6;
	v48 =	vmul.f32 v34, v34;
	v56 =	vmul.f32 v34, v33  }
0xc2: {  	v53 =	vld [tilespmem:$0x280];
	v9 =	vmul.f32 v36, v30;
	v3 =	vadd.f32 v5, v3;
	v5 =	vadd.f32 v29, v28  }
0xc3: {  	v55 =	vld [tilespmem:$0x90];
	v50 =	vor.u32 $0x14, v2;
	v11 =	vadd.f32 v43, v42;
	v54 =	vadd.f32 v49, v48  }
0xc4: {  	v63 =	vld.idx.msk [tilespmem:v52+s21+$0x0], $0xffff;
	v9 =	vsub.f32 v56, v9;
	v28 =	vmul.f32 v21, v21;
	v59 =	vmul.f32 v47, v47  }
0xc5: {  	v26 =	vld.idx.msk [tilespmem:v52+s22+$0x0], $0xffff;
	v42 =	vor.u32 $0x19, v2;
	v62 =	vmul.f32 v51, v47;
	v16 =	vmul.f32 v21, v47  }
0xc6: {  	v13 =	vmul.f32 v51, v44;
	v34 =	vld.idx.msk [tilespmem:v25+s21+$0x0], $0xffff;
	v4 =	vadd.f32 v5, v4;
	v5 =	vadd.f32 v46, v45  }
0xc7: {  	v37 =	vld.idx.msk [tilespmem:v27+s21+$0x0], $0xffff;
	v3 =	vadd.f32 v3, v8;
	v8 =	vadd.f32 v12, v38;
	v12 =	vmul.f32 v51, v51  }
0xc8: {  	v22 =	vld.idx.msk [tilespmem:v25+s22+$0x0], $0xffff;
	v10 =	vadd.f32 v62, v61;
	v13 =	vsub.f32 v16, v13;
	v5 =	vmul.f32 v5, v41  }
0xc9: {  	v60 =	vld.idx.msk [tilespmem:v50+s21+$0x0], $0xffff;
	v6 =	vadd.f32 v8, v6;
	v8 =	vmul.f32 v9, v53;
	v33 =	vmul.f32 v63, v63  }
0xca: {  	v24 =	vld.idx.msk [tilespmem:v50+s22+$0x0], $0xffff;
	v3 =	vadd.f32 v39, v3;
	v36 =	vmul.f32 v26, v63;
	v39 =	vmul.f32 v26, v26  }
0xcb: {  	v4 =	vadd.f32 v11, v4;
	v29 =	vmul.f32 v10, v55;
	v30 =	vmul.f32 v13, v57  }
0xcc: {  	v55 =	vor.u32 $0x1A, v2;
	v57 =	vor.u32 $0x1B, v2;
	v3 =	vadd.f32 v3, v40  }
0xcd: {  	v41 =	vld.idx.msk [tilespmem:v27+s22+$0x0], $0xffff;
	v6 =	vadd.f32 v54, v6;
	v48 =	vmul.f32 v34, v34;
	v49 =	vmul.f32 v37, v37  }
0xce: {  	v31 =	vld [tilespmem:$0xA0];
	v40 =	vor.u32 $0x18, v2;
	v51 =	vmul.f32 v22, v34;
	v16 =	vmul.f32 v22, v37  }
0xcf: {  	v53 =	vld.idx.msk [tilespmem:v42+s21+$0x0], $0xffff;
	v3 =	vadd.f32 v5, v3;
	v32 =	vmul.f32 v60, v60;
	v35 =	vmul.f32 v24, v60  }
0xd0: {  	v56 =	vld.idx.msk [tilespmem:v42+s22+$0x0], $0xffff;
	v5 =	vadd.f32 v59, v58;
	v38 =	vmul.f32 v24, v24;
	v46 =	vmul.f32 v24, v63  }
0xd1: {  	v43 =	vld [tilespmem:$0x2A0];
	v9 =	vmul.f32 v26, v60;
	v58 =	vmul.f32 v22, v22;
	v3 =	vadd.f32 v3, v8  }
0xd2: {  	v47 =	vld [tilespmem:$0x2B0];
	v52 =	vmul.f32 v41, v37;
	v4 =	vadd.f32 v5, v4;
	v8 =	vadd.f32 v12, v28  }
0xd3: {  	v45 =	vld [tilespmem:$0xB0];
	v13 =	vmul.f32 v41, v34;
	v11 =	vadd.f32 v33, v32;
	v5 =	vadd.f32 v36, v35  }
0xd4: {  	v44 =	vadd.f32 v39, v38;
	v9 =	vsub.f32 v46, v9;
	v12 =	vmul.f32 v41, v41;
	v24 =	vld.idx.msk [tilespmem:v55+s21+$0x0], $0xffff  }
0xd5: {  	v63 =	vmul.f32 v53, v53;
	v26 =	vmul.f32 v56, v53;
	v27 =	vld.idx.msk [tilespmem:v57+s21+$0x0], $0xffff;
	v10 =	vadd.f32 v52, v51  }
0xd6: {  	v21 =	vld.idx.msk [tilespmem:v55+s22+$0x0], $0xffff;
	v32 =	vor.u32 $0x1D, v2;
	v13 =	vsub.f32 v16, v13;
	v3 =	vadd.f32 v29, v3  }
0xd7: {  	v50 =	vld.idx.msk [tilespmem:v40+s21+$0x0], $0xffff;
	v6 =	vadd.f32 v8, v6;
	v5 =	vmul.f32 v5, v31;
	v8 =	vmul.f32 v9, v43  }
0xd8: {  	v54 =	vld.idx.msk [tilespmem:v40+s22+$0x0], $0xffff;
	v4 =	vadd.f32 v11, v4;
	v29 =	vmul.f32 v56, v56;
	v59 =	vmul.f32 v10, v45  }
0xd9: {  	v60 =	vmul.f32 v13, v47;
	v45 =	vor.u32 $0x1E, v2;
	v47 =	vor.u32 $0x1F, v2  }
0xda: {  	v61 =	vld [tilespmem:$0xC0];
	v3 =	vadd.f32 v3, v30;
	v6 =	vadd.f32 v44, v6;
	v38 =	vmul.f32 v24, v24  }
0xdb: {  	v31 =	vld.idx.msk [tilespmem:v57+s22+$0x0], $0xffff;
	v30 =	vor.u32 $0x1C, v2;
	v39 =	vmul.f32 v27, v27;
	v41 =	vmul.f32 v21, v24  }
0xdc: {  	v37 =	vld [tilespmem:$0x2D0];
	v16 =	vmul.f32 v21, v27;
	v3 =	vadd.f32 v5, v3;
	v62 =	vmul.f32 v50, v50  }
0xdd: {  	v33 =	vld [tilespmem:$0x2C0];
	v5 =	vadd.f32 v49, v48;
	v25 =	vmul.f32 v54, v50;
	v28 =	vmul.f32 v54, v54  }
0xde: {  	v35 =	vld [tilespmem:$0xD0];
	v36 =	vmul.f32 v54, v53;
	v9 =	vmul.f32 v56, v50;
	v3 =	vadd.f32 v3, v8  }
0xdf: {  	v43 =	vld.idx.msk [tilespmem:v32+s21+$0x0], $0xffff;
	v48 =	vmul.f32 v21, v21;
	v4 =	vadd.f32 v5, v4;
	v8 =	vadd.f32 v12, v58  }
0xe0: {  	v46 =	vld.idx.msk [tilespmem:v32+s22+$0x0], $0xffff;
	v42 =	vmul.f32 v31, v27;
	v11 =	vadd.f32 v63, v62;
	v5 =	vadd.f32 v26, v25  }
0xe1: {  	v13 =	vmul.f32 v31, v24;
	v34 =	vadd.f32 v29, v28;
	v9 =	vsub.f32 v36, v9;
	v54 =	vld.idx.msk [tilespmem:v45+s21+$0x0], $0xffff  }
0xe2: {  	v12 =	vmul.f32 v31, v31;
	v57 =	vld.idx.msk [tilespmem:v47+s21+$0x0], $0xffff;
	v62 =	vor.u32 $0x21, v2;
	v10 =	vadd.f32 v42, v41  }
0xe3: {  	v22 =	vld.idx.msk [tilespmem:v45+s22+$0x0], $0xffff;
	v13 =	vsub.f32 v16, v13;
	v3 =	vadd.f32 v59, v3;
	v5 =	vmul.f32 v5, v61  }
0xe4: {  	v40 =	vld.idx.msk [tilespmem:v30+s21+$0x0], $0xffff;
	v6 =	vadd.f32 v8, v6;
	v8 =	vmul.f32 v9, v33;
	v53 =	vmul.f32 v43, v43  }
0xe5: {  	v44 =	vld.idx.msk [tilespmem:v30+s22+$0x0], $0xffff;
	v4 =	vadd.f32 v11, v4;
	v56 =	vmul.f32 v46, v43;
	v59 =	vmul.f32 v46, v46  }
0xe6: {  	v49 =	vmul.f32 v10, v35;
	v50 =	vmul.f32 v13, v37;
	v35 =	vor.u32 $0x22, v2  }
0xe7: {  	v51 =	vld [tilespmem:$0xE0];
	v37 =	vor.u32 $0x23, v2;
	v3 =	vadd.f32 v3, v60;
	v28 =	vmul.f32 v54, v54  }
0xe8: {  	v61 =	vld.idx.msk [tilespmem:v47+s22+$0x0], $0xffff;
	v6 =	vadd.f32 v34, v6;
	v29 =	vmul.f32 v57, v57;
	v31 =	vmul.f32 v22, v54  }
0xe9: {  	v27 =	vld [tilespmem:$0x2F0];
	v16 =	vmul.f32 v22, v57;
	v3 =	vadd.f32 v5, v3;
	v52 =	vmul.f32 v40, v40  }
0xea: {  	v63 =	vld [tilespmem:$0x2E0];
	v5 =	vadd.f32 v39, v38;
	v55 =	vmul.f32 v44, v40;
	v58 =	vmul.f32 v44, v44  }
0xeb: {  	v25 =	vld [tilespmem:$0xF0];
	v60 =	vor.u32 $0x20, v2;
	v26 =	vmul.f32 v44, v43;
	v9 =	vmul.f32 v46, v40  }
0xec: {  	v33 =	vld.idx.msk [tilespmem:v62+s21+$0x0], $0xffff;
	v38 =	vmul.f32 v22, v22;
	v3 =	vadd.f32 v3, v8;
	v4 =	vadd.f32 v5, v4  }
0xed: {  	v36 =	vld.idx.msk [tilespmem:v62+s22+$0x0], $0xffff;
	v32 =	vmul.f32 v61, v57;
	v8 =	vadd.f32 v12, v48;
	v11 =	vadd.f32 v53, v52  }
0xee: {  	v13 =	vmul.f32 v61, v54;
	v5 =	vadd.f32 v56, v55;
	v24 =	vadd.f32 v59, v58;
	v44 =	vld.idx.msk [tilespmem:v35+s21+$0x0], $0xffff  }
0xef: {  	v9 =	vsub.f32 v26, v9;
	v12 =	vmul.f32 v61, v61;
	v47 =	vld.idx.msk [tilespmem:v37+s21+$0x0], $0xffff;
	v52 =	vor.u32 $0x25, v2  }
0xf0: {  	v21 =	vld.idx.msk [tilespmem:v35+s22+$0x0], $0xffff;
	v10 =	vadd.f32 v32, v31;
	v13 =	vsub.f32 v16, v13;
	v5 =	vmul.f32 v5, v51  }
0xf1: {  	v30 =	vld.idx.msk [tilespmem:v60+s21+$0x0], $0xffff;
	v6 =	vadd.f32 v8, v6;
	v8 =	vmul.f32 v9, v63;
	v43 =	vmul.f32 v33, v33  }
0xf2: {  	v34 =	vld.idx.msk [tilespmem:v60+s22+$0x0], $0xffff;
	v3 =	vadd.f32 v49, v3;
	v46 =	vmul.f32 v36, v33;
	v49 =	vmul.f32 v36, v36  }
0xf3: {  	v4 =	vadd.f32 v11, v4;
	v39 =	vmul.f32 v10, v25;
	v40 =	vmul.f32 v13, v27  }
0xf4: {  	v41 =	vld [tilespmem:$0x100];
	v25 =	vor.u32 $0x26, v2;
	v27 =	vor.u32 $0x27, v2;
	v3 =	vadd.f32 v3, v50  }
0xf5: {  	v51 =	vld.idx.msk [tilespmem:v37+s22+$0x0], $0xffff;
	v6 =	vadd.f32 v24, v6;
	v58 =	vmul.f32 v44, v44;
	v59 =	vmul.f32 v47, v47  }
0xf6: {  	v57 =	vld [tilespmem:$0x310];
	v50 =	vor.u32 $0x24, v2;
	v61 =	vmul.f32 v21, v44;
	v16 =	vmul.f32 v21, v47  }
0xf7: {  	v53 =	vld [tilespmem:$0x300];
	v3 =	vadd.f32 v5, v3;
	v42 =	vmul.f32 v30, v30;
	v45 =	vmul.f32 v34, v30  }
0xf8: {  	v55 =	vld [tilespmem:$0x110];
	v5 =	vadd.f32 v29, v28;
	v48 =	vmul.f32 v34, v34;
	v56 =	vmul.f32 v34, v33  }
0xf9: {  	v63 =	vld.idx.msk [tilespmem:v52+s21+$0x0], $0xffff;
	v9 =	vmul.f32 v36, v30;
	v28 =	vmul.f32 v21, v21;
	v3 =	vadd.f32 v3, v8  }
0xfa: {  	v26 =	vld.idx.msk [tilespmem:v52+s22+$0x0], $0xffff;
	v62 =	vmul.f32 v51, v47;
	v4 =	vadd.f32 v5, v4;
	v8 =	vadd.f32 v12, v38  }
0xfb: {  	v13 =	vmul.f32 v51, v44;
	v11 =	vadd.f32 v43, v42;
	v5 =	vadd.f32 v46, v45;
	v34 =	vld.idx.msk [tilespmem:v25+s21+$0x0], $0xffff  }
0xfc: {  	v54 =	vadd.f32 v49, v48;
	v9 =	vsub.f32 v56, v9;
	v12 =	vmul.f32 v51, v51;
	v37 =	vld.idx.msk [tilespmem:v27+s21+$0x0], $0xffff  }
0xfd: {  	v22 =	vld.idx.msk [tilespmem:v25+s22+$0x0], $0xffff;
	v42 =	vor.u32 $0x29, v2;
	v10 =	vadd.f32 v62, v61;
	v13 =	vsub.f32 v16, v13  }
0xfe: {  	v60 =	vld.idx.msk [tilespmem:v50+s21+$0x0], $0xffff;
	v6 =	vadd.f32 v8, v6;
	v5 =	vmul.f32 v5, v41;
	v8 =	vmul.f32 v9, v53  }
0xff: {  	v24 =	vld.idx.msk [tilespmem:v50+s22+$0x0], $0xffff;
	v3 =	vadd.f32 v39, v3;
	v33 =	vmul.f32 v63, v63;
	v36 =	vmul.f32 v26, v63  }
0x100: {  	v4 =	vadd.f32 v11, v4;
	v39 =	vmul.f32 v26, v26;
	v29 =	vmul.f32 v10, v55  }
0x101: {  	v30 =	vmul.f32 v13, v57;
	v55 =	vor.u32 $0x2A, v2;
	v57 =	vor.u32 $0x2B, v2  }
0x102: {  	v31 =	vld [tilespmem:$0x120];
	v3 =	vadd.f32 v3, v40;
	v48 =	vmul.f32 v34, v34;
	v49 =	vmul.f32 v37, v37  }
0x103: {  	v41 =	vld.idx.msk [tilespmem:v27+s22+$0x0], $0xffff;
	v6 =	vadd.f32 v54, v6;
	v51 =	vmul.f32 v22, v34;
	v16 =	vmul.f32 v22, v37  }
0x104: {  	v47 =	vld [tilespmem:$0x330];
	v3 =	vadd.f32 v5, v3;
	v32 =	vmul.f32 v60, v60;
	v35 =	vmul.f32 v24, v60  }
0x105: {  	v43 =	vld [tilespmem:$0x320];
	v5 =	vadd.f32 v59, v58;
	v38 =	vmul.f32 v24, v24;
	v46 =	vmul.f32 v24, v63  }
0x106: {  	v45 =	vld [tilespmem:$0x130];
	v40 =	vor.u32 $0x28, v2;
	v9 =	vmul.f32 v26, v60;
	v58 =	vmul.f32 v22, v22  }
0x107: {  	v53 =	vld.idx.msk [tilespmem:v42+s21+$0x0], $0xffff;
	v22 =	vor.u32 $0x31, v2;
	v3 =	vadd.f32 v3, v8;
	v4 =	vadd.f32 v5, v4  }
0x108: {  	v56 =	vld.idx.msk [tilespmem:v42+s22+$0x0], $0xffff;
	v52 =	vmul.f32 v41, v37;
	v8 =	vadd.f32 v12, v28;
	v11 =	vadd.f32 v33, v32  }
0x109: {  	v13 =	vmul.f32 v41, v34;
	v5 =	vadd.f32 v36, v35;
	v44 =	vadd.f32 v39, v38;
	v24 =	vld.idx.msk [tilespmem:v55+s21+$0x0], $0xffff  }
0x10a: {  	v9 =	vsub.f32 v46, v9;
	v12 =	vmul.f32 v41, v41;
	v27 =	vld.idx.msk [tilespmem:v57+s21+$0x0], $0xffff;
	v32 =	vor.u32 $0x2D, v2  }
0x10b: {  	v21 =	vld.idx.msk [tilespmem:v55+s22+$0x0], $0xffff;
	v10 =	vadd.f32 v52, v51;
	v13 =	vsub.f32 v16, v13;
	v5 =	vmul.f32 v5, v31  }
0x10c: {  	v50 =	vld.idx.msk [tilespmem:v40+s21+$0x0], $0xffff;
	v6 =	vadd.f32 v8, v6;
	v8 =	vmul.f32 v9, v43;
	v63 =	vmul.f32 v53, v53  }
0x10d: {  	v54 =	vld.idx.msk [tilespmem:v40+s22+$0x0], $0xffff;
	v3 =	vadd.f32 v29, v3;
	v26 =	vmul.f32 v56, v53;
	v29 =	vmul.f32 v56, v56  }
0x10e: {  	v4 =	vadd.f32 v11, v4;
	v59 =	vmul.f32 v10, v45;
	v60 =	vmul.f32 v13, v47  }
0x10f: {  	v45 =	vor.u32 $0x2E, v2;
	v3 =	vadd.f32 v3, v30;
	v38 =	vmul.f32 v24, v24  }
0x110: {  	v31 =	vld.idx.msk [tilespmem:v57+s22+$0x0], $0xffff;
	v6 =	vadd.f32 v44, v6;
	v39 =	vmul.f32 v27, v27;
	v41 =	vmul.f32 v21, v24  }
0x111: {  	v61 =	vld [tilespmem:$0x140];
	v30 =	vor.u32 $0x2C, v2;
	v16 =	vmul.f32 v21, v27;
	v62 =	vmul.f32 v50, v50  }
0x112: {  	v37 =	vld [tilespmem:$0x350];
	v3 =	vadd.f32 v5, v3;
	v25 =	vmul.f32 v54, v50;
	v28 =	vmul.f32 v54, v54  }
0x113: {  	v33 =	vld [tilespmem:$0x340];
	v5 =	vadd.f32 v49, v48;
	v36 =	vmul.f32 v54, v53;
	v9 =	vmul.f32 v56, v50  }
0x114: {  	v43 =	vld.idx.msk [tilespmem:v32+s21+$0x0], $0xffff;
	v48 =	vor.u32 $0x2F, v2;
	v49 =	vmul.f32 v21, v21;
	v3 =	vadd.f32 v3, v8  }
0x115: {  	v47 =	vld.idx.msk [tilespmem:v32+s22+$0x0], $0xffff;
	v42 =	vmul.f32 v31, v27;
	v4 =	vadd.f32 v5, v4;
	v8 =	vadd.f32 v12, v58  }
0x116: {  	v35 =	vld [tilespmem:$0x150];
	v13 =	vmul.f32 v31, v24;
	v11 =	vadd.f32 v63, v62;
	v5 =	vadd.f32 v26, v25  }
0x117: {  	v51 =	vmul.f32 v31, v31;
	v34 =	vadd.f32 v29, v28;
	v9 =	vsub.f32 v36, v9;
	v55 =	vld.idx.msk [tilespmem:v45+s21+$0x0], $0xffff  }
0x118: {  	v63 =	vor.u32 $0x30, v2;
	v40 =	vld.idx.msk [tilespmem:v30+s21+$0x0], $0xffff;
	v46 =	vadd.f32 v42, v41;
	v13 =	vsub.f32 v16, v13  }
0x119: {  	v44 =	vld.idx.msk [tilespmem:v30+s22+$0x0], $0xffff;
	v6 =	vadd.f32 v8, v6;
	v5 =	vmul.f32 v5, v61;
	v8 =	vmul.f32 v9, v33  }
0x11a: {  	v3 =	vadd.f32 v59, v3;
	v54 =	vmul.f32 v43, v43;
	v57 =	vmul.f32 v47, v43;
	v59 =	vld.idx.msk [tilespmem:v45+s22+$0x0], $0xffff  }
0x11b: {  	v4 =	vadd.f32 v11, v4;
	v10 =	vmul.f32 v47, v47;
	v33 =	vld.idx.msk [tilespmem:v22+s21+$0x0], $0xffff;
	v7 =	vmul.f32 v46, v35  }
0x11c: {  	v11 =	vmul.f32 v13, v37;
	v58 =	vld.idx.msk [tilespmem:v48+s21+$0x0], $0xffff;
	v35 =	vor.u32 $0x32, v2;
	v3 =	vadd.f32 v3, v60  }
0x11d: {  	v14 =	vld.idx.msk [tilespmem:v48+s22+$0x0], $0xffff;
	v6 =	vadd.f32 v34, v6;
	v29 =	vmul.f32 v55, v55;
	v53 =	vmul.f32 v40, v40  }
0x11e: {  	v52 =	vld [tilespmem:$0x360];
	v3 =	vadd.f32 v5, v3;
	v56 =	vmul.f32 v44, v40;
	v60 =	vmul.f32 v44, v43  }
0x11f: {  	v50 =	vld [tilespmem:$0x160];
	v5 =	vadd.f32 v39, v38;
	v61 =	vmul.f32 v47, v40;
	v62 =	vmul.f32 v44, v44  }
0x120: {  	v37 =	vld.idx.msk [tilespmem:v22+s22+$0x0], $0xffff;
	v38 =	vor.u32 $0x33, v2;
	v47 =	vor.u32 $0x34, v2;
	v27 =	vmul.f32 v59, v55  }
0x121: {  	v25 =	vld [tilespmem:$0x170];
	v42 =	vmul.f32 v33, v33;
	v3 =	vadd.f32 v3, v8;
	v4 =	vadd.f32 v5, v4  }
0x122: {  	v26 =	vld [tilespmem:$0x370];
	v5 =	vadd.f32 v51, v49;
	v8 =	vadd.f32 v57, v56;
	v28 =	vmul.f32 v14, v58  }
0x123: {  	v31 =	vld.idx.msk [tilespmem:v63+s21+$0x0], $0xffff;
	v21 =	vsub.f32 v60, v61;
	v30 =	vmul.f32 v58, v58;
	v32 =	vmul.f32 v59, v58  }
0x124: {  	v34 =	vld.idx.msk [tilespmem:v63+s22+$0x0], $0xffff;
	v23 =	vadd.f32 v10, v62;
	v15 =	vmul.f32 v14, v55;
	v14 =	vmul.f32 v14, v14  }
0x125: {  	v43 =	vld.idx.msk [tilespmem:v35+s21+$0x0], $0xffff;
	v45 =	vmul.f32 v37, v33;
	v49 =	vmul.f32 v37, v37;
	v55 =	vor.u32 $0x36, v2  }
0x126: {  	v19 =	vld.idx.msk [tilespmem:v35+s22+$0x0], $0xffff;
	v35 =	vor.u32 $0x3B, v2;
	v3 =	vadd.f32 v7, v3;
	v7 =	vadd.f32 v54, v53  }
0x127: {  	v39 =	vld [tilespmem:$0x180];
	v8 =	vmul.f32 v8, v50;
	v5 =	vadd.f32 v5, v6;
	v24 =	vmul.f32 v21, v52  }
0x128: {  	v40 =	vld [tilespmem:$0x380];
	v9 =	vadd.f32 v28, v27;
	v36 =	vsub.f32 v32, v15;
	v41 =	vmul.f32 v31, v31  }
0x129: {  	v44 =	vmul.f32 v34, v31;
	v48 =	vmul.f32 v34, v34;
	v50 =	vor.u32 $0x35, v2;
	v53 =	vld [tilespmem:$0x190]  }
0x12a: {  	v51 =	vmul.f32 v34, v33;
	v10 =	vmul.f32 v37, v31;
	v34 =	vor.u32 $0x3A, v2;
	v58 =	vld.idx.msk [tilespmem:v47+s21+$0x0], $0xffff  }
0x12b: {  	v62 =	vld.idx.msk [tilespmem:v47+s22+$0x0], $0xffff;
	v47 =	vor.u32 $0x3E, v2;
	v3 =	vadd.f32 v3, v11;
	v4 =	vadd.f32 v7, v4  }
0x12c: {  	v46 =	vld.idx.msk [tilespmem:v38+s21+$0x0], $0xffff;
	v5 =	vadd.f32 v23, v5;
	v11 =	vmul.f32 v59, v59;
	v7 =	vadd.f32 v30, v29  }
0x12d: {  	v13 =	vld.idx.msk [tilespmem:v38+s22+$0x0], $0xffff;
	v6 =	vmul.f32 v36, v26;
	v12 =	vadd.f32 v45, v44;
	v52 =	vadd.f32 v49, v48  }
0x12e: {  	v54 =	vld [tilespmem:$0x390];
	v10 =	vsub.f32 v51, v10;
	v59 =	vor.u32 $0x37, v2;
	v56 =	vmul.f32 v43, v43  }
0x12f: {  	v30 =	vor.u32 $0x38, v2;
	v63 =	vmul.f32 v19, v43;
	v23 =	vld.idx.msk [tilespmem:v55+s21+$0x0], $0xffff;
	v33 =	vmul.f32 v19, v19  }
0x130: {  	v26 =	vld.idx.msk [tilespmem:v35+s21+$0x0], $0xffff;
	v3 =	vadd.f32 v8, v3;
	v8 =	vmul.f32 v9, v25;
	v11 =	vadd.f32 v14, v11  }
0x131: {  	v16 =	vld.idx.msk [tilespmem:v35+s22+$0x0], $0xffff;
	v4 =	vadd.f32 v7, v4;
	v7 =	vmul.f32 v10, v40;
	v40 =	vor.u32 $0x3C, v2  }
0x132: {  	v60 =	vld.idx.msk [tilespmem:v50+s21+$0x0], $0xffff;
	v3 =	vadd.f32 v3, v24;
	v57 =	vmul.f32 v46, v46;
	v28 =	vmul.f32 v13, v46  }
0x133: {  	v29 =	vld.idx.msk [tilespmem:v50+s22+$0x0], $0xffff;
	v5 =	vadd.f32 v11, v5;
	v15 =	vmul.f32 v19, v46;
	v11 =	vmul.f32 v13, v43  }
0x134: {  	v9 =	vld.idx.msk [tilespmem:v34+s22+$0x0], $0xffff;
	v24 =	vor.u32 $0x39, v2;
	v13 =	vmul.f32 v13, v13;
	v36 =	vmul.f32 v58, v58  }
0x135: {  	v38 =	vmul.f32 v62, v62;
	v21 =	vld.idx.msk [tilespmem:v47+s22+$0x0], $0xffff;
	v3 =	vadd.f32 v8, v3;
	v5 =	vadd.f32 v52, v5  }
0x136: {  	v20 =	vld.idx.msk [tilespmem:v30+s22+$0x0], $0xffff;
	v8 =	vmul.f32 v12, v39;
	v61 =	vadd.f32 v57, v56;
	v32 =	vsub.f32 v15, v11  }
0x137: {  	v31 =	vadd.f32 v28, v63;
	v11 =	vld.idx.msk [tilespmem:v55+s22+$0x0], $0xffff;
	v13 =	vadd.f32 v13, v33;
	v45 =	vmul.f32 v23, v23  }
0x138: {  	v12 =	vld.idx.msk [tilespmem:v30+s21+$0x0], $0xffff;
	v30 =	vmul.f32 v26, v26;
	v3 =	vadd.f32 v3, v6;
	v10 =	vmul.f32 v32, v54  }
0x139: {  	v15 =	vld.idx.msk [tilespmem:v59+s22+$0x0], $0xffff;
	v6 =	vadd.f32 v42, v41;
	v37 =	vmul.f32 v60, v60;
	v25 =	vmul.f32 v29, v29  }
0x13a: {  	v19 =	vld.idx.msk [tilespmem:v40+s22+$0x0], $0xffff;
	v5 =	vadd.f32 v13, v5;
	v41 =	vor.u32 $0x3D, v2;
	v42 =	vmul.f32 v62, v58  }
0x13b: {  	v43 =	vmul.f32 v29, v60;
	v44 =	vmul.f32 v29, v58;
	v29 =	vld.idx.msk [tilespmem:v40+s21+$0x0], $0xffff;
	v3 =	vadd.f32 v8, v3  }
0x13c: {  	v2 =	vor.u32 $0x3F, v2;
	v54 =	vmul.f32 v9, v9;
	v32 =	vmul.f32 v16, v16;
	v22 =	vld.idx.msk [tilespmem:v24+s21+$0x0], $0xffff  }
0x13d: {  	v4 =	vadd.f32 v6, v4;
	v8 =	vmul.f32 v31, v53;
	v3 =	vadd.f32 v3, v7;
	v7 =	vld.idx.msk [tilespmem:v59+s21+$0x0], $0xffff  }
0x13e: {  	v14 =	vld.idx.msk [tilespmem:v24+s22+$0x0], $0xffff;
	v39 =	vadd.f32 v37, v36;
	v6 =	vmul.f32 v62, v60;
	v13 =	vadd.f32 v43, v42  }
0x13f: {  	v51 =	vmul.f32 v20, v20;
	v36 =	vmul.f32 v21, v21;
	v18 =	vld.idx.msk [tilespmem:v41+s21+$0x0], $0xffff;
	v3 =	vadd.f32 v8, v3  }
0x140: {  	v56 =	vadd.f32 v32, v54;
	v27 =	vmul.f32 v11, v11;
	v28 =	vmul.f32 v15, v15;
	v24 =	vld.idx.msk [tilespmem:v41+s22+$0x0], $0xffff  }
0x141: {  	v49 =	vmul.f32 v12, v12;
	v8 =	vadd.f32 v25, v38;
	v3 =	vadd.f32 v3, v10;
	v10 =	vld.idx.msk [tilespmem:v34+s21+$0x0], $0xffff  }
0x142: {  	v4 =	vadd.f32 v61, v4;
	v48 =	vadd.f32 v28, v27;
	v28 =	vld.idx.msk [tilespmem:v47+s21+$0x0], $0xffff;
	v46 =	vmul.f32 v7, v7  }
0x143: {  	v60 =	vmul.f32 v19, v19;
	v31 =	vld.idx.msk [tilespmem:v2+s21+$0x0], $0xffff;
	v52 =	vmul.f32 v14, v14;
	v5 =	vadd.f32 v8, v5  }
0x144: {  	v2 =	vld.idx.msk [tilespmem:v2+s22+$0x0], $0xffff;
	v4 =	vadd.f32 v39, v4;
	v50 =	vmul.f32 v22, v22;
	v17 =	vadd.f32 v46, v45  }
0x145: {  	v58 =	vmul.f32 v29, v29;
	v8 =	vadd.f32 v52, v51;
	v5 =	vadd.f32 v48, v5  }
0x146: {  	v4 =	vadd.f32 v17, v4;
	v17 =	vadd.f32 v50, v49;
	v53 =	vmul.f32 v10, v10  }
0x147: {  	v59 =	vmul.f32 v18, v18;
	v61 =	vmul.f32 v24, v24;
	v5 =	vadd.f32 v8, v5  }
0x148: {  	v57 =	vld [tilespmem:$0x1A0];
	v63 =	vmul.f32 v28, v28;
	v4 =	vadd.f32 v17, v4;
	v55 =	vadd.f32 v30, v53  }
0x149: {  	v34 =	vmul.f32 v2, v2;
	v8 =	vadd.f32 v61, v60;
	v5 =	vadd.f32 v56, v5  }
0x14a: {  	v33 =	vmul.f32 v31, v31;
	v17 =	vadd.f32 v59, v58;
	v4 =	vadd.f32 v55, v4  }
0x14b: {  	v62 =	vld [tilespmem:$0x3A0];
	v38 =	vadd.f32 v34, v36;
	v5 =	vadd.f32 v8, v5  }
0x14c: {  	v43 =	vmul.f32 v15, v23;
	v37 =	vadd.f32 v33, v63;
	v4 =	vadd.f32 v17, v4  }
0x14d: {  	v6 =	vsub.f32 v6, v44;
	v13 =	vmul.f32 v13, v57;
	v5 =	vadd.f32 v38, v5  }
0x14e: {  	v44 =	vmul.f32 v20, v12;
	v39 =	vmul.f32 v11, v23;
	v4 =	vadd.f32 v37, v4  }
0x14f: {  	v20 =	vmul.f32 v20, v22;
	v12 =	vmul.f32 v14, v12;
	v5 =	vadd.f32 $1.000000000e+00, v5  }
0x150: {  	v6 =	vmul.f32 v6, v62;
	v62 =	vmul.f32 v16, v26;
	v4 =	vadd.f32 $1.000000000e+00, v4  }
0x151: {  	v12 =	vsub.f32 v20, v12;
	v50 =	vshra.s32 v5, $0x1;
	v51 =	vmul.f32 $5.000000000e-01, v5  }
0x152: {  	v54 =	vsub.s32 $0x5F3759DF, v50;
	v47 =	vshra.s32 v4, $0x1;
	v49 =	vmul.f32 $5.000000000e-01, v4  }
0x153: {  	v42 =	vld [tilespmem:$0x1B0];
	v40 =	vmul.f32 v15, v7;
	v30 =	vmul.f32 v54, v51;
	v53 =	vsub.s32 $0x5F3759DF, v47  }
0x154: {  	v52 =	vld [tilespmem:$0x3C0];
	v7 =	vmul.f32 v11, v7;
	v3 =	vadd.f32 v13, v3;
	v55 =	vmul.f32 v53, v49  }
0x155: {  	v35 =	vmul.f32 v24, v18;
	v41 =	vadd.f32 v40, v39;
	v45 =	vld [tilespmem:$0x3B0];
	v57 =	vmul.f32 v54, v30  }
0x156: {  	v46 =	vmul.f32 v14, v22;
	v3 =	vadd.f32 v3, v6;
	v6 =	vmul.f32 v53, v55  }
0x157: {  	v48 =	vld [tilespmem:$0x1C0];
	v7 =	vsub.f32 v7, v43;
	v43 =	vmul.f32 v19, v18;
	v60 =	vsub.f32 $1.500000000e+00, v57  }
0x158: {  	v61 =	vmul.f32 v9, v10;
	v8 =	vmul.f32 v41, v42;
	v6 =	vsub.f32 $1.500000000e+00, v6  }
0x159: {  	v56 =	vadd.f32 v46, v44;
	v59 =	vmul.f32 v12, v52;
	v12 =	vmul.f32 v54, v60  }
0x15a: {  	v7 =	vmul.f32 v7, v45;
	v3 =	vadd.f32 v8, v3;
	v6 =	vmul.f32 v53, v6  }
0x15b: {  	v63 =	vld [tilespmem:$0x1D0];
	v9 =	vmul.f32 v9, v26;
	v33 =	vmul.f32 v12, v51  }
0x15c: {  	v25 =	vld [tilespmem:$0x3D0];
	v58 =	vmul.f32 v56, v48;
	v3 =	vadd.f32 v3, v7;
	v30 =	vmul.f32 v6, v49  }
0x15d: {  	v10 =	vmul.f32 v16, v10;
	v37 =	vmul.f32 v33, v12  }
0x15e: {  	v13 =	vadd.f32 v62, v61;
	v3 =	vadd.f32 v58, v3;
	v36 =	vmul.f32 v30, v6  }
0x15f: {  	v34 =	vmul.f32 v19, v29;
	v26 =	vld [tilespmem:$0x1E0];
	v9 =	vsub.f32 v9, v10;
	v39 =	vsub.f32 $1.500000000e+00, v37  }
0x160: {  	v7 =	vmul.f32 v13, v63;
	v3 =	vadd.f32 v3, v59;
	v11 =	vsub.f32 $1.500000000e+00, v36  }
0x161: {  	v40 =	vmul.f32 v9, v25;
	v41 =	vmul.f32 v39, v12  }
0x162: {  	v38 =	vadd.f32 v35, v34;
	v3 =	vadd.f32 v7, v3;
	v6 =	vmul.f32 v11, v6  }
0x163: {  	v44 =	vmul.f32 v24, v29;
	v42 =	vld [tilespmem:$0x3E0];
	v47 =	vmul.f32 v41, v51  }
0x164: {  	v8 =	vmul.f32 v38, v26;
	v3 =	vadd.f32 v3, v40;
	v46 =	vmul.f32 v6, v49  }
0x165: {  	v45 =	vld [tilespmem:$0x1F0];
	v48 =	vmul.f32 v21, v28;
	v10 =	vsub.f32 v43, v44;
	v14 =	vmul.f32 v47, v41  }
0x166: {  	v50 =	vld [tilespmem:$0x3F0];
	v3 =	vadd.f32 v8, v3;
	v49 =	vmul.f32 v2, v31;
	v13 =	vmul.f32 v46, v6  }
0x167: {  	v51 =	vmul.f32 v21, v31;
	v2 =	vmul.f32 v2, v28;
	v53 =	vsub.f32 $1.500000000e+00, v14  }
0x168: {  	v7 =	vmul.f32 v10, v42;
	v8 =	vadd.f32 v49, v48;
	v52 =	vsub.f32 $1.500000000e+00, v13  }
0x169: {  	v2 =	vsub.f32 v51, v2;
	v54 =	vmul.f32 v53, v41  }
0x16a: {  	v3 =	vadd.f32 v3, v7;
	v8 =	vmul.f32 v8, v45;
	v6 =	vmul.f32 v52, v6  }
0x16b: {  	v2 =	vmul.f32 v2, v50  }
0x16c: {  	v5 =	vmul.f32 v54, v5;
	v3 =	vadd.f32 v8, v3;
	v4 =	vmul.f32 v6, v4;
	_ =	sdelay $0x1  }
0x16d: {  	v2 =	vadd.f32 v3, v2;
	v3 =	vmul.f32 v5, v4;
	_ =	sdelay $0x1  }
0x16e: {  	v2 =	vsub.f32 v3, v2;
	_ =	sdelay $0x1  }
0x16f: {  	v2 =	vmax.f32 v2, $1.000000120e+00  }
0x170: {  	v2 =	vadd.f32 $-1.000000000e+00, v2;
	_ =	sdelay $0x1  }
0x171: {  	v3 =	vadd.f32 $2.000000000e+00, v2;
	_ =	sdelay $0x1  }
0x172: {  	v3 =	vmul.f32 v3, v2;
	_ =	sdelay $0x1  }
0x173: {  	v55 =	vshra.s32 v3, $0x1;
	v56 =	vmul.f32 $5.000000000e-01, v3  }
0x174: {  	v4 =	vsub.s32 $0x5F3759DF, v55  }
0x175: {  	v57 =	vmul.f32 v4, v56;
	_ =	sdelay $0x1  }
0x176: {  	v6 =	vmul.f32 v4, v57;
	_ =	sdelay $0x1  }
0x177: {  	v6 =	vsub.f32 $1.500000000e+00, v6;
	_ =	sdelay $0x1  }
0x178: {  	v4 =	vmul.f32 v4, v6;
	_ =	sdelay $0x1  }
0x179: {  	v6 =	vmul.f32 v4, v56;
	_ =	sdelay $0x1  }
0x17a: {  	v6 =	vmul.f32 v6, v4;
	_ =	sdelay $0x1  }
0x17b: {  	v6 =	vsub.f32 $1.500000000e+00, v6;
	_ =	sdelay $0x1  }
0x17c: {  	v4 =	vmul.f32 v6, v4;
	_ =	sdelay $0x1  }
0x17d: {  	v5 =	vmul.f32 v4, v56;
	_ =	sdelay $0x1  }
0x17e: {  	v5 =	vmul.f32 v5, v4;
	_ =	sdelay $0x1  }
0x17f: {  	v5 =	vsub.f32 $1.500000000e+00, v5;
	_ =	sdelay $0x1  }
0x180: {  	v4 =	vmul.f32 v5, v4;
	_ =	sdelay $0x1  }
0x181: {  	v3 =	vmul.f32 v4, v3;
	_ =	sdelay $0x1  }
0x182: {  	v2 =	vadd.f32 v3, v2;
	_ =	sdelay $0x1  }
0x183: {  	v2 =	vadd.f32 $1.000000000e+00, v2;
	_ =	sdelay $0x1  }
0x184: {  	v3 =	vand.u32 $0x7FFFFF, v2  }
0x185: {  	v3 =	vor.u32 $0x3F800000, v3  }
0x186: {  	v58 =	vmul.f32 $5.000000000e-01, v3  }
0x187: {  	vm0 =	vgt.f32 v3, $1.414213540e+00  }
0x188: {  	v3 =	vsel vm0, v58, v3  }
0x189: {  	v4 =	vadd.f32 $1.000000000e+00, v3;
	_ =	sdelay $0x1  }
0x18a: {  	(erf) = vrcp.f32 v4;
	_ =	sdelay $0x7  }
0x18b: {  	v3 =	vadd.f32 $-1.000000000e+00, v3  }
0x18c: {  	v4 =	vpop (erf)  }
0x18d: {  	v3 =	vmul.f32 v4, v3;
	_ =	sdelay $0x1  }
0x18e: {  	v4 =	vmul.f32 v3, v3;
	_ =	sdelay $0x1  }
0x18f: {  	v59 =	vmul.f32 $1.111111120e-01, v4;
	_ =	sdelay $0x1  }
0x190: {  	v5 =	vmul.f32 v59, v4;
	_ =	sdelay $0x1  }
0x191: {  	v5 =	vadd.f32 $1.428571490e-01, v5;
	_ =	sdelay $0x1  }
0x192: {  	v5 =	vmul.f32 v5, v4;
	_ =	sdelay $0x1  }
0x193: {  	v5 =	vadd.f32 $2.000000030e-01, v5;
	_ =	sdelay $0x1  }
0x194: {  	v5 =	vmul.f32 v5, v4;
	_ =	sdelay $0x1  }
0x195: {  	v5 =	vadd.f32 $3.333333430e-01, v5  }
0x196: {  	v2 =	vshra.s32 v2, $0x17;
	v60 =	vsel vm0, $0x1, v1  }
0x197: {  	v2 =	vadd.s32 v60, v2;
	v4 =	vmul.f32 v5, v4  }
0x198: {  	v61 =	vld [tilespmem:s29+$0x0];
	v2 =	vadd.s32 $0xFFFFFF81, v2  }
0x199: {  	v2 =	vcvt.s32.f32 v2;
	v3 =	vadd.f32 v3, v3;
	v4 =	vadd.f32 $1.000000000e+00, v4;
	_ =	sdelay $0x1  }
0x19a: {  	v2 =	vmul.f32 $6.931471820e-01, v2;
	v3 =	vmul.f32 v4, v3;
	_ =	sdelay $0x1  }
0x19b: {  	v2 =	vadd.f32 v3, v2;
	v3 =	vsub.f32 $0.0e+00, v61  }
0x19c: {  	v62 =	vld [tilespmem:s30+$0x0]  }
0x19d: {  	v3 =	vmul.f32 v2, v3  }
0x19e: {  	v63 =	vld [tilespmem:s31+$0x0]  }
0x19f: {  	v2 =	vmul.f32 v3, v2  }
0x1a0: {  	p0 =	sne.s32 s2, $0x1F0  }
.Ltmp0:
0x1a1: {  	v2 =	vadd.f32 v2, v62;
	(pc) =	sbr.rel @p0 .LBB2_2-.Ltmp0, $4  }
0x1a2: {  	_ = 	snop  }
0x1a3: {  	v2 =	vadd.f32 v2, v63  }
0x1a4: {  	s2 =	sadd.s32 $0x10, s2;
	s29 =	sadd.s32 $0x10, s29  }
0x1a5: {  	s30 =	sadd.s32 $0x10, s30;
	s31 =	sadd.s32 $0x10, s31;
	[tilespmem:s0+$0x0] =	vst v2;
	s0 =	sadd.s32 $0x10, s0  }
0x1a6: {  	s28 =	sadd.s32 $0x1, s28  }
0x1a7: {  	p0 =	sne.s32 s28, s13  }
.Ltmp1:
0x1a8: {  	_ = 	snop;
	(pc) =	sbr.rel @p0 .LBB2_1-.Ltmp1, $4  }
0x1a9: {  	[hbm4b:s12+s3] =	stream.linear.scatter [tilespmem:s26], [sflag:$0x2], $0x200, $0x38;
	[tilespmem:$0x11400] =	vst v63  }
0x1aa: {  	_ =	swait.ge [sflag:s14], $0x200  }
0x1ab: {  	[sflag:s14] =	ssyncset.done $0x0  }
0x1ac: {  	[sflag:s14] =	ssyncadd.s32 $0xFFFFFE00  }
0x1ad: {  	_ =	sfence.sel $0x180000  }
0x1ae: {  	[bflag:$0x0] =	sbarrier.arrive $0xFFFF  }
0x1af: {  	_ =	strace $0x90000047  }
0x1b0: {  	s0 =	stileid.u32;
	[bflag:$0x2] =	sbarrier.arrive $0xFFFF  }
0x1b1: {  	p0 =	sne.s32 s0, $0x0;
	s0 =	rddreg [dreg:$0x6]  }
0x1b2: {  	s0 =	sadd.s32 @!p0 $0x100000, s0  }
0x1b3: {  	[sflag:s0] =	ssyncadd.tile.s32 @!p0 $0x1;
	_ =	shalt  }
.Lfunc_end2:
_tile_overlayer_lowered:
.L_overlay_start_2:
0x1b4: {  	(tag) =	ssettag $0x2  }
0x1b5: {  	s0 =	rddreg [dreg:$0x0];
	s2 =	stileid.u32  }
0x1b6: {  	s1 =	rddreg [dreg:$0x1];
	p0 =	sne.s32 s2, $0x0  }
0x1b7: {  	s3 =	rddreg [dreg:$0x2];
	[bflag:$0x3] =	sbarrier.arrive $0xFFFF;
	s2 =	simm.s32 @!p0 $0x1C02  }
0x1b8: {  	[timem:s3], [sflag:s2] =	dma.local @!p0 [hbm:s0], s1  }
0x1b9: {  	s0 =	simm.s32 @!p0 $0x2  }
0x1ba: {  	_ =	swait.ge @!p0 [sflag:s0], s1  }
0x1bb: {  	s1 =	ssub.s32 @!p0 $0x0, s1;
	[sflag:s0] =	ssyncset.done @!p0 $0x0  }
0x1bc: {  	[sflag:s0] =	ssyncadd.s32 @!p0 s1  }
0x1bd: {  	[bflag:$0x3] =	sbarrier.arrive $0xFFFF  }
0x1be: {  	_ =	shalt  }

</sc_bundles>
